<compile_context>
chip_gen: v7x
topology: tpu7x:2x2x1
jax: 0.10.2.dev20260603
libtpu: 0.0.44.dev20260713+nightly
codegen_flags: <defaults>
</compile_context>

<pallas_src>
import functools

import jax
import jax.numpy as jnp
from jax import lax
from jax.experimental import pallas as pl
from jax.experimental.pallas import tpu as pltpu
from jax.experimental.pallas import tpu_sc as plsc

NUM_EMB = 1000000
DIM = 16
BATCH = 16384
HIST = 20
NPOS = BATCH * HIST
NTC = (NUM_EMB + 127) // 128
NC = 2
NS = 16
FPC = DIM // NC
PPT = NPOS // NS
GCH = 4096
NGCH = PPT // GCH


def _tc_sample_kl(mu_t, ls_t, eps_t):
    bc = 16384
    grid = (NUM_EMB + bc - 1) // bc

    def body(mu_ref, ls_ref, eps_ref, w_ref, acc_ref):
        i = pl.program_id(0)
        m = mu_ref[...]
        l = ls_ref[...]
        e = eps_ref[...]
        sig = jnp.exp(l)
        wt = m + sig * e
        w_ref[...] = wt.reshape(2, 8, bc // 128, 128).transpose(0, 2, 1, 3)
        col = i * bc + lax.broadcasted_iota(jnp.int32, (DIM, bc), 1)
        term = jnp.where(col < NUM_EMB,
                         sig * sig + m * m - 1.0 - 2.0 * l, 0.0)

        @pl.when(i == 0)
        def _():
            acc_ref[...] = jnp.zeros((1, 1), jnp.float32)

        acc_ref[...] += jnp.sum(term).reshape(1, 1)

    return pl.pallas_call(
        body,
        grid=(grid,),
        in_specs=[
            pl.BlockSpec((DIM, bc), lambda i: (0, i)),
            pl.BlockSpec((DIM, bc), lambda i: (0, i)),
            pl.BlockSpec((DIM, bc), lambda i: (0, i)),
        ],
        out_specs=[
            pl.BlockSpec((2, bc // 128, 8, 128), lambda i: (0, i, 0, 0)),
            pl.BlockSpec((1, 1), lambda i: (0, 0)),
        ],
        out_shape=[
            jax.ShapeDtypeStruct((2, NTC, 8, 128), jnp.float32),
            jax.ShapeDtypeStruct((1, 1), jnp.float32),
        ],
    )(mu_t, ls_t, eps_t)


def _sc_gather(w_flat, idx_flat):
    mesh = plsc.VectorSubcoreMesh(
        core_axis_name="c", subcore_axis_name="s",
        num_cores=NC, num_subcores=NS)

    @functools.partial(
        pl.kernel,
        mesh=mesh,
        compiler_params=pltpu.CompilerParams(use_tc_tiling_on_sc=False),
        out_type=jax.ShapeDtypeStruct((DIM * NPOS,), jnp.float32),
        scratch_types=[
            pltpu.VMEM((PPT,), jnp.int32),
            pltpu.VMEM((PPT,), jnp.int32),
            pltpu.VMEM((GCH,), jnp.float32),
            pltpu.VMEM((GCH,), jnp.float32),
            pltpu.SemaphoreType.DMA,
            pltpu.SemaphoreType.DMA,
        ],
    )
    def k(w_hbm, idx_hbm, out_hbm, idx_v, idx1_v, gb0, gb1, sem0, sem1):
        c = lax.axis_index("c")
        t = lax.axis_index("s")
        pltpu.sync_copy(idx_hbm.at[pl.ds(t * PPT, PPT)], idx_v)
        nv = PPT // DIM

        def xform(r, carry):
            iv = idx_v[pl.ds(r * DIM, DIM)]
            idx_v[pl.ds(r * DIM, DIM)] = (iv >> 7) * 1024 + (iv & 127)
            return carry

        lax.fori_loop(0, nv, xform, 0, unroll=8)
        bufs = (gb0, gb1)
        sems = (sem0, sem1)

        for kf in range(FPC):
            off_f = c * (NTC * 1024) + kf * 128

            def shift(r, carry, _off=off_f, _kf=kf):
                iv = idx_v[pl.ds(r * DIM, DIM)]
                if _kf == 0:
                    idx1_v[pl.ds(r * DIM, DIM)] = iv + _off
                else:
                    idx1_v[pl.ds(r * DIM, DIM)] = (
                        idx1_v[pl.ds(r * DIM, DIM)] + 128)
                return carry

            lax.fori_loop(0, nv, shift, 0, unroll=8)
            obase = (c * FPC + kf) * NPOS + t * PPT
            cps = [None, None]
            for j in range(NGCH + 1):
                if j < NGCH:
                    cps[j % 2] = pltpu.async_copy(
                        w_hbm.at[idx1_v.at[pl.ds(j * GCH, GCH)]],
                        bufs[j % 2], sems[j % 2])
                if j > 0:
                    cps[(j - 1) % 2].wait()
                    pltpu.sync_copy(
                        bufs[(j - 1) % 2],
                        out_hbm.at[pl.ds(obase + (j - 1) * GCH, GCH)])

    return k(w_flat, idx_flat)


def kernel(input, mu, log_sigma, eps):
    w4, kl_acc = _tc_sample_kl(mu.T, log_sigma.T, eps.T)
    idx_flat = input.T.reshape(-1)
    out_fm = _sc_gather(w4.reshape(-1), idx_flat)
    embedding = out_fm.reshape(DIM, HIST, BATCH).transpose(2, 1, 0)
    kl = 0.5 * kl_acc[0, 0]
    return (embedding, kl)

# --- scband reference (transcript-rebuilt; emitter-appended) ---
"""Pipeline reference for scband-embedding-13477607375864 (READ-ONLY COPY).

The authoritative reference and input builder live on the scoring server;
editing this copy changes nothing except your own understanding.
"""

import jax, jax.numpy as jnp
import numpy as np

NUM_EMBEDDINGS = 1000000
EMBEDDING_DIM = 16
BATCH = 16384
HIST = 20


def setup_inputs(seed: int = 0) -> dict:
    key = jax.random.key(seed)
    k_idx, k_mu, k_rho, k_eps = jax.random.split(key, 4)
    input = jax.random.randint(k_idx, (BATCH, HIST), 0, NUM_EMBEDDINGS, dtype=jnp.int64 if jax.config.jax_enable_x64 else jnp.int32).astype(jnp.int32)
    # Mean-field Normal posterior parameters q(w) = N(mu, exp(log_sigma)^2)
    mu = jax.random.normal(k_mu, (NUM_EMBEDDINGS, EMBEDDING_DIM), dtype=jnp.float32) * 0.05
    log_sigma = jnp.full((NUM_EMBEDDINGS, EMBEDDING_DIM), -3.0, dtype=jnp.float32) + 0.1 * jax.random.normal(k_rho, (NUM_EMBEDDINGS, EMBEDDING_DIM), dtype=jnp.float32)
    # Reparameterization noise for rsample (fixed for determinism)
    eps = jax.random.normal(k_eps, (NUM_EMBEDDINGS, EMBEDDING_DIM), dtype=jnp.float32)
    return {"input": input, "mu": mu, "log_sigma": log_sigma, "eps": eps}


def reference(input, mu, log_sigma, eps):
    # weight_posterior.rsample(): w = mu + sigma * eps
    sigma = jnp.exp(log_sigma)
    w = mu + sigma * eps
    # F.embedding(input, w) with padding_idx=None, max_norm=None -> plain gather
    embedding = jnp.take(w, input, axis=0)
    # KL( N(mu, sigma) || N(0, 1) ) summed over all table entries
    kl = 0.5 * jnp.sum(sigma * sigma + mu * mu - 1.0 - 2.0 * log_sigma)
    return (embedding, kl)

if __name__ == "__main__":
    import jax
    _d = setup_inputs()
    print(jax.jit(kernel)(*tuple(_d.values())))

</pallas_src>

<mosaic_0001>
#map = affine_map<(d0, d1) -> (0)>
module attributes {stable_mosaic.version = 14 : i64} {
  func.func @k(%arg0: i32, %arg1: i32, %arg2: memref<16001024xf32, #tpu.memory_space<hbm>>, %arg3: memref<327680xi32, #tpu.memory_space<hbm>>, %arg4: memref<5242880xf32, #tpu.memory_space<hbm>>, %arg5: memref<20480xi32, #tpu.memory_space<vmem>>, %arg6: memref<20480xi32, #tpu.memory_space<vmem>>, %arg7: memref<4096xf32, #tpu.memory_space<vmem>>, %arg8: memref<4096xf32, #tpu.memory_space<vmem>>, %arg9: memref<!tpu.dma_semaphore, #tpu.memory_space<semaphore_mem>>, %arg10: memref<!tpu.dma_semaphore, #tpu.memory_space<semaphore_mem>>) attributes {dimension_semantics = [#tpu.dimension_semantics<core_parallel>, #tpu.dimension_semantics<subcore_parallel>], iteration_bounds = array<i64: 2, 16>, scalar_prefetch = 0 : i64, scratch_operands = 6 : i64, tpu.core_type = #tpu.core_type<sc_vector_subcore>, window_params = [{transform_indices = #map}, {transform_indices = #map}, {transform_indices = #map}]} {
    %mul3A = arith.constant 20480 : i32
    %mul3A_0 = arith.muli %arg1, %mul3A : i32
    "tpu.region"() ({
      %run_scoped3A = tpu.sem_alloc : memref<!tpu.dma_semaphore, #tpu.memory_space<semaphore_mem>>
      %dma_start3A_555 = tpu.memref_slice %arg3[%mul3A_0] : memref<327680xi32, #tpu.memory_space<hbm>> -> memref<20480xi32, #tpu.memory_space<hbm>>
      %dma_start3A_556 = tpu.memref_slice %arg3[%mul3A_0] : memref<327680xi32, #tpu.memory_space<hbm>> -> memref<20480xi32, #tpu.memory_space<hbm>>
      tpu.enqueue_dma source(%dma_start3A_556 : memref<20480xi32, #tpu.memory_space<hbm>>) target(%arg5 : memref<20480xi32, #tpu.memory_space<vmem>>) target_semaphore(%run_scoped3A : memref<!tpu.dma_semaphore, #tpu.memory_space<semaphore_mem>>)
      %dma_wait3A_557 = tpu.memref_slice %arg3[%mul3A_0] : memref<327680xi32, #tpu.memory_space<hbm>> -> memref<20480xi32, #tpu.memory_space<hbm>>
      %dma_wait3A_558 = tpu.memref_slice %arg3[%mul3A_0] : memref<327680xi32, #tpu.memory_space<hbm>> -> memref<20480xi32, #tpu.memory_space<hbm>>
      tpu.wait_dma2 semaphore(%run_scoped3A : memref<!tpu.dma_semaphore, #tpu.memory_space<semaphore_mem>>) src(%dma_wait3A_558 : memref<20480xi32, #tpu.memory_space<hbm>>) dst(%arg5 : memref<20480xi32, #tpu.memory_space<vmem>>)
      tpu.yield
    }) : () -> ()
    %scan3A = arith.constant 0 : i32
    %scan3A_1 = arith.constant 0 : i32
    %scan3A_2 = arith.constant 1280 : i32
    %scan3A_3 = arith.addi %scan3A_1, %scan3A_2 : i32
    %scan3A_4 = arith.constant 8 : i32
    scf.for %scan3A_555 = %scan3A_1 to %scan3A_3 step %scan3A_4  : i32 {
      %mul3A_556 = arith.constant 16 : i32
      %mul3A_557 = arith.muli %scan3A_555, %mul3A_556 : i32
      %get3A = arith.index_cast %mul3A_557 : i32 to index
      %get3A_558 = tpu.vector_load %arg5[%get3A] {strides = array<i32>} : memref<20480xi32, #tpu.memory_space<vmem>>, vector<16xi32>,
      %get3A_559 = vector.shape_cast %get3A_558 : vector<16xi32> to vector<16xi32>
      %shift_right_arithmetic3A = arith.constant 7 : i32
      %shift_right_arithmetic3A_560 = vector.broadcast %shift_right_arithmetic3A : i32 to vector<16xi32>
      %shift_right_arithmetic3A_561 = arith.shrsi %get3A_559, %shift_right_arithmetic3A_560 : vector<16xi32>
      %mul3A_562 = arith.constant 1024 : i32
      %mul3A_563 = vector.broadcast %mul3A_562 : i32 to vector<16xi32>
      %mul3A_564 = arith.muli %shift_right_arithmetic3A_561, %mul3A_563 : vector<16xi32>
      %and3A = arith.constant 127 : i32
      %and3A_565 = vector.broadcast %and3A : i32 to vector<16xi32>
      %and3A_566 = arith.andi %get3A_559, %and3A_565 : vector<16xi32>
      %add3A_567 = arith.addi %mul3A_564, %and3A_566 : vector<16xi32>
      %mul3A_568 = arith.constant 16 : i32
      %mul3A_569 = arith.muli %scan3A_555, %mul3A_568 : i32
      %swap3A = arith.index_cast %mul3A_569 : i32 to index
      %swap3A_570 = tpu.vector_load %arg5[%swap3A] {strides = array<i32>} : memref<20480xi32, #tpu.memory_space<vmem>>, vector<16xi32>,
      %swap3A_571 = vector.shape_cast %swap3A_570 : vector<16xi32> to vector<16xi32>
      %swap3A_572 = vector.shape_cast %add3A_567 : vector<16xi32> to vector<16xi32>
      tpu.vector_store %arg5[%swap3A], %swap3A_572 {strides = array<i32>} : memref<20480xi32, #tpu.memory_space<vmem>>, vector<16xi32>,
      %scan3A_573 = arith.constant 1 : i32
      %scan3A_574 = arith.addi %scan3A_555, %scan3A_573 : i32
      %mul3A_575 = arith.constant 16 : i32
      %mul3A_576 = arith.muli %scan3A_574, %mul3A_575 : i32
      %get3A_577 = arith.index_cast %mul3A_576 : i32 to index
      %get3A_578 = tpu.vector_load %arg5[%get3A_577] {strides = array<i32>} : memref<20480xi32, #tpu.memory_space<vmem>>, vector<16xi32>,
      %get3A_579 = vector.shape_cast %get3A_578 : vector<16xi32> to vector<16xi32>
      %shift_right_arithmetic3A_580 = arith.constant 7 : i32
      %shift_right_arithmetic3A_581 = vector.broadcast %shift_right_arithmetic3A_580 : i32 to vector<16xi32>
      %shift_right_arithmetic3A_582 = arith.shrsi %get3A_579, %shift_right_arithmetic3A_581 : vector<16xi32>
      %mul3A_583 = arith.constant 1024 : i32
      %mul3A_584 = vector.broadcast %mul3A_583 : i32 to vector<16xi32>
      %mul3A_585 = arith.muli %shift_right_arithmetic3A_582, %mul3A_584 : vector<16xi32>
      %and3A_586 = arith.constant 127 : i32
      %and3A_587 = vector.broadcast %and3A_586 : i32 to vector<16xi32>
      %and3A_588 = arith.andi %get3A_579, %and3A_587 : vector<16xi32>
      %add3A_589 = arith.addi %mul3A_585, %and3A_588 : vector<16xi32>
      %mul3A_590 = arith.constant 16 : i32
      %mul3A_591 = arith.muli %scan3A_574, %mul3A_590 : i32
      %swap3A_592 = arith.index_cast %mul3A_591 : i32 to index
      %swap3A_593 = tpu.vector_load %arg5[%swap3A_592] {strides = array<i32>} : memref<20480xi32, #tpu.memory_space<vmem>>, vector<16xi32>,
      %swap3A_594 = vector.shape_cast %swap3A_593 : vector<16xi32> to vector<16xi32>
      %swap3A_595 = vector.shape_cast %add3A_589 : vector<16xi32> to vector<16xi32>
      tpu.vector_store %arg5[%swap3A_592], %swap3A_595 {strides = array<i32>} : memref<20480xi32, #tpu.memory_space<vmem>>, vector<16xi32>,
      %scan3A_596 = arith.constant 2 : i32
      %scan3A_597 = arith.addi %scan3A_555, %scan3A_596 : i32
      %mul3A_598 = arith.constant 16 : i32
      %mul3A_599 = arith.muli %scan3A_597, %mul3A_598 : i32
      %get3A_600 = arith.index_cast %mul3A_599 : i32 to index
      %get3A_601 = tpu.vector_load %arg5[%get3A_600] {strides = array<i32>} : memref<20480xi32, #tpu.memory_space<vmem>>, vector<16xi32>,
      %get3A_602 = vector.shape_cast %get3A_601 : vector<16xi32> to vector<16xi32>
      %shift_right_arithmetic3A_603 = arith.constant 7 : i32
      %shift_right_arithmetic3A_604 = vector.broadcast %shift_right_arithmetic3A_603 : i32 to vector<16xi32>
      %shift_right_arithmetic3A_605 = arith.shrsi %get3A_602, %shift_right_arithmetic3A_604 : vector<16xi32>
      %mul3A_606 = arith.constant 1024 : i32
      %mul3A_607 = vector.broadcast %mul3A_606 : i32 to vector<16xi32>
      %mul3A_608 = arith.muli %shift_right_arithmetic3A_605, %mul3A_607 : vector<16xi32>
      %and3A_609 = arith.constant 127 : i32
      %and3A_610 = vector.broadcast %and3A_609 : i32 to vector<16xi32>
      %and3A_611 = arith.andi %get3A_602, %and3A_610 : vector<16xi32>
      %add3A_612 = arith.addi %mul3A_608, %and3A_611 : vector<16xi32>
      %mul3A_613 = arith.constant 16 : i32
      %mul3A_614 = arith.muli %scan3A_597, %mul3A_613 : i32
      %swap3A_615 = arith.index_cast %mul3A_614 : i32 to index
      %swap3A_616 = tpu.vector_load %arg5[%swap3A_615] {strides = array<i32>} : memref<20480xi32, #tpu.memory_space<vmem>>, vector<16xi32>,
      %swap3A_617 = vector.shape_cast %swap3A_616 : vector<16xi32> to vector<16xi32>
      %swap3A_618 = vector.shape_cast %add3A_612 : vector<16xi32> to vector<16xi32>
      tpu.vector_store %arg5[%swap3A_615], %swap3A_618 {strides = array<i32>} : memref<20480xi32, #tpu.memory_space<vmem>>, vector<16xi32>,
      %scan3A_619 = arith.constant 3 : i32
      %scan3A_620 = arith.addi %scan3A_555, %scan3A_619 : i32
      %mul3A_621 = arith.constant 16 : i32
      %mul3A_622 = arith.muli %scan3A_620, %mul3A_621 : i32
      %get3A_623 = arith.index_cast %mul3A_622 : i32 to index
      %get3A_624 = tpu.vector_load %arg5[%get3A_623] {strides = array<i32>} : memref<20480xi32, #tpu.memory_space<vmem>>, vector<16xi32>,
      %get3A_625 = vector.shape_cast %get3A_624 : vector<16xi32> to vector<16xi32>
      %shift_right_arithmetic3A_626 = arith.constant 7 : i32
      %shift_right_arithmetic3A_627 = vector.broadcast %shift_right_arithmetic3A_626 : i32 to vector<16xi32>
      %shift_right_arithmetic3A_628 = arith.shrsi %get3A_625, %shift_right_arithmetic3A_627 : vector<16xi32>
      %mul3A_629 = arith.constant 1024 : i32
      %mul3A_630 = vector.broadcast %mul3A_629 : i32 to vector<16xi32>
      %mul3A_631 = arith.muli %shift_right_arithmetic3A_628, %mul3A_630 : vector<16xi32>
      %and3A_632 = arith.constant 127 : i32
      %and3A_633 = vector.broadcast %and3A_632 : i32 to vector<16xi32>
      %and3A_634 = arith.andi %get3A_625, %and3A_633 : vector<16xi32>
      %add3A_635 = arith.addi %mul3A_631, %and3A_634 : vector<16xi32>
      %mul3A_636 = arith.constant 16 : i32
      %mul3A_637 = arith.muli %scan3A_620, %mul3A_636 : i32
      %swap3A_638 = arith.index_cast %mul3A_637 : i32 to index
      %swap3A_639 = tpu.vector_load %arg5[%swap3A_638] {strides = array<i32>} : memref<20480xi32, #tpu.memory_space<vmem>>, vector<16xi32>,
      %swap3A_640 = vector.shape_cast %swap3A_639 : vector<16xi32> to vector<16xi32>
      %swap3A_641 = vector.shape_cast %add3A_635 : vector<16xi32> to vector<16xi32>
      tpu.vector_store %arg5[%swap3A_638], %swap3A_641 {strides = array<i32>} : memref<20480xi32, #tpu.memory_space<vmem>>, vector<16xi32>,
      %scan3A_642 = arith.constant 4 : i32
      %scan3A_643 = arith.addi %scan3A_555, %scan3A_642 : i32
      %mul3A_644 = arith.constant 16 : i32
      %mul3A_645 = arith.muli %scan3A_643, %mul3A_644 : i32
      %get3A_646 = arith.index_cast %mul3A_645 : i32 to index
      %get3A_647 = tpu.vector_load %arg5[%get3A_646] {strides = array<i32>} : memref<20480xi32, #tpu.memory_space<vmem>>, vector<16xi32>,
      %get3A_648 = vector.shape_cast %get3A_647 : vector<16xi32> to vector<16xi32>
      %shift_right_arithmetic3A_649 = arith.constant 7 : i32
      %shift_right_arithmetic3A_650 = vector.broadcast %shift_right_arithmetic3A_649 : i32 to vector<16xi32>
      %shift_right_arithmetic3A_651 = arith.shrsi %get3A_648, %shift_right_arithmetic3A_650 : vector<16xi32>
      %mul3A_652 = arith.constant 1024 : i32
      %mul3A_653 = vector.broadcast %mul3A_652 : i32 to vector<16xi32>
      %mul3A_654 = arith.muli %shift_right_arithmetic3A_651, %mul3A_653 : vector<16xi32>
      %and3A_655 = arith.constant 127 : i32
      %and3A_656 = vector.broadcast %and3A_655 : i32 to vector<16xi32>
      %and3A_657 = arith.andi %get3A_648, %and3A_656 : vector<16xi32>
      %add3A_658 = arith.addi %mul3A_654, %and3A_657 : vector<16xi32>
      %mul3A_659 = arith.constant 16 : i32
      %mul3A_660 = arith.muli %scan3A_643, %mul3A_659 : i32
      %swap3A_661 = arith.index_cast %mul3A_660 : i32 to index
      %swap3A_662 = tpu.vector_load %arg5[%swap3A_661] {strides = array<i32>} : memref<20480xi32, #tpu.memory_space<vmem>>, vector<16xi32>,
      %swap3A_663 = vector.shape_cast %swap3A_662 : vector<16xi32> to vector<16xi32>
      %swap3A_664 = vector.shape_cast %add3A_658 : vector<16xi32> to vector<16xi32>
      tpu.vector_store %arg5[%swap3A_661], %swap3A_664 {strides = array<i32>} : memref<20480xi32, #tpu.memory_space<vmem>>, vector<16xi32>,
      %scan3A_665 = arith.constant 5 : i32
      %scan3A_666 = arith.addi %scan3A_555, %scan3A_665 : i32
      %mul3A_667 = arith.constant 16 : i32
      %mul3A_668 = arith.muli %scan3A_666, %mul3A_667 : i32
      %get3A_669 = arith.index_cast %mul3A_668 : i32 to index
      %get3A_670 = tpu.vector_load %arg5[%get3A_669] {strides = array<i32>} : memref<20480xi32, #tpu.memory_space<vmem>>, vector<16xi32>,
      %get3A_671 = vector.shape_cast %get3A_670 : vector<16xi32> to vector<16xi32>
      %shift_right_arithmetic3A_672 = arith.constant 7 : i32
      %shift_right_arithmetic3A_673 = vector.broadcast %shift_right_arithmetic3A_672 : i32 to vector<16xi32>
      %shift_right_arithmetic3A_674 = arith.shrsi %get3A_671, %shift_right_arithmetic3A_673 : vector<16xi32>
      %mul3A_675 = arith.constant 1024 : i32
      %mul3A_676 = vector.broadcast %mul3A_675 : i32 to vector<16xi32>
      %mul3A_677 = arith.muli %shift_right_arithmetic3A_674, %mul3A_676 : vector<16xi32>
      %and3A_678 = arith.constant 127 : i32
      %and3A_679 = vector.broadcast %and3A_678 : i32 to vector<16xi32>
      %and3A_680 = arith.andi %get3A_671, %and3A_679 : vector<16xi32>
      %add3A_681 = arith.addi %mul3A_677, %and3A_680 : vector<16xi32>
      %mul3A_682 = arith.constant 16 : i32
      %mul3A_683 = arith.muli %scan3A_666, %mul3A_682 : i32
      %swap3A_684 = arith.index_cast %mul3A_683 : i32 to index
      %swap3A_685 = tpu.vector_load %arg5[%swap3A_684] {strides = array<i32>} : memref<20480xi32, #tpu.memory_space<vmem>>, vector<16xi32>,
      %swap3A_686 = vector.shape_cast %swap3A_685 : vector<16xi32> to vector<16xi32>
      %swap3A_687 = vector.shape_cast %add3A_681 : vector<16xi32> to vector<16xi32>
      tpu.vector_store %arg5[%swap3A_684], %swap3A_687 {strides = array<i32>} : memref<20480xi32, #tpu.memory_space<vmem>>, vector<16xi32>,
      %scan3A_688 = arith.constant 6 : i32
      %scan3A_689 = arith.addi %scan3A_555, %scan3A_688 : i32
      %mul3A_690 = arith.constant 16 : i32
      %mul3A_691 = arith.muli %scan3A_689, %mul3A_690 : i32
      %get3A_692 = arith.index_cast %mul3A_691 : i32 to index
      %get3A_693 = tpu.vector_load %arg5[%get3A_692] {strides = array<i32>} : memref<20480xi32, #tpu.memory_space<vmem>>, vector<16xi32>,
      %get3A_694 = vector.shape_cast %get3A_693 : vector<16xi32> to vector<16xi32>
      %shift_right_arithmetic3A_695 = arith.constant 7 : i32
      %shift_right_arithmetic3A_696 = vector.broadcast %shift_right_arithmetic3A_695 : i32 to vector<16xi32>
      %shift_right_arithmetic3A_697 = arith.shrsi %get3A_694, %shift_right_arithmetic3A_696 : vector<16xi32>
      %mul3A_698 = arith.constant 1024 : i32
      %mul3A_699 = vector.broadcast %mul3A_698 : i32 to vector<16xi32>
      %mul3A_700 = arith.muli %shift_right_arithmetic3A_697, %mul3A_699 : vector<16xi32>
      %and3A_701 = arith.constant 127 : i32
      %and3A_702 = vector.broadcast %and3A_701 : i32 to vector<16xi32>
      %and3A_703 = arith.andi %get3A_694, %and3A_702 : vector<16xi32>
      %add3A_704 = arith.addi %mul3A_700, %and3A_703 : vector<16xi32>
      %mul3A_705 = arith.constant 16 : i32
      %mul3A_706 = arith.muli %scan3A_689, %mul3A_705 : i32
      %swap3A_707 = arith.index_cast %mul3A_706 : i32 to index
      %swap3A_708 = tpu.vector_load %arg5[%swap3A_707] {strides = array<i32>} : memref<20480xi32, #tpu.memory_space<vmem>>, vector<16xi32>,
      %swap3A_709 = vector.shape_cast %swap3A_708 : vector<16xi32> to vector<16xi32>
      %swap3A_710 = vector.shape_cast %add3A_704 : vector<16xi32> to vector<16xi32>
      tpu.vector_store %arg5[%swap3A_707], %swap3A_710 {strides = array<i32>} : memref<20480xi32, #tpu.memory_space<vmem>>, vector<16xi32>,
      %scan3A_711 = arith.constant 7 : i32
      %scan3A_712 = arith.addi %scan3A_555, %scan3A_711 : i32
      %mul3A_713 = arith.constant 16 : i32
      %mul3A_714 = arith.muli %scan3A_712, %mul3A_713 : i32
      %get3A_715 = arith.index_cast %mul3A_714 : i32 to index
      %get3A_716 = tpu.vector_load %arg5[%get3A_715] {strides = array<i32>} : memref<20480xi32, #tpu.memory_space<vmem>>, vector<16xi32>,
      %get3A_717 = vector.shape_cast %get3A_716 : vector<16xi32> to vector<16xi32>
      %shift_right_arithmetic3A_718 = arith.constant 7 : i32
      %shift_right_arithmetic3A_719 = vector.broadcast %shift_right_arithmetic3A_718 : i32 to vector<16xi32>
      %shift_right_arithmetic3A_720 = arith.shrsi %get3A_717, %shift_right_arithmetic3A_719 : vector<16xi32>
      %mul3A_721 = arith.constant 1024 : i32
      %mul3A_722 = vector.broadcast %mul3A_721 : i32 to vector<16xi32>
      %mul3A_723 = arith.muli %shift_right_arithmetic3A_720, %mul3A_722 : vector<16xi32>
      %and3A_724 = arith.constant 127 : i32
      %and3A_725 = vector.broadcast %and3A_724 : i32 to vector<16xi32>
      %and3A_726 = arith.andi %get3A_717, %and3A_725 : vector<16xi32>
      %add3A_727 = arith.addi %mul3A_723, %and3A_726 : vector<16xi32>
      %mul3A_728 = arith.constant 16 : i32
      %mul3A_729 = arith.muli %scan3A_712, %mul3A_728 : i32
      %swap3A_730 = arith.index_cast %mul3A_729 : i32 to index
      %swap3A_731 = tpu.vector_load %arg5[%swap3A_730] {strides = array<i32>} : memref<20480xi32, #tpu.memory_space<vmem>>, vector<16xi32>,
      %swap3A_732 = vector.shape_cast %swap3A_731 : vector<16xi32> to vector<16xi32>
      %swap3A_733 = vector.shape_cast %add3A_727 : vector<16xi32> to vector<16xi32>
      tpu.vector_store %arg5[%swap3A_730], %swap3A_733 {strides = array<i32>} : memref<20480xi32, #tpu.memory_space<vmem>>, vector<16xi32>,
    }
    %scan3A_5 = arith.constant 1280 : i32
    %mul3A_6 = arith.constant 8000512 : i32
    %mul3A_7 = arith.muli %arg0, %mul3A_6 : i32
    %add3A = arith.constant 0 : i32
    %add3A_8 = arith.addi %mul3A_7, %add3A : i32
    %scan3A_9 = arith.constant 0 : i32
    %scan3A_10 = arith.constant 0 : i32
    %scan3A_11 = arith.constant 1280 : i32
    %scan3A_12 = arith.addi %scan3A_10, %scan3A_11 : i32
    %scan3A_13 = arith.constant 8 : i32
    scf.for %scan3A_555 = %scan3A_10 to %scan3A_12 step %scan3A_13  : i32 {
      %mul3A_556 = arith.constant 16 : i32
      %mul3A_557 = arith.muli %scan3A_555, %mul3A_556 : i32
      %get3A = arith.index_cast %mul3A_557 : i32 to index
      %get3A_558 = tpu.vector_load %arg5[%get3A] {strides = array<i32>} : memref<20480xi32, #tpu.memory_space<vmem>>, vector<16xi32>,
      %get3A_559 = vector.shape_cast %get3A_558 : vector<16xi32> to vector<16xi32>
      %add3A_560 = vector.broadcast %add3A_8 : i32 to vector<16xi32>
      %add3A_561 = arith.addi %get3A_559, %add3A_560 : vector<16xi32>
      %mul3A_562 = arith.constant 16 : i32
      %mul3A_563 = arith.muli %scan3A_555, %mul3A_562 : i32
      %swap3A = arith.index_cast %mul3A_563 : i32 to index
      %swap3A_564 = tpu.vector_load %arg6[%swap3A] {strides = array<i32>} : memref<20480xi32, #tpu.memory_space<vmem>>, vector<16xi32>,
      %swap3A_565 = vector.shape_cast %swap3A_564 : vector<16xi32> to vector<16xi32>
      %swap3A_566 = vector.shape_cast %add3A_561 : vector<16xi32> to vector<16xi32>
      tpu.vector_store %arg6[%swap3A], %swap3A_566 {strides = array<i32>} : memref<20480xi32, #tpu.memory_space<vmem>>, vector<16xi32>,
      %scan3A_567 = arith.constant 1 : i32
      %scan3A_568 = arith.addi %scan3A_555, %scan3A_567 : i32
      %mul3A_569 = arith.constant 16 : i32
      %mul3A_570 = arith.muli %scan3A_568, %mul3A_569 : i32
      %get3A_571 = arith.index_cast %mul3A_570 : i32 to index
      %get3A_572 = tpu.vector_load %arg5[%get3A_571] {strides = array<i32>} : memref<20480xi32, #tpu.memory_space<vmem>>, vector<16xi32>,
      %get3A_573 = vector.shape_cast %get3A_572 : vector<16xi32> to vector<16xi32>
      %add3A_574 = vector.broadcast %add3A_8 : i32 to vector<16xi32>
      %add3A_575 = arith.addi %get3A_573, %add3A_574 : vector<16xi32>
      %mul3A_576 = arith.constant 16 : i32
      %mul3A_577 = arith.muli %scan3A_568, %mul3A_576 : i32
      %swap3A_578 = arith.index_cast %mul3A_577 : i32 to index
      %swap3A_579 = tpu.vector_load %arg6[%swap3A_578] {strides = array<i32>} : memref<20480xi32, #tpu.memory_space<vmem>>, vector<16xi32>,
      %swap3A_580 = vector.shape_cast %swap3A_579 : vector<16xi32> to vector<16xi32>
      %swap3A_581 = vector.shape_cast %add3A_575 : vector<16xi32> to vector<16xi32>
      tpu.vector_store %arg6[%swap3A_578], %swap3A_581 {strides = array<i32>} : memref<20480xi32, #tpu.memory_space<vmem>>, vector<16xi32>,
      %scan3A_582 = arith.constant 2 : i32
      %scan3A_583 = arith.addi %scan3A_555, %scan3A_582 : i32
      %mul3A_584 = arith.constant 16 : i32
      %mul3A_585 = arith.muli %scan3A_583, %mul3A_584 : i32
      %get3A_586 = arith.index_cast %mul3A_585 : i32 to index
      %get3A_587 = tpu.vector_load %arg5[%get3A_586] {strides = array<i32>} : memref<20480xi32, #tpu.memory_space<vmem>>, vector<16xi32>,
      %get3A_588 = vector.shape_cast %get3A_587 : vector<16xi32> to vector<16xi32>
      %add3A_589 = vector.broadcast %add3A_8 : i32 to vector<16xi32>
      %add3A_590 = arith.addi %get3A_588, %add3A_589 : vector<16xi32>
      %mul3A_591 = arith.constant 16 : i32
      %mul3A_592 = arith.muli %scan3A_583, %mul3A_591 : i32
      %swap3A_593 = arith.index_cast %mul3A_592 : i32 to index
      %swap3A_594 = tpu.vector_load %arg6[%swap3A_593] {strides = array<i32>} : memref<20480xi32, #tpu.memory_space<vmem>>, vector<16xi32>,
      %swap3A_595 = vector.shape_cast %swap3A_594 : vector<16xi32> to vector<16xi32>
      %swap3A_596 = vector.shape_cast %add3A_590 : vector<16xi32> to vector<16xi32>
      tpu.vector_store %arg6[%swap3A_593], %swap3A_596 {strides = array<i32>} : memref<20480xi32, #tpu.memory_space<vmem>>, vector<16xi32>,
      %scan3A_597 = arith.constant 3 : i32
      %scan3A_598 = arith.addi %scan3A_555, %scan3A_597 : i32
      %mul3A_599 = arith.constant 16 : i32
      %mul3A_600 = arith.muli %scan3A_598, %mul3A_599 : i32
      %get3A_601 = arith.index_cast %mul3A_600 : i32 to index
      %get3A_602 = tpu.vector_load %arg5[%get3A_601] {strides = array<i32>} : memref<20480xi32, #tpu.memory_space<vmem>>, vector<16xi32>,
      %get3A_603 = vector.shape_cast %get3A_602 : vector<16xi32> to vector<16xi32>
      %add3A_604 = vector.broadcast %add3A_8 : i32 to vector<16xi32>
      %add3A_605 = arith.addi %get3A_603, %add3A_604 : vector<16xi32>
      %mul3A_606 = arith.constant 16 : i32
      %mul3A_607 = arith.muli %scan3A_598, %mul3A_606 : i32
      %swap3A_608 = arith.index_cast %mul3A_607 : i32 to index
      %swap3A_609 = tpu.vector_load %arg6[%swap3A_608] {strides = array<i32>} : memref<20480xi32, #tpu.memory_space<vmem>>, vector<16xi32>,
      %swap3A_610 = vector.shape_cast %swap3A_609 : vector<16xi32> to vector<16xi32>
      %swap3A_611 = vector.shape_cast %add3A_605 : vector<16xi32> to vector<16xi32>
      tpu.vector_store %arg6[%swap3A_608], %swap3A_611 {strides = array<i32>} : memref<20480xi32, #tpu.memory_space<vmem>>, vector<16xi32>,
      %scan3A_612 = arith.constant 4 : i32
      %scan3A_613 = arith.addi %scan3A_555, %scan3A_612 : i32
      %mul3A_614 = arith.constant 16 : i32
      %mul3A_615 = arith.muli %scan3A_613, %mul3A_614 : i32
      %get3A_616 = arith.index_cast %mul3A_615 : i32 to index
      %get3A_617 = tpu.vector_load %arg5[%get3A_616] {strides = array<i32>} : memref<20480xi32, #tpu.memory_space<vmem>>, vector<16xi32>,
      %get3A_618 = vector.shape_cast %get3A_617 : vector<16xi32> to vector<16xi32>
      %add3A_619 = vector.broadcast %add3A_8 : i32 to vector<16xi32>
      %add3A_620 = arith.addi %get3A_618, %add3A_619 : vector<16xi32>
      %mul3A_621 = arith.constant 16 : i32
      %mul3A_622 = arith.muli %scan3A_613, %mul3A_621 : i32
      %swap3A_623 = arith.index_cast %mul3A_622 : i32 to index
      %swap3A_624 = tpu.vector_load %arg6[%swap3A_623] {strides = array<i32>} : memref<20480xi32, #tpu.memory_space<vmem>>, vector<16xi32>,
      %swap3A_625 = vector.shape_cast %swap3A_624 : vector<16xi32> to vector<16xi32>
      %swap3A_626 = vector.shape_cast %add3A_620 : vector<16xi32> to vector<16xi32>
      tpu.vector_store %arg6[%swap3A_623], %swap3A_626 {strides = array<i32>} : memref<20480xi32, #tpu.memory_space<vmem>>, vector<16xi32>,
      %scan3A_627 = arith.constant 5 : i32
      %scan3A_628 = arith.addi %scan3A_555, %scan3A_627 : i32
      %mul3A_629 = arith.constant 16 : i32
      %mul3A_630 = arith.muli %scan3A_628, %mul3A_629 : i32
      %get3A_631 = arith.index_cast %mul3A_630 : i32 to index
      %get3A_632 = tpu.vector_load %arg5[%get3A_631] {strides = array<i32>} : memref<20480xi32, #tpu.memory_space<vmem>>, vector<16xi32>,
      %get3A_633 = vector.shape_cast %get3A_632 : vector<16xi32> to vector<16xi32>
      %add3A_634 = vector.broadcast %add3A_8 : i32 to vector<16xi32>
      %add3A_635 = arith.addi %get3A_633, %add3A_634 : vector<16xi32>
      %mul3A_636 = arith.constant 16 : i32
      %mul3A_637 = arith.muli %scan3A_628, %mul3A_636 : i32
      %swap3A_638 = arith.index_cast %mul3A_637 : i32 to index
      %swap3A_639 = tpu.vector_load %arg6[%swap3A_638] {strides = array<i32>} : memref<20480xi32, #tpu.memory_space<vmem>>, vector<16xi32>,
      %swap3A_640 = vector.shape_cast %swap3A_639 : vector<16xi32> to vector<16xi32>
      %swap3A_641 = vector.shape_cast %add3A_635 : vector<16xi32> to vector<16xi32>
      tpu.vector_store %arg6[%swap3A_638], %swap3A_641 {strides = array<i32>} : memref<20480xi32, #tpu.memory_space<vmem>>, vector<16xi32>,
      %scan3A_642 = arith.constant 6 : i32
      %scan3A_643 = arith.addi %scan3A_555, %scan3A_642 : i32
      %mul3A_644 = arith.constant 16 : i32
      %mul3A_645 = arith.muli %scan3A_643, %mul3A_644 : i32
      %get3A_646 = arith.index_cast %mul3A_645 : i32 to index
      %get3A_647 = tpu.vector_load %arg5[%get3A_646] {strides = array<i32>} : memref<20480xi32, #tpu.memory_space<vmem>>, vector<16xi32>,
      %get3A_648 = vector.shape_cast %get3A_647 : vector<16xi32> to vector<16xi32>
      %add3A_649 = vector.broadcast %add3A_8 : i32 to vector<16xi32>
      %add3A_650 = arith.addi %get3A_648, %add3A_649 : vector<16xi32>
      %mul3A_651 = arith.constant 16 : i32
      %mul3A_652 = arith.muli %scan3A_643, %mul3A_651 : i32
      %swap3A_653 = arith.index_cast %mul3A_652 : i32 to index
      %swap3A_654 = tpu.vector_load %arg6[%swap3A_653] {strides = array<i32>} : memref<20480xi32, #tpu.memory_space<vmem>>, vector<16xi32>,
      %swap3A_655 = vector.shape_cast %swap3A_654 : vector<16xi32> to vector<16xi32>
      %swap3A_656 = vector.shape_cast %add3A_650 : vector<16xi32> to vector<16xi32>
      tpu.vector_store %arg6[%swap3A_653], %swap3A_656 {strides = array<i32>} : memref<20480xi32, #tpu.memory_space<vmem>>, vector<16xi32>,
      %scan3A_657 = arith.constant 7 : i32
      %scan3A_658 = arith.addi %scan3A_555, %scan3A_657 : i32
      %mul3A_659 = arith.constant 16 : i32
      %mul3A_660 = arith.muli %scan3A_658, %mul3A_659 : i32
      %get3A_661 = arith.index_cast %mul3A_660 : i32 to index
      %get3A_662 = tpu.vector_load %arg5[%get3A_661] {strides = array<i32>} : memref<20480xi32, #tpu.memory_space<vmem>>, vector<16xi32>,
      %get3A_663 = vector.shape_cast %get3A_662 : vector<16xi32> to vector<16xi32>
      %add3A_664 = vector.broadcast %add3A_8 : i32 to vector<16xi32>
      %add3A_665 = arith.addi %get3A_663, %add3A_664 : vector<16xi32>
      %mul3A_666 = arith.constant 16 : i32
      %mul3A_667 = arith.muli %scan3A_658, %mul3A_666 : i32
      %swap3A_668 = arith.index_cast %mul3A_667 : i32 to index
      %swap3A_669 = tpu.vector_load %arg6[%swap3A_668] {strides = array<i32>} : memref<20480xi32, #tpu.memory_space<vmem>>, vector<16xi32>,
      %swap3A_670 = vector.shape_cast %swap3A_669 : vector<16xi32> to vector<16xi32>
      %swap3A_671 = vector.shape_cast %add3A_665 : vector<16xi32> to vector<16xi32>
      tpu.vector_store %arg6[%swap3A_668], %swap3A_671 {strides = array<i32>} : memref<20480xi32, #tpu.memory_space<vmem>>, vector<16xi32>,
    }
    %scan3A_14 = arith.constant 1280 : i32
    %mul3A_15 = arith.constant 8 : i32
    %mul3A_16 = arith.muli %arg0, %mul3A_15 : i32
    %add3A_17 = arith.constant 0 : i32
    %add3A_18 = arith.addi %mul3A_16, %add3A_17 : i32
    %mul3A_19 = arith.constant 327680 : i32
    %mul3A_20 = arith.muli %add3A_18, %mul3A_19 : i32
    %mul3A_21 = arith.constant 20480 : i32
    %mul3A_22 = arith.muli %arg1, %mul3A_21 : i32
    %add3A_23 = arith.addi %mul3A_20, %mul3A_22 : i32
    %dma_start3A = arith.constant 0 : i32
    %dma_start3A_24 = tpu.memref_slice %arg6[%dma_start3A] : memref<20480xi32, #tpu.memory_space<vmem>> -> memref<4096xi32, #tpu.memory_space<vmem>>
    %dma_start3A_25 = arith.constant 0 : i32
    %dma_start3A_26 = tpu.memref_slice %arg2[%dma_start3A_25] : memref<16001024xf32, #tpu.memory_space<hbm>> -> memref<16001024xf32, #tpu.memory_space<hbm>>
    tpu.enqueue_indirect_dma source(%dma_start3A_26 : memref<16001024xf32, #tpu.memory_space<hbm>>) target(%arg7 : memref<4096xf32, #tpu.memory_space<vmem>>) offsets(%dma_start3A_24 : memref<4096xi32, #tpu.memory_space<vmem>>) semaphore(%arg9 : memref<!tpu.dma_semaphore, #tpu.memory_space<semaphore_mem>>)
    %dma_start3A_27 = arith.constant 4096 : i32
    %dma_start3A_28 = tpu.memref_slice %arg6[%dma_start3A_27] : memref<20480xi32, #tpu.memory_space<vmem>> -> memref<4096xi32, #tpu.memory_space<vmem>>
    %dma_start3A_29 = arith.constant 0 : i32
    %dma_start3A_30 = tpu.memref_slice %arg2[%dma_start3A_29] : memref<16001024xf32, #tpu.memory_space<hbm>> -> memref<16001024xf32, #tpu.memory_space<hbm>>
    tpu.enqueue_indirect_dma source(%dma_start3A_30 : memref<16001024xf32, #tpu.memory_space<hbm>>) target(%arg8 : memref<4096xf32, #tpu.memory_space<vmem>>) offsets(%dma_start3A_28 : memref<4096xi32, #tpu.memory_space<vmem>>) semaphore(%arg10 : memref<!tpu.dma_semaphore, #tpu.memory_space<semaphore_mem>>)
    %dma_wait3A = arith.constant 0 : i32
    %dma_wait3A_31 = tpu.memref_slice %arg6[%dma_wait3A] : memref<20480xi32, #tpu.memory_space<vmem>> -> memref<4096xi32, #tpu.memory_space<vmem>>
    %dma_wait3A_32 = arith.constant 0 : i32
    %dma_wait3A_33 = tpu.memref_slice %arg2[%dma_wait3A_32] : memref<16001024xf32, #tpu.memory_space<hbm>> -> memref<16001024xf32, #tpu.memory_space<hbm>>
    tpu.wait_indirect_dma semaphore(%arg9 : memref<!tpu.dma_semaphore, #tpu.memory_space<semaphore_mem>>) src(%dma_wait3A_33 : memref<16001024xf32, #tpu.memory_space<hbm>>) dst(%arg7 : memref<4096xf32, #tpu.memory_space<vmem>>)
    %add3A_34 = arith.constant 0 : i32
    %add3A_35 = arith.addi %add3A_23, %add3A_34 : i32
    "tpu.region"() ({
      %run_scoped3A = tpu.sem_alloc : memref<!tpu.dma_semaphore, #tpu.memory_space<semaphore_mem>>
      %dma_start3A_555 = tpu.memref_slice %arg4[%add3A_35] : memref<5242880xf32, #tpu.memory_space<hbm>> -> memref<4096xf32, #tpu.memory_space<hbm>>
      %dma_start3A_556 = tpu.memref_slice %arg4[%add3A_35] : memref<5242880xf32, #tpu.memory_space<hbm>> -> memref<4096xf32, #tpu.memory_space<hbm>>
      tpu.enqueue_dma source(%arg7 : memref<4096xf32, #tpu.memory_space<vmem>>) target(%dma_start3A_556 : memref<4096xf32, #tpu.memory_space<hbm>>) target_semaphore(%run_scoped3A : memref<!tpu.dma_semaphore, #tpu.memory_space<semaphore_mem>>)
      %dma_wait3A_557 = tpu.memref_slice %arg4[%add3A_35] : memref<5242880xf32, #tpu.memory_space<hbm>> -> memref<4096xf32, #tpu.memory_space<hbm>>
      %dma_wait3A_558 = tpu.memref_slice %arg4[%add3A_35] : memref<5242880xf32, #tpu.memory_space<hbm>> -> memref<4096xf32, #tpu.memory_space<hbm>>
      tpu.wait_dma2 semaphore(%run_scoped3A : memref<!tpu.dma_semaphore, #tpu.memory_space<semaphore_mem>>) src(%arg7 : memref<4096xf32, #tpu.memory_space<vmem>>) dst(%dma_wait3A_558 : memref<4096xf32, #tpu.memory_space<hbm>>)
      tpu.yield
    }) : () -> ()
    %dma_start3A_36 = arith.constant 8192 : i32
    %dma_start3A_37 = tpu.memref_slice %arg6[%dma_start3A_36] : memref<20480xi32, #tpu.memory_space<vmem>> -> memref<4096xi32, #tpu.memory_space<vmem>>
    %dma_start3A_38 = arith.constant 0 : i32
    %dma_start3A_39 = tpu.memref_slice %arg2[%dma_start3A_38] : memref<16001024xf32, #tpu.memory_space<hbm>> -> memref<16001024xf32, #tpu.memory_space<hbm>>
    tpu.enqueue_indirect_dma source(%dma_start3A_39 : memref<16001024xf32, #tpu.memory_space<hbm>>) target(%arg7 : memref<4096xf32, #tpu.memory_space<vmem>>) offsets(%dma_start3A_37 : memref<4096xi32, #tpu.memory_space<vmem>>) semaphore(%arg9 : memref<!tpu.dma_semaphore, #tpu.memory_space<semaphore_mem>>)
    %dma_wait3A_40 = arith.constant 4096 : i32
    %dma_wait3A_41 = tpu.memref_slice %arg6[%dma_wait3A_40] : memref<20480xi32, #tpu.memory_space<vmem>> -> memref<4096xi32, #tpu.memory_space<vmem>>
    %dma_wait3A_42 = arith.constant 0 : i32
    %dma_wait3A_43 = tpu.memref_slice %arg2[%dma_wait3A_42] : memref<16001024xf32, #tpu.memory_space<hbm>> -> memref<16001024xf32, #tpu.memory_space<hbm>>
    tpu.wait_indirect_dma semaphore(%arg10 : memref<!tpu.dma_semaphore, #tpu.memory_space<semaphore_mem>>) src(%dma_wait3A_43 : memref<16001024xf32, #tpu.memory_space<hbm>>) dst(%arg8 : memref<4096xf32, #tpu.memory_space<vmem>>)
    %add3A_44 = arith.constant 4096 : i32
    %add3A_45 = arith.addi %add3A_23, %add3A_44 : i32
    "tpu.region"() ({
      %run_scoped3A = tpu.sem_alloc : memref<!tpu.dma_semaphore, #tpu.memory_space<semaphore_mem>>
      %dma_start3A_555 = tpu.memref_slice %arg4[%add3A_45] : memref<5242880xf32, #tpu.memory_space<hbm>> -> memref<4096xf32, #tpu.memory_space<hbm>>
      %dma_start3A_556 = tpu.memref_slice %arg4[%add3A_45] : memref<5242880xf32, #tpu.memory_space<hbm>> -> memref<4096xf32, #tpu.memory_space<hbm>>
      tpu.enqueue_dma source(%arg8 : memref<4096xf32, #tpu.memory_space<vmem>>) target(%dma_start3A_556 : memref<4096xf32, #tpu.memory_space<hbm>>) target_semaphore(%run_scoped3A : memref<!tpu.dma_semaphore, #tpu.memory_space<semaphore_mem>>)
      %dma_wait3A_557 = tpu.memref_slice %arg4[%add3A_45] : memref<5242880xf32, #tpu.memory_space<hbm>> -> memref<4096xf32, #tpu.memory_space<hbm>>
      %dma_wait3A_558 = tpu.memref_slice %arg4[%add3A_45] : memref<5242880xf32, #tpu.memory_space<hbm>> -> memref<4096xf32, #tpu.memory_space<hbm>>
      tpu.wait_dma2 semaphore(%run_scoped3A : memref<!tpu.dma_semaphore, #tpu.memory_space<semaphore_mem>>) src(%arg8 : memref<4096xf32, #tpu.memory_space<vmem>>) dst(%dma_wait3A_558 : memref<4096xf32, #tpu.memory_space<hbm>>)
      tpu.yield
    }) : () -> ()
    %dma_start3A_46 = arith.constant 12288 : i32
    %dma_start3A_47 = tpu.memref_slice %arg6[%dma_start3A_46] : memref<20480xi32, #tpu.memory_space<vmem>> -> memref<4096xi32, #tpu.memory_space<vmem>>
    %dma_start3A_48 = arith.constant 0 : i32
    %dma_start3A_49 = tpu.memref_slice %arg2[%dma_start3A_48] : memref<16001024xf32, #tpu.memory_space<hbm>> -> memref<16001024xf32, #tpu.memory_space<hbm>>
    tpu.enqueue_indirect_dma source(%dma_start3A_49 : memref<16001024xf32, #tpu.memory_space<hbm>>) target(%arg8 : memref<4096xf32, #tpu.memory_space<vmem>>) offsets(%dma_start3A_47 : memref<4096xi32, #tpu.memory_space<vmem>>) semaphore(%arg10 : memref<!tpu.dma_semaphore, #tpu.memory_space<semaphore_mem>>)
    %dma_wait3A_50 = arith.constant 8192 : i32
    %dma_wait3A_51 = tpu.memref_slice %arg6[%dma_wait3A_50] : memref<20480xi32, #tpu.memory_space<vmem>> -> memref<4096xi32, #tpu.memory_space<vmem>>
    %dma_wait3A_52 = arith.constant 0 : i32
    %dma_wait3A_53 = tpu.memref_slice %arg2[%dma_wait3A_52] : memref<16001024xf32, #tpu.memory_space<hbm>> -> memref<16001024xf32, #tpu.memory_space<hbm>>
    tpu.wait_indirect_dma semaphore(%arg9 : memref<!tpu.dma_semaphore, #tpu.memory_space<semaphore_mem>>) src(%dma_wait3A_53 : memref<16001024xf32, #tpu.memory_space<hbm>>) dst(%arg7 : memref<4096xf32, #tpu.memory_space<vmem>>)
    %add3A_54 = arith.constant 8192 : i32
    %add3A_55 = arith.addi %add3A_23, %add3A_54 : i32
    "tpu.region"() ({
      %run_scoped3A = tpu.sem_alloc : memref<!tpu.dma_semaphore, #tpu.memory_space<semaphore_mem>>
      %dma_start3A_555 = tpu.memref_slice %arg4[%add3A_55] : memref<5242880xf32, #tpu.memory_space<hbm>> -> memref<4096xf32, #tpu.memory_space<hbm>>
      %dma_start3A_556 = tpu.memref_slice %arg4[%add3A_55] : memref<5242880xf32, #tpu.memory_space<hbm>> -> memref<4096xf32, #tpu.memory_space<hbm>>
      tpu.enqueue_dma source(%arg7 : memref<4096xf32, #tpu.memory_space<vmem>>) target(%dma_start3A_556 : memref<4096xf32, #tpu.memory_space<hbm>>) target_semaphore(%run_scoped3A : memref<!tpu.dma_semaphore, #tpu.memory_space<semaphore_mem>>)
      %dma_wait3A_557 = tpu.memref_slice %arg4[%add3A_55] : memref<5242880xf32, #tpu.memory_space<hbm>> -> memref<4096xf32, #tpu.memory_space<hbm>>
      %dma_wait3A_558 = tpu.memref_slice %arg4[%add3A_55] : memref<5242880xf32, #tpu.memory_space<hbm>> -> memref<4096xf32, #tpu.memory_space<hbm>>
      tpu.wait_dma2 semaphore(%run_scoped3A : memref<!tpu.dma_semaphore, #tpu.memory_space<semaphore_mem>>) src(%arg7 : memref<4096xf32, #tpu.memory_space<vmem>>) dst(%dma_wait3A_558 : memref<4096xf32, #tpu.memory_space<hbm>>)
      tpu.yield
    }) : () -> ()
    %dma_start3A_56 = arith.constant 16384 : i32
    %dma_start3A_57 = tpu.memref_slice %arg6[%dma_start3A_56] : memref<20480xi32, #tpu.memory_space<vmem>> -> memref<4096xi32, #tpu.memory_space<vmem>>
    %dma_start3A_58 = arith.constant 0 : i32
    %dma_start3A_59 = tpu.memref_slice %arg2[%dma_start3A_58] : memref<16001024xf32, #tpu.memory_space<hbm>> -> memref<16001024xf32, #tpu.memory_space<hbm>>
    tpu.enqueue_indirect_dma source(%dma_start3A_59 : memref<16001024xf32, #tpu.memory_space<hbm>>) target(%arg7 : memref<4096xf32, #tpu.memory_space<vmem>>) offsets(%dma_start3A_57 : memref<4096xi32, #tpu.memory_space<vmem>>) semaphore(%arg9 : memref<!tpu.dma_semaphore, #tpu.memory_space<semaphore_mem>>)
    %dma_wait3A_60 = arith.constant 12288 : i32
    %dma_wait3A_61 = tpu.memref_slice %arg6[%dma_wait3A_60] : memref<20480xi32, #tpu.memory_space<vmem>> -> memref<4096xi32, #tpu.memory_space<vmem>>
    %dma_wait3A_62 = arith.constant 0 : i32
    %dma_wait3A_63 = tpu.memref_slice %arg2[%dma_wait3A_62] : memref<16001024xf32, #tpu.memory_space<hbm>> -> memref<16001024xf32, #tpu.memory_space<hbm>>
    tpu.wait_indirect_dma semaphore(%arg10 : memref<!tpu.dma_semaphore, #tpu.memory_space<semaphore_mem>>) src(%dma_wait3A_63 : memref<16001024xf32, #tpu.memory_space<hbm>>) dst(%arg8 : memref<4096xf32, #tpu.memory_space<vmem>>)
    %add3A_64 = arith.constant 12288 : i32
    %add3A_65 = arith.addi %add3A_23, %add3A_64 : i32
    "tpu.region"() ({
      %run_scoped3A = tpu.sem_alloc : memref<!tpu.dma_semaphore, #tpu.memory_space<semaphore_mem>>
      %dma_start3A_555 = tpu.memref_slice %arg4[%add3A_65] : memref<5242880xf32, #tpu.memory_space<hbm>> -> memref<4096xf32, #tpu.memory_space<hbm>>
      %dma_start3A_556 = tpu.memref_slice %arg4[%add3A_65] : memref<5242880xf32, #tpu.memory_space<hbm>> -> memref<4096xf32, #tpu.memory_space<hbm>>
      tpu.enqueue_dma source(%arg8 : memref<4096xf32, #tpu.memory_space<vmem>>) target(%dma_start3A_556 : memref<4096xf32, #tpu.memory_space<hbm>>) target_semaphore(%run_scoped3A : memref<!tpu.dma_semaphore, #tpu.memory_space<semaphore_mem>>)
      %dma_wait3A_557 = tpu.memref_slice %arg4[%add3A_65] : memref<5242880xf32, #tpu.memory_space<hbm>> -> memref<4096xf32, #tpu.memory_space<hbm>>
      %dma_wait3A_558 = tpu.memref_slice %arg4[%add3A_65] : memref<5242880xf32, #tpu.memory_space<hbm>> -> memref<4096xf32, #tpu.memory_space<hbm>>
      tpu.wait_dma2 semaphore(%run_scoped3A : memref<!tpu.dma_semaphore, #tpu.memory_space<semaphore_mem>>) src(%arg8 : memref<4096xf32, #tpu.memory_space<vmem>>) dst(%dma_wait3A_558 : memref<4096xf32, #tpu.memory_space<hbm>>)
      tpu.yield
    }) : () -> ()
    %dma_wait3A_66 = arith.constant 16384 : i32
    %dma_wait3A_67 = tpu.memref_slice %arg6[%dma_wait3A_66] : memref<20480xi32, #tpu.memory_space<vmem>> -> memref<4096xi32, #tpu.memory_space<vmem>>
    %dma_wait3A_68 = arith.constant 0 : i32
    %dma_wait3A_69 = tpu.memref_slice %arg2[%dma_wait3A_68] : memref<16001024xf32, #tpu.memory_space<hbm>> -> memref<16001024xf32, #tpu.memory_space<hbm>>
    tpu.wait_indirect_dma semaphore(%arg9 : memref<!tpu.dma_semaphore, #tpu.memory_space<semaphore_mem>>) src(%dma_wait3A_69 : memref<16001024xf32, #tpu.memory_space<hbm>>) dst(%arg7 : memref<4096xf32, #tpu.memory_space<vmem>>)
    %add3A_70 = arith.constant 16384 : i32
    %add3A_71 = arith.addi %add3A_23, %add3A_70 : i32
    "tpu.region"() ({
      %run_scoped3A = tpu.sem_alloc : memref<!tpu.dma_semaphore, #tpu.memory_space<semaphore_mem>>
      %dma_start3A_555 = tpu.memref_slice %arg4[%add3A_71] : memref<5242880xf32, #tpu.memory_space<hbm>> -> memref<4096xf32, #tpu.memory_space<hbm>>
      %dma_start3A_556 = tpu.memref_slice %arg4[%add3A_71] : memref<5242880xf32, #tpu.memory_space<hbm>> -> memref<4096xf32, #tpu.memory_space<hbm>>
      tpu.enqueue_dma source(%arg7 : memref<4096xf32, #tpu.memory_space<vmem>>) target(%dma_start3A_556 : memref<4096xf32, #tpu.memory_space<hbm>>) target_semaphore(%run_scoped3A : memref<!tpu.dma_semaphore, #tpu.memory_space<semaphore_mem>>)
      %dma_wait3A_557 = tpu.memref_slice %arg4[%add3A_71] : memref<5242880xf32, #tpu.memory_space<hbm>> -> memref<4096xf32, #tpu.memory_space<hbm>>
      %dma_wait3A_558 = tpu.memref_slice %arg4[%add3A_71] : memref<5242880xf32, #tpu.memory_space<hbm>> -> memref<4096xf32, #tpu.memory_space<hbm>>
      tpu.wait_dma2 semaphore(%run_scoped3A : memref<!tpu.dma_semaphore, #tpu.memory_space<semaphore_mem>>) src(%arg7 : memref<4096xf32, #tpu.memory_space<vmem>>) dst(%dma_wait3A_558 : memref<4096xf32, #tpu.memory_space<hbm>>)
      tpu.yield
    }) : () -> ()
    %mul3A_72 = arith.constant 8000512 : i32
    %mul3A_73 = arith.muli %arg0, %mul3A_72 : i32
    %add3A_74 = arith.constant 128 : i32
    %add3A_75 = arith.addi %mul3A_73, %add3A_74 : i32
    %scan3A_76 = arith.constant 0 : i32
    %scan3A_77 = arith.constant 0 : i32
    %scan3A_78 = arith.constant 1280 : i32
    %scan3A_79 = arith.addi %scan3A_77, %scan3A_78 : i32
    %scan3A_80 = arith.constant 8 : i32
    scf.for %scan3A_555 = %scan3A_77 to %scan3A_79 step %scan3A_80  : i32 {
      %mul3A_556 = arith.constant 16 : i32
      %mul3A_557 = arith.muli %scan3A_555, %mul3A_556 : i32
      %get3A = arith.index_cast %mul3A_557 : i32 to index
      %get3A_558 = tpu.vector_load %arg5[%get3A] {strides = array<i32>} : memref<20480xi32, #tpu.memory_space<vmem>>, vector<16xi32>,
      %get3A_559 = vector.shape_cast %get3A_558 : vector<16xi32> to vector<16xi32>
      %mul3A_560 = arith.constant 16 : i32
      %mul3A_561 = arith.muli %scan3A_555, %mul3A_560 : i32
      %get3A_562 = arith.index_cast %mul3A_561 : i32 to index
      %get3A_563 = tpu.vector_load %arg6[%get3A_562] {strides = array<i32>} : memref<20480xi32, #tpu.memory_space<vmem>>, vector<16xi32>,
      %get3A_564 = vector.shape_cast %get3A_563 : vector<16xi32> to vector<16xi32>
      %add3A_565 = arith.constant 128 : i32
      %add3A_566 = vector.broadcast %add3A_565 : i32 to vector<16xi32>
      %add3A_567 = arith.addi %get3A_564, %add3A_566 : vector<16xi32>
      %mul3A_568 = arith.constant 16 : i32
      %mul3A_569 = arith.muli %scan3A_555, %mul3A_568 : i32
      %swap3A = arith.index_cast %mul3A_569 : i32 to index
      %swap3A_570 = tpu.vector_load %arg6[%swap3A] {strides = array<i32>} : memref<20480xi32, #tpu.memory_space<vmem>>, vector<16xi32>,
      %swap3A_571 = vector.shape_cast %swap3A_570 : vector<16xi32> to vector<16xi32>
      %swap3A_572 = vector.shape_cast %add3A_567 : vector<16xi32> to vector<16xi32>
      tpu.vector_store %arg6[%swap3A], %swap3A_572 {strides = array<i32>} : memref<20480xi32, #tpu.memory_space<vmem>>, vector<16xi32>,
      %scan3A_573 = arith.constant 1 : i32
      %scan3A_574 = arith.addi %scan3A_555, %scan3A_573 : i32
      %mul3A_575 = arith.constant 16 : i32
      %mul3A_576 = arith.muli %scan3A_574, %mul3A_575 : i32
      %get3A_577 = arith.index_cast %mul3A_576 : i32 to index
      %get3A_578 = tpu.vector_load %arg5[%get3A_577] {strides = array<i32>} : memref<20480xi32, #tpu.memory_space<vmem>>, vector<16xi32>,
      %get3A_579 = vector.shape_cast %get3A_578 : vector<16xi32> to vector<16xi32>
      %mul3A_580 = arith.constant 16 : i32
      %mul3A_581 = arith.muli %scan3A_574, %mul3A_580 : i32
      %get3A_582 = arith.index_cast %mul3A_581 : i32 to index
      %get3A_583 = tpu.vector_load %arg6[%get3A_582] {strides = array<i32>} : memref<20480xi32, #tpu.memory_space<vmem>>, vector<16xi32>,
      %get3A_584 = vector.shape_cast %get3A_583 : vector<16xi32> to vector<16xi32>
      %add3A_585 = arith.constant 128 : i32
      %add3A_586 = vector.broadcast %add3A_585 : i32 to vector<16xi32>
      %add3A_587 = arith.addi %get3A_584, %add3A_586 : vector<16xi32>
      %mul3A_588 = arith.constant 16 : i32
      %mul3A_589 = arith.muli %scan3A_574, %mul3A_588 : i32
      %swap3A_590 = arith.index_cast %mul3A_589 : i32 to index
      %swap3A_591 = tpu.vector_load %arg6[%swap3A_590] {strides = array<i32>} : memref<20480xi32, #tpu.memory_space<vmem>>, vector<16xi32>,
      %swap3A_592 = vector.shape_cast %swap3A_591 : vector<16xi32> to vector<16xi32>
      %swap3A_593 = vector.shape_cast %add3A_587 : vector<16xi32> to vector<16xi32>
      tpu.vector_store %arg6[%swap3A_590], %swap3A_593 {strides = array<i32>} : memref<20480xi32, #tpu.memory_space<vmem>>, vector<16xi32>,
      %scan3A_594 = arith.constant 2 : i32
      %scan3A_595 = arith.addi %scan3A_555, %scan3A_594 : i32
      %mul3A_596 = arith.constant 16 : i32
      %mul3A_597 = arith.muli %scan3A_595, %mul3A_596 : i32
      %get3A_598 = arith.index_cast %mul3A_597 : i32 to index
      %get3A_599 = tpu.vector_load %arg5[%get3A_598] {strides = array<i32>} : memref<20480xi32, #tpu.memory_space<vmem>>, vector<16xi32>,
      %get3A_600 = vector.shape_cast %get3A_599 : vector<16xi32> to vector<16xi32>
      %mul3A_601 = arith.constant 16 : i32
      %mul3A_602 = arith.muli %scan3A_595, %mul3A_601 : i32
      %get3A_603 = arith.index_cast %mul3A_602 : i32 to index
      %get3A_604 = tpu.vector_load %arg6[%get3A_603] {strides = array<i32>} : memref<20480xi32, #tpu.memory_space<vmem>>, vector<16xi32>,
      %get3A_605 = vector.shape_cast %get3A_604 : vector<16xi32> to vector<16xi32>
      %add3A_606 = arith.constant 128 : i32
      %add3A_607 = vector.broadcast %add3A_606 : i32 to vector<16xi32>
      %add3A_608 = arith.addi %get3A_605, %add3A_607 : vector<16xi32>
      %mul3A_609 = arith.constant 16 : i32
      %mul3A_610 = arith.muli %scan3A_595, %mul3A_609 : i32
      %swap3A_611 = arith.index_cast %mul3A_610 : i32 to index
      %swap3A_612 = tpu.vector_load %arg6[%swap3A_611] {strides = array<i32>} : memref<20480xi32, #tpu.memory_space<vmem>>, vector<16xi32>,
      %swap3A_613 = vector.shape_cast %swap3A_612 : vector<16xi32> to vector<16xi32>
      %swap3A_614 = vector.shape_cast %add3A_608 : vector<16xi32> to vector<16xi32>
      tpu.vector_store %arg6[%swap3A_611], %swap3A_614 {strides = array<i32>} : memref<20480xi32, #tpu.memory_space<vmem>>, vector<16xi32>,
      %scan3A_615 = arith.constant 3 : i32
      %scan3A_616 = arith.addi %scan3A_555, %scan3A_615 : i32
      %mul3A_617 = arith.constant 16 : i32
      %mul3A_618 = arith.muli %scan3A_616, %mul3A_617 : i32
      %get3A_619 = arith.index_cast %mul3A_618 : i32 to index
      %get3A_620 = tpu.vector_load %arg5[%get3A_619] {strides = array<i32>} : memref<20480xi32, #tpu.memory_space<vmem>>, vector<16xi32>,
      %get3A_621 = vector.shape_cast %get3A_620 : vector<16xi32> to vector<16xi32>
      %mul3A_622 = arith.constant 16 : i32
      %mul3A_623 = arith.muli %scan3A_616, %mul3A_622 : i32
      %get3A_624 = arith.index_cast %mul3A_623 : i32 to index
      %get3A_625 = tpu.vector_load %arg6[%get3A_624] {strides = array<i32>} : memref<20480xi32, #tpu.memory_space<vmem>>, vector<16xi32>,
      %get3A_626 = vector.shape_cast %get3A_625 : vector<16xi32> to vector<16xi32>
      %add3A_627 = arith.constant 128 : i32
      %add3A_628 = vector.broadcast %add3A_627 : i32 to vector<16xi32>
      %add3A_629 = arith.addi %get3A_626, %add3A_628 : vector<16xi32>
      %mul3A_630 = arith.constant 16 : i32
      %mul3A_631 = arith.muli %scan3A_616, %mul3A_630 : i32
      %swap3A_632 = arith.index_cast %mul3A_631 : i32 to index
      %swap3A_633 = tpu.vector_load %arg6[%swap3A_632] {strides = array<i32>} : memref<20480xi32, #tpu.memory_space<vmem>>, vector<16xi32>,
      %swap3A_634 = vector.shape_cast %swap3A_633 : vector<16xi32> to vector<16xi32>
      %swap3A_635 = vector.shape_cast %add3A_629 : vector<16xi32> to vector<16xi32>
      tpu.vector_store %arg6[%swap3A_632], %swap3A_635 {strides = array<i32>} : memref<20480xi32, #tpu.memory_space<vmem>>, vector<16xi32>,
      %scan3A_636 = arith.constant 4 : i32
      %scan3A_637 = arith.addi %scan3A_555, %scan3A_636 : i32
      %mul3A_638 = arith.constant 16 : i32
      %mul3A_639 = arith.muli %scan3A_637, %mul3A_638 : i32
      %get3A_640 = arith.index_cast %mul3A_639 : i32 to index
      %get3A_641 = tpu.vector_load %arg5[%get3A_640] {strides = array<i32>} : memref<20480xi32, #tpu.memory_space<vmem>>, vector<16xi32>,
      %get3A_642 = vector.shape_cast %get3A_641 : vector<16xi32> to vector<16xi32>
      %mul3A_643 = arith.constant 16 : i32
      %mul3A_644 = arith.muli %scan3A_637, %mul3A_643 : i32
      %get3A_645 = arith.index_cast %mul3A_644 : i32 to index
      %get3A_646 = tpu.vector_load %arg6[%get3A_645] {strides = array<i32>} : memref<20480xi32, #tpu.memory_space<vmem>>, vector<16xi32>,
      %get3A_647 = vector.shape_cast %get3A_646 : vector<16xi32> to vector<16xi32>
      %add3A_648 = arith.constant 128 : i32
      %add3A_649 = vector.broadcast %add3A_648 : i32 to vector<16xi32>
      %add3A_650 = arith.addi %get3A_647, %add3A_649 : vector<16xi32>
      %mul3A_651 = arith.constant 16 : i32
      %mul3A_652 = arith.muli %scan3A_637, %mul3A_651 : i32
      %swap3A_653 = arith.index_cast %mul3A_652 : i32 to index
      %swap3A_654 = tpu.vector_load %arg6[%swap3A_653] {strides = array<i32>} : memref<20480xi32, #tpu.memory_space<vmem>>, vector<16xi32>,
      %swap3A_655 = vector.shape_cast %swap3A_654 : vector<16xi32> to vector<16xi32>
      %swap3A_656 = vector.shape_cast %add3A_650 : vector<16xi32> to vector<16xi32>
      tpu.vector_store %arg6[%swap3A_653], %swap3A_656 {strides = array<i32>} : memref<20480xi32, #tpu.memory_space<vmem>>, vector<16xi32>,
      %scan3A_657 = arith.constant 5 : i32
      %scan3A_658 = arith.addi %scan3A_555, %scan3A_657 : i32
      %mul3A_659 = arith.constant 16 : i32
      %mul3A_660 = arith.muli %scan3A_658, %mul3A_659 : i32
      %get3A_661 = arith.index_cast %mul3A_660 : i32 to index
      %get3A_662 = tpu.vector_load %arg5[%get3A_661] {strides = array<i32>} : memref<20480xi32, #tpu.memory_space<vmem>>, vector<16xi32>,
      %get3A_663 = vector.shape_cast %get3A_662 : vector<16xi32> to vector<16xi32>
      %mul3A_664 = arith.constant 16 : i32
      %mul3A_665 = arith.muli %scan3A_658, %mul3A_664 : i32
      %get3A_666 = arith.index_cast %mul3A_665 : i32 to index
      %get3A_667 = tpu.vector_load %arg6[%get3A_666] {strides = array<i32>} : memref<20480xi32, #tpu.memory_space<vmem>>, vector<16xi32>,
      %get3A_668 = vector.shape_cast %get3A_667 : vector<16xi32> to vector<16xi32>
      %add3A_669 = arith.constant 128 : i32
      %add3A_670 = vector.broadcast %add3A_669 : i32 to vector<16xi32>
      %add3A_671 = arith.addi %get3A_668, %add3A_670 : vector<16xi32>
      %mul3A_672 = arith.constant 16 : i32
      %mul3A_673 = arith.muli %scan3A_658, %mul3A_672 : i32
      %swap3A_674 = arith.index_cast %mul3A_673 : i32 to index
      %swap3A_675 = tpu.vector_load %arg6[%swap3A_674] {strides = array<i32>} : memref<20480xi32, #tpu.memory_space<vmem>>, vector<16xi32>,
      %swap3A_676 = vector.shape_cast %swap3A_675 : vector<16xi32> to vector<16xi32>
      %swap3A_677 = vector.shape_cast %add3A_671 : vector<16xi32> to vector<16xi32>
      tpu.vector_store %arg6[%swap3A_674], %swap3A_677 {strides = array<i32>} : memref<20480xi32, #tpu.memory_space<vmem>>, vector<16xi32>,
      %scan3A_678 = arith.constant 6 : i32
      %scan3A_679 = arith.addi %scan3A_555, %scan3A_678 : i32
      %mul3A_680 = arith.constant 16 : i32
      %mul3A_681 = arith.muli %scan3A_679, %mul3A_680 : i32
      %get3A_682 = arith.index_cast %mul3A_681 : i32 to index
      %get3A_683 = tpu.vector_load %arg5[%get3A_682] {strides = array<i32>} : memref<20480xi32, #tpu.memory_space<vmem>>, vector<16xi32>,
      %get3A_684 = vector.shape_cast %get3A_683 : vector<16xi32> to vector<16xi32>
      %mul3A_685 = arith.constant 16 : i32
      %mul3A_686 = arith.muli %scan3A_679, %mul3A_685 : i32
      %get3A_687 = arith.index_cast %mul3A_686 : i32 to index
      %get3A_688 = tpu.vector_load %arg6[%get3A_687] {strides = array<i32>} : memref<20480xi32, #tpu.memory_space<vmem>>, vector<16xi32>,
      %get3A_689 = vector.shape_cast %get3A_688 : vector<16xi32> to vector<16xi32>
      %add3A_690 = arith.constant 128 : i32
      %add3A_691 = vector.broadcast %add3A_690 : i32 to vector<16xi32>
      %add3A_692 = arith.addi %get3A_689, %add3A_691 : vector<16xi32>
      %mul3A_693 = arith.constant 16 : i32
      %mul3A_694 = arith.muli %scan3A_679, %mul3A_693 : i32
      %swap3A_695 = arith.index_cast %mul3A_694 : i32 to index
      %swap3A_696 = tpu.vector_load %arg6[%swap3A_695] {strides = array<i32>} : memref<20480xi32, #tpu.memory_space<vmem>>, vector<16xi32>,
      %swap3A_697 = vector.shape_cast %swap3A_696 : vector<16xi32> to vector<16xi32>
      %swap3A_698 = vector.shape_cast %add3A_692 : vector<16xi32> to vector<16xi32>
      tpu.vector_store %arg6[%swap3A_695], %swap3A_698 {strides = array<i32>} : memref<20480xi32, #tpu.memory_space<vmem>>, vector<16xi32>,
      %scan3A_699 = arith.constant 7 : i32
      %scan3A_700 = arith.addi %scan3A_555, %scan3A_699 : i32
      %mul3A_701 = arith.constant 16 : i32
      %mul3A_702 = arith.muli %scan3A_700, %mul3A_701 : i32
      %get3A_703 = arith.index_cast %mul3A_702 : i32 to index
      %get3A_704 = tpu.vector_load %arg5[%get3A_703] {strides = array<i32>} : memref<20480xi32, #tpu.memory_space<vmem>>, vector<16xi32>,
      %get3A_705 = vector.shape_cast %get3A_704 : vector<16xi32> to vector<16xi32>
      %mul3A_706 = arith.constant 16 : i32
      %mul3A_707 = arith.muli %scan3A_700, %mul3A_706 : i32
      %get3A_708 = arith.index_cast %mul3A_707 : i32 to index
      %get3A_709 = tpu.vector_load %arg6[%get3A_708] {strides = array<i32>} : memref<20480xi32, #tpu.memory_space<vmem>>, vector<16xi32>,
      %get3A_710 = vector.shape_cast %get3A_709 : vector<16xi32> to vector<16xi32>
      %add3A_711 = arith.constant 128 : i32
      %add3A_712 = vector.broadcast %add3A_711 : i32 to vector<16xi32>
      %add3A_713 = arith.addi %get3A_710, %add3A_712 : vector<16xi32>
      %mul3A_714 = arith.constant 16 : i32
      %mul3A_715 = arith.muli %scan3A_700, %mul3A_714 : i32
      %swap3A_716 = arith.index_cast %mul3A_715 : i32 to index
      %swap3A_717 = tpu.vector_load %arg6[%swap3A_716] {strides = array<i32>} : memref<20480xi32, #tpu.memory_space<vmem>>, vector<16xi32>,
      %swap3A_718 = vector.shape_cast %swap3A_717 : vector<16xi32> to vector<16xi32>
      %swap3A_719 = vector.shape_cast %add3A_713 : vector<16xi32> to vector<16xi32>
      tpu.vector_store %arg6[%swap3A_716], %swap3A_719 {strides = array<i32>} : memref<20480xi32, #tpu.memory_space<vmem>>, vector<16xi32>,
    }
    %scan3A_81 = arith.constant 1280 : i32
    %mul3A_82 = arith.constant 8 : i32
    %mul3A_83 = arith.muli %arg0, %mul3A_82 : i32
    %add3A_84 = arith.constant 1 : i32
    %add3A_85 = arith.addi %mul3A_83, %add3A_84 : i32
    %mul3A_86 = arith.constant 327680 : i32
    %mul3A_87 = arith.muli %add3A_85, %mul3A_86 : i32
    %mul3A_88 = arith.constant 20480 : i32
    %mul3A_89 = arith.muli %arg1, %mul3A_88 : i32
    %add3A_90 = arith.addi %mul3A_87, %mul3A_89 : i32
    %dma_start3A_91 = arith.constant 0 : i32
    %dma_start3A_92 = tpu.memref_slice %arg6[%dma_start3A_91] : memref<20480xi32, #tpu.memory_space<vmem>> -> memref<4096xi32, #tpu.memory_space<vmem>>
    %dma_start3A_93 = arith.constant 0 : i32
    %dma_start3A_94 = tpu.memref_slice %arg2[%dma_start3A_93] : memref<16001024xf32, #tpu.memory_space<hbm>> -> memref<16001024xf32, #tpu.memory_space<hbm>>
    tpu.enqueue_indirect_dma source(%dma_start3A_94 : memref<16001024xf32, #tpu.memory_space<hbm>>) target(%arg7 : memref<4096xf32, #tpu.memory_space<vmem>>) offsets(%dma_start3A_92 : memref<4096xi32, #tpu.memory_space<vmem>>) semaphore(%arg9 : memref<!tpu.dma_semaphore, #tpu.memory_space<semaphore_mem>>)
    %dma_start3A_95 = arith.constant 4096 : i32
    %dma_start3A_96 = tpu.memref_slice %arg6[%dma_start3A_95] : memref<20480xi32, #tpu.memory_space<vmem>> -> memref<4096xi32, #tpu.memory_space<vmem>>
    %dma_start3A_97 = arith.constant 0 : i32
    %dma_start3A_98 = tpu.memref_slice %arg2[%dma_start3A_97] : memref<16001024xf32, #tpu.memory_space<hbm>> -> memref<16001024xf32, #tpu.memory_space<hbm>>
    tpu.enqueue_indirect_dma source(%dma_start3A_98 : memref<16001024xf32, #tpu.memory_space<hbm>>) target(%arg8 : memref<4096xf32, #tpu.memory_space<vmem>>) offsets(%dma_start3A_96 : memref<4096xi32, #tpu.memory_space<vmem>>) semaphore(%arg10 : memref<!tpu.dma_semaphore, #tpu.memory_space<semaphore_mem>>)
    %dma_wait3A_99 = arith.constant 0 : i32
    %dma_wait3A_100 = tpu.memref_slice %arg6[%dma_wait3A_99] : memref<20480xi32, #tpu.memory_space<vmem>> -> memref<4096xi32, #tpu.memory_space<vmem>>
    %dma_wait3A_101 = arith.constant 0 : i32
    %dma_wait3A_102 = tpu.memref_slice %arg2[%dma_wait3A_101] : memref<16001024xf32, #tpu.memory_space<hbm>> -> memref<16001024xf32, #tpu.memory_space<hbm>>
    tpu.wait_indirect_dma semaphore(%arg9 : memref<!tpu.dma_semaphore, #tpu.memory_space<semaphore_mem>>) src(%dma_wait3A_102 : memref<16001024xf32, #tpu.memory_space<hbm>>) dst(%arg7 : memref<4096xf32, #tpu.memory_space<vmem>>)
    %add3A_103 = arith.constant 0 : i32
    %add3A_104 = arith.addi %add3A_90, %add3A_103 : i32
    "tpu.region"() ({
      %run_scoped3A = tpu.sem_alloc : memref<!tpu.dma_semaphore, #tpu.memory_space<semaphore_mem>>
      %dma_start3A_555 = tpu.memref_slice %arg4[%add3A_104] : memref<5242880xf32, #tpu.memory_space<hbm>> -> memref<4096xf32, #tpu.memory_space<hbm>>
      %dma_start3A_556 = tpu.memref_slice %arg4[%add3A_104] : memref<5242880xf32, #tpu.memory_space<hbm>> -> memref<4096xf32, #tpu.memory_space<hbm>>
      tpu.enqueue_dma source(%arg7 : memref<4096xf32, #tpu.memory_space<vmem>>) target(%dma_start3A_556 : memref<4096xf32, #tpu.memory_space<hbm>>) target_semaphore(%run_scoped3A : memref<!tpu.dma_semaphore, #tpu.memory_space<semaphore_mem>>)
      %dma_wait3A_557 = tpu.memref_slice %arg4[%add3A_104] : memref<5242880xf32, #tpu.memory_space<hbm>> -> memref<4096xf32, #tpu.memory_space<hbm>>
      %dma_wait3A_558 = tpu.memref_slice %arg4[%add3A_104] : memref<5242880xf32, #tpu.memory_space<hbm>> -> memref<4096xf32, #tpu.memory_space<hbm>>
      tpu.wait_dma2 semaphore(%run_scoped3A : memref<!tpu.dma_semaphore, #tpu.memory_space<semaphore_mem>>) src(%arg7 : memref<4096xf32, #tpu.memory_space<vmem>>) dst(%dma_wait3A_558 : memref<4096xf32, #tpu.memory_space<hbm>>)
      tpu.yield
    }) : () -> ()
    %dma_start3A_105 = arith.constant 8192 : i32
    %dma_start3A_106 = tpu.memref_slice %arg6[%dma_start3A_105] : memref<20480xi32, #tpu.memory_space<vmem>> -> memref<4096xi32, #tpu.memory_space<vmem>>
    %dma_start3A_107 = arith.constant 0 : i32
    %dma_start3A_108 = tpu.memref_slice %arg2[%dma_start3A_107] : memref<16001024xf32, #tpu.memory_space<hbm>> -> memref<16001024xf32, #tpu.memory_space<hbm>>
    tpu.enqueue_indirect_dma source(%dma_start3A_108 : memref<16001024xf32, #tpu.memory_space<hbm>>) target(%arg7 : memref<4096xf32, #tpu.memory_space<vmem>>) offsets(%dma_start3A_106 : memref<4096xi32, #tpu.memory_space<vmem>>) semaphore(%arg9 : memref<!tpu.dma_semaphore, #tpu.memory_space<semaphore_mem>>)
    %dma_wait3A_109 = arith.constant 4096 : i32
    %dma_wait3A_110 = tpu.memref_slice %arg6[%dma_wait3A_109] : memref<20480xi32, #tpu.memory_space<vmem>> -> memref<4096xi32, #tpu.memory_space<vmem>>
    %dma_wait3A_111 = arith.constant 0 : i32
    %dma_wait3A_112 = tpu.memref_slice %arg2[%dma_wait3A_111] : memref<16001024xf32, #tpu.memory_space<hbm>> -> memref<16001024xf32, #tpu.memory_space<hbm>>
    tpu.wait_indirect_dma semaphore(%arg10 : memref<!tpu.dma_semaphore, #tpu.memory_space<semaphore_mem>>) src(%dma_wait3A_112 : memref<16001024xf32, #tpu.memory_space<hbm>>) dst(%arg8 : memref<4096xf32, #tpu.memory_space<vmem>>)
    %add3A_113 = arith.constant 4096 : i32
    %add3A_114 = arith.addi %add3A_90, %add3A_113 : i32
    "tpu.region"() ({
      %run_scoped3A = tpu.sem_alloc : memref<!tpu.dma_semaphore, #tpu.memory_space<semaphore_mem>>
      %dma_start3A_555 = tpu.memref_slice %arg4[%add3A_114] : memref<5242880xf32, #tpu.memory_space<hbm>> -> memref<4096xf32, #tpu.memory_space<hbm>>
      %dma_start3A_556 = tpu.memref_slice %arg4[%add3A_114] : memref<5242880xf32, #tpu.memory_space<hbm>> -> memref<4096xf32, #tpu.memory_space<hbm>>
      tpu.enqueue_dma source(%arg8 : memref<4096xf32, #tpu.memory_space<vmem>>) target(%dma_start3A_556 : memref<4096xf32, #tpu.memory_space<hbm>>) target_semaphore(%run_scoped3A : memref<!tpu.dma_semaphore, #tpu.memory_space<semaphore_mem>>)
      %dma_wait3A_557 = tpu.memref_slice %arg4[%add3A_114] : memref<5242880xf32, #tpu.memory_space<hbm>> -> memref<4096xf32, #tpu.memory_space<hbm>>
      %dma_wait3A_558 = tpu.memref_slice %arg4[%add3A_114] : memref<5242880xf32, #tpu.memory_space<hbm>> -> memref<4096xf32, #tpu.memory_space<hbm>>
      tpu.wait_dma2 semaphore(%run_scoped3A : memref<!tpu.dma_semaphore, #tpu.memory_space<semaphore_mem>>) src(%arg8 : memref<4096xf32, #tpu.memory_space<vmem>>) dst(%dma_wait3A_558 : memref<4096xf32, #tpu.memory_space<hbm>>)
      tpu.yield
    }) : () -> ()
    %dma_start3A_115 = arith.constant 12288 : i32
    %dma_start3A_116 = tpu.memref_slice %arg6[%dma_start3A_115] : memref<20480xi32, #tpu.memory_space<vmem>> -> memref<4096xi32, #tpu.memory_space<vmem>>
    %dma_start3A_117 = arith.constant 0 : i32
    %dma_start3A_118 = tpu.memref_slice %arg2[%dma_start3A_117] : memref<16001024xf32, #tpu.memory_space<hbm>> -> memref<16001024xf32, #tpu.memory_space<hbm>>
    tpu.enqueue_indirect_dma source(%dma_start3A_118 : memref<16001024xf32, #tpu.memory_space<hbm>>) target(%arg8 : memref<4096xf32, #tpu.memory_space<vmem>>) offsets(%dma_start3A_116 : memref<4096xi32, #tpu.memory_space<vmem>>) semaphore(%arg10 : memref<!tpu.dma_semaphore, #tpu.memory_space<semaphore_mem>>)
    %dma_wait3A_119 = arith.constant 8192 : i32
    %dma_wait3A_120 = tpu.memref_slice %arg6[%dma_wait3A_119] : memref<20480xi32, #tpu.memory_space<vmem>> -> memref<4096xi32, #tpu.memory_space<vmem>>
    %dma_wait3A_121 = arith.constant 0 : i32
    %dma_wait3A_122 = tpu.memref_slice %arg2[%dma_wait3A_121] : memref<16001024xf32, #tpu.memory_space<hbm>> -> memref<16001024xf32, #tpu.memory_space<hbm>>
    tpu.wait_indirect_dma semaphore(%arg9 : memref<!tpu.dma_semaphore, #tpu.memory_space<semaphore_mem>>) src(%dma_wait3A_122 : memref<16001024xf32, #tpu.memory_space<hbm>>) dst(%arg7 : memref<4096xf32, #tpu.memory_space<vmem>>)
    %add3A_123 = arith.constant 8192 : i32
    %add3A_124 = arith.addi %add3A_90, %add3A_123 : i32
    "tpu.region"() ({
      %run_scoped3A = tpu.sem_alloc : memref<!tpu.dma_semaphore, #tpu.memory_space<semaphore_mem>>
      %dma_start3A_555 = tpu.memref_slice %arg4[%add3A_124] : memref<5242880xf32, #tpu.memory_space<hbm>> -> memref<4096xf32, #tpu.memory_space<hbm>>
      %dma_start3A_556 = tpu.memref_slice %arg4[%add3A_124] : memref<5242880xf32, #tpu.memory_space<hbm>> -> memref<4096xf32, #tpu.memory_space<hbm>>
      tpu.enqueue_dma source(%arg7 : memref<4096xf32, #tpu.memory_space<vmem>>) target(%dma_start3A_556 : memref<4096xf32, #tpu.memory_space<hbm>>) target_semaphore(%run_scoped3A : memref<!tpu.dma_semaphore, #tpu.memory_space<semaphore_mem>>)
      %dma_wait3A_557 = tpu.memref_slice %arg4[%add3A_124] : memref<5242880xf32, #tpu.memory_space<hbm>> -> memref<4096xf32, #tpu.memory_space<hbm>>
      %dma_wait3A_558 = tpu.memref_slice %arg4[%add3A_124] : memref<5242880xf32, #tpu.memory_space<hbm>> -> memref<4096xf32, #tpu.memory_space<hbm>>
      tpu.wait_dma2 semaphore(%run_scoped3A : memref<!tpu.dma_semaphore, #tpu.memory_space<semaphore_mem>>) src(%arg7 : memref<4096xf32, #tpu.memory_space<vmem>>) dst(%dma_wait3A_558 : memref<4096xf32, #tpu.memory_space<hbm>>)
      tpu.yield
    }) : () -> ()
    %dma_start3A_125 = arith.constant 16384 : i32
    %dma_start3A_126 = tpu.memref_slice %arg6[%dma_start3A_125] : memref<20480xi32, #tpu.memory_space<vmem>> -> memref<4096xi32, #tpu.memory_space<vmem>>
    %dma_start3A_127 = arith.constant 0 : i32
    %dma_start3A_128 = tpu.memref_slice %arg2[%dma_start3A_127] : memref<16001024xf32, #tpu.memory_space<hbm>> -> memref<16001024xf32, #tpu.memory_space<hbm>>
    tpu.enqueue_indirect_dma source(%dma_start3A_128 : memref<16001024xf32, #tpu.memory_space<hbm>>) target(%arg7 : memref<4096xf32, #tpu.memory_space<vmem>>) offsets(%dma_start3A_126 : memref<4096xi32, #tpu.memory_space<vmem>>) semaphore(%arg9 : memref<!tpu.dma_semaphore, #tpu.memory_space<semaphore_mem>>)
    %dma_wait3A_129 = arith.constant 12288 : i32
    %dma_wait3A_130 = tpu.memref_slice %arg6[%dma_wait3A_129] : memref<20480xi32, #tpu.memory_space<vmem>> -> memref<4096xi32, #tpu.memory_space<vmem>>
    %dma_wait3A_131 = arith.constant 0 : i32
    %dma_wait3A_132 = tpu.memref_slice %arg2[%dma_wait3A_131] : memref<16001024xf32, #tpu.memory_space<hbm>> -> memref<16001024xf32, #tpu.memory_space<hbm>>
    tpu.wait_indirect_dma semaphore(%arg10 : memref<!tpu.dma_semaphore, #tpu.memory_space<semaphore_mem>>) src(%dma_wait3A_132 : memref<16001024xf32, #tpu.memory_space<hbm>>) dst(%arg8 : memref<4096xf32, #tpu.memory_space<vmem>>)
    %add3A_133 = arith.constant 12288 : i32
    %add3A_134 = arith.addi %add3A_90, %add3A_133 : i32
    "tpu.region"() ({
      %run_scoped3A = tpu.sem_alloc : memref<!tpu.dma_semaphore, #tpu.memory_space<semaphore_mem>>
      %dma_start3A_555 = tpu.memref_slice %arg4[%add3A_134] : memref<5242880xf32, #tpu.memory_space<hbm>> -> memref<4096xf32, #tpu.memory_space<hbm>>
      %dma_start3A_556 = tpu.memref_slice %arg4[%add3A_134] : memref<5242880xf32, #tpu.memory_space<hbm>> -> memref<4096xf32, #tpu.memory_space<hbm>>
      tpu.enqueue_dma source(%arg8 : memref<4096xf32, #tpu.memory_space<vmem>>) target(%dma_start3A_556 : memref<4096xf32, #tpu.memory_space<hbm>>) target_semaphore(%run_scoped3A : memref<!tpu.dma_semaphore, #tpu.memory_space<semaphore_mem>>)
      %dma_wait3A_557 = tpu.memref_slice %arg4[%add3A_134] : memref<5242880xf32, #tpu.memory_space<hbm>> -> memref<4096xf32, #tpu.memory_space<hbm>>
      %dma_wait3A_558 = tpu.memref_slice %arg4[%add3A_134] : memref<5242880xf32, #tpu.memory_space<hbm>> -> memref<4096xf32, #tpu.memory_space<hbm>>
      tpu.wait_dma2 semaphore(%run_scoped3A : memref<!tpu.dma_semaphore, #tpu.memory_space<semaphore_mem>>) src(%arg8 : memref<4096xf32, #tpu.memory_space<vmem>>) dst(%dma_wait3A_558 : memref<4096xf32, #tpu.memory_space<hbm>>)
      tpu.yield
    }) : () -> ()
    %dma_wait3A_135 = arith.constant 16384 : i32
    %dma_wait3A_136 = tpu.memref_slice %arg6[%dma_wait3A_135] : memref<20480xi32, #tpu.memory_space<vmem>> -> memref<4096xi32, #tpu.memory_space<vmem>>
    %dma_wait3A_137 = arith.constant 0 : i32
    %dma_wait3A_138 = tpu.memref_slice %arg2[%dma_wait3A_137] : memref<16001024xf32, #tpu.memory_space<hbm>> -> memref<16001024xf32, #tpu.memory_space<hbm>>
    tpu.wait_indirect_dma semaphore(%arg9 : memref<!tpu.dma_semaphore, #tpu.memory_space<semaphore_mem>>) src(%dma_wait3A_138 : memref<16001024xf32, #tpu.memory_space<hbm>>) dst(%arg7 : memref<4096xf32, #tpu.memory_space<vmem>>)
    %add3A_139 = arith.constant 16384 : i32
    %add3A_140 = arith.addi %add3A_90, %add3A_139 : i32
    "tpu.region"() ({
      %run_scoped3A = tpu.sem_alloc : memref<!tpu.dma_semaphore, #tpu.memory_space<semaphore_mem>>
      %dma_start3A_555 = tpu.memref_slice %arg4[%add3A_140] : memref<5242880xf32, #tpu.memory_space<hbm>> -> memref<4096xf32, #tpu.memory_space<hbm>>
      %dma_start3A_556 = tpu.memref_slice %arg4[%add3A_140] : memref<5242880xf32, #tpu.memory_space<hbm>> -> memref<4096xf32, #tpu.memory_space<hbm>>
      tpu.enqueue_dma source(%arg7 : memref<4096xf32, #tpu.memory_space<vmem>>) target(%dma_start3A_556 : memref<4096xf32, #tpu.memory_space<hbm>>) target_semaphore(%run_scoped3A : memref<!tpu.dma_semaphore, #tpu.memory_space<semaphore_mem>>)
      %dma_wait3A_557 = tpu.memref_slice %arg4[%add3A_140] : memref<5242880xf32, #tpu.memory_space<hbm>> -> memref<4096xf32, #tpu.memory_space<hbm>>
      %dma_wait3A_558 = tpu.memref_slice %arg4[%add3A_140] : memref<5242880xf32, #tpu.memory_space<hbm>> -> memref<4096xf32, #tpu.memory_space<hbm>>
      tpu.wait_dma2 semaphore(%run_scoped3A : memref<!tpu.dma_semaphore, #tpu.memory_space<semaphore_mem>>) src(%arg7 : memref<4096xf32, #tpu.memory_space<vmem>>) dst(%dma_wait3A_558 : memref<4096xf32, #tpu.memory_space<hbm>>)
      tpu.yield
    }) : () -> ()
    %mul3A_141 = arith.constant 8000512 : i32
    %mul3A_142 = arith.muli %arg0, %mul3A_141 : i32
    %add3A_143 = arith.constant 256 : i32
    %add3A_144 = arith.addi %mul3A_142, %add3A_143 : i32
    %scan3A_145 = arith.constant 0 : i32
    %scan3A_146 = arith.constant 0 : i32
    %scan3A_147 = arith.constant 1280 : i32
    %scan3A_148 = arith.addi %scan3A_146, %scan3A_147 : i32
    %scan3A_149 = arith.constant 8 : i32
    scf.for %scan3A_555 = %scan3A_146 to %scan3A_148 step %scan3A_149  : i32 {
      %mul3A_556 = arith.constant 16 : i32
      %mul3A_557 = arith.muli %scan3A_555, %mul3A_556 : i32
      %get3A = arith.index_cast %mul3A_557 : i32 to index
      %get3A_558 = tpu.vector_load %arg5[%get3A] {strides = array<i32>} : memref<20480xi32, #tpu.memory_space<vmem>>, vector<16xi32>,
      %get3A_559 = vector.shape_cast %get3A_558 : vector<16xi32> to vector<16xi32>
      %mul3A_560 = arith.constant 16 : i32
      %mul3A_561 = arith.muli %scan3A_555, %mul3A_560 : i32
      %get3A_562 = arith.index_cast %mul3A_561 : i32 to index
      %get3A_563 = tpu.vector_load %arg6[%get3A_562] {strides = array<i32>} : memref<20480xi32, #tpu.memory_space<vmem>>, vector<16xi32>,
      %get3A_564 = vector.shape_cast %get3A_563 : vector<16xi32> to vector<16xi32>
      %add3A_565 = arith.constant 128 : i32
      %add3A_566 = vector.broadcast %add3A_565 : i32 to vector<16xi32>
      %add3A_567 = arith.addi %get3A_564, %add3A_566 : vector<16xi32>
      %mul3A_568 = arith.constant 16 : i32
      %mul3A_569 = arith.muli %scan3A_555, %mul3A_568 : i32
      %swap3A = arith.index_cast %mul3A_569 : i32 to index
      %swap3A_570 = tpu.vector_load %arg6[%swap3A] {strides = array<i32>} : memref<20480xi32, #tpu.memory_space<vmem>>, vector<16xi32>,
      %swap3A_571 = vector.shape_cast %swap3A_570 : vector<16xi32> to vector<16xi32>
      %swap3A_572 = vector.shape_cast %add3A_567 : vector<16xi32> to vector<16xi32>
      tpu.vector_store %arg6[%swap3A], %swap3A_572 {strides = array<i32>} : memref<20480xi32, #tpu.memory_space<vmem>>, vector<16xi32>,
      %scan3A_573 = arith.constant 1 : i32
      %scan3A_574 = arith.addi %scan3A_555, %scan3A_573 : i32
      %mul3A_575 = arith.constant 16 : i32
      %mul3A_576 = arith.muli %scan3A_574, %mul3A_575 : i32
      %get3A_577 = arith.index_cast %mul3A_576 : i32 to index
      %get3A_578 = tpu.vector_load %arg5[%get3A_577] {strides = array<i32>} : memref<20480xi32, #tpu.memory_space<vmem>>, vector<16xi32>,
      %get3A_579 = vector.shape_cast %get3A_578 : vector<16xi32> to vector<16xi32>
      %mul3A_580 = arith.constant 16 : i32
      %mul3A_581 = arith.muli %scan3A_574, %mul3A_580 : i32
      %get3A_582 = arith.index_cast %mul3A_581 : i32 to index
      %get3A_583 = tpu.vector_load %arg6[%get3A_582] {strides = array<i32>} : memref<20480xi32, #tpu.memory_space<vmem>>, vector<16xi32>,
      %get3A_584 = vector.shape_cast %get3A_583 : vector<16xi32> to vector<16xi32>
      %add3A_585 = arith.constant 128 : i32
      %add3A_586 = vector.broadcast %add3A_585 : i32 to vector<16xi32>
      %add3A_587 = arith.addi %get3A_584, %add3A_586 : vector<16xi32>
      %mul3A_588 = arith.constant 16 : i32
      %mul3A_589 = arith.muli %scan3A_574, %mul3A_588 : i32
      %swap3A_590 = arith.index_cast %mul3A_589 : i32 to index
      %swap3A_591 = tpu.vector_load %arg6[%swap3A_590] {strides = array<i32>} : memref<20480xi32, #tpu.memory_space<vmem>>, vector<16xi32>,
      %swap3A_592 = vector.shape_cast %swap3A_591 : vector<16xi32> to vector<16xi32>
      %swap3A_593 = vector.shape_cast %add3A_587 : vector<16xi32> to vector<16xi32>
      tpu.vector_store %arg6[%swap3A_590], %swap3A_593 {strides = array<i32>} : memref<20480xi32, #tpu.memory_space<vmem>>, vector<16xi32>,
      %scan3A_594 = arith.constant 2 : i32
      %scan3A_595 = arith.addi %scan3A_555, %scan3A_594 : i32
      %mul3A_596 = arith.constant 16 : i32
      %mul3A_597 = arith.muli %scan3A_595, %mul3A_596 : i32
      %get3A_598 = arith.index_cast %mul3A_597 : i32 to index
      %get3A_599 = tpu.vector_load %arg5[%get3A_598] {strides = array<i32>} : memref<20480xi32, #tpu.memory_space<vmem>>, vector<16xi32>,
      %get3A_600 = vector.shape_cast %get3A_599 : vector<16xi32> to vector<16xi32>
      %mul3A_601 = arith.constant 16 : i32
      %mul3A_602 = arith.muli %scan3A_595, %mul3A_601 : i32
      %get3A_603 = arith.index_cast %mul3A_602 : i32 to index
      %get3A_604 = tpu.vector_load %arg6[%get3A_603] {strides = array<i32>} : memref<20480xi32, #tpu.memory_space<vmem>>, vector<16xi32>,
      %get3A_605 = vector.shape_cast %get3A_604 : vector<16xi32> to vector<16xi32>
      %add3A_606 = arith.constant 128 : i32
      %add3A_607 = vector.broadcast %add3A_606 : i32 to vector<16xi32>
      %add3A_608 = arith.addi %get3A_605, %add3A_607 : vector<16xi32>
      %mul3A_609 = arith.constant 16 : i32
      %mul3A_610 = arith.muli %scan3A_595, %mul3A_609 : i32
      %swap3A_611 = arith.index_cast %mul3A_610 : i32 to index
      %swap3A_612 = tpu.vector_load %arg6[%swap3A_611] {strides = array<i32>} : memref<20480xi32, #tpu.memory_space<vmem>>, vector<16xi32>,
      %swap3A_613 = vector.shape_cast %swap3A_612 : vector<16xi32> to vector<16xi32>
      %swap3A_614 = vector.shape_cast %add3A_608 : vector<16xi32> to vector<16xi32>
      tpu.vector_store %arg6[%swap3A_611], %swap3A_614 {strides = array<i32>} : memref<20480xi32, #tpu.memory_space<vmem>>, vector<16xi32>,
      %scan3A_615 = arith.constant 3 : i32
      %scan3A_616 = arith.addi %scan3A_555, %scan3A_615 : i32
      %mul3A_617 = arith.constant 16 : i32
      %mul3A_618 = arith.muli %scan3A_616, %mul3A_617 : i32
      %get3A_619 = arith.index_cast %mul3A_618 : i32 to index
      %get3A_620 = tpu.vector_load %arg5[%get3A_619] {strides = array<i32>} : memref<20480xi32, #tpu.memory_space<vmem>>, vector<16xi32>,
      %get3A_621 = vector.shape_cast %get3A_620 : vector<16xi32> to vector<16xi32>
      %mul3A_622 = arith.constant 16 : i32
      %mul3A_623 = arith.muli %scan3A_616, %mul3A_622 : i32
      %get3A_624 = arith.index_cast %mul3A_623 : i32 to index
      %get3A_625 = tpu.vector_load %arg6[%get3A_624] {strides = array<i32>} : memref<20480xi32, #tpu.memory_space<vmem>>, vector<16xi32>,
      %get3A_626 = vector.shape_cast %get3A_625 : vector<16xi32> to vector<16xi32>
      %add3A_627 = arith.constant 128 : i32
      %add3A_628 = vector.broadcast %add3A_627 : i32 to vector<16xi32>
      %add3A_629 = arith.addi %get3A_626, %add3A_628 : vector<16xi32>
      %mul3A_630 = arith.constant 16 : i32
      %mul3A_631 = arith.muli %scan3A_616, %mul3A_630 : i32
      %swap3A_632 = arith.index_cast %mul3A_631 : i32 to index
      %swap3A_633 = tpu.vector_load %arg6[%swap3A_632] {strides = array<i32>} : memref<20480xi32, #tpu.memory_space<vmem>>, vector<16xi32>,
      %swap3A_634 = vector.shape_cast %swap3A_633 : vector<16xi32> to vector<16xi32>
      %swap3A_635 = vector.shape_cast %add3A_629 : vector<16xi32> to vector<16xi32>
      tpu.vector_store %arg6[%swap3A_632], %swap3A_635 {strides = array<i32>} : memref<20480xi32, #tpu.memory_space<vmem>>, vector<16xi32>,
      %scan3A_636 = arith.constant 4 : i32
      %scan3A_637 = arith.addi %scan3A_555, %scan3A_636 : i32
      %mul3A_638 = arith.constant 16 : i32
      %mul3A_639 = arith.muli %scan3A_637, %mul3A_638 : i32
      %get3A_640 = arith.index_cast %mul3A_639 : i32 to index
      %get3A_641 = tpu.vector_load %arg5[%get3A_640] {strides = array<i32>} : memref<20480xi32, #tpu.memory_space<vmem>>, vector<16xi32>,
      %get3A_642 = vector.shape_cast %get3A_641 : vector<16xi32> to vector<16xi32>
      %mul3A_643 = arith.constant 16 : i32
      %mul3A_644 = arith.muli %scan3A_637, %mul3A_643 : i32
      %get3A_645 = arith.index_cast %mul3A_644 : i32 to index
      %get3A_646 = tpu.vector_load %arg6[%get3A_645] {strides = array<i32>} : memref<20480xi32, #tpu.memory_space<vmem>>, vector<16xi32>,
      %get3A_647 = vector.shape_cast %get3A_646 : vector<16xi32> to vector<16xi32>
      %add3A_648 = arith.constant 128 : i32
      %add3A_649 = vector.broadcast %add3A_648 : i32 to vector<16xi32>
      %add3A_650 = arith.addi %get3A_647, %add3A_649 : vector<16xi32>
      %mul3A_651 = arith.constant 16 : i32
      %mul3A_652 = arith.muli %scan3A_637, %mul3A_651 : i32
      %swap3A_653 = arith.index_cast %mul3A_652 : i32 to index
      %swap3A_654 = tpu.vector_load %arg6[%swap3A_653] {strides = array<i32>} : memref<20480xi32, #tpu.memory_space<vmem>>, vector<16xi32>,
      %swap3A_655 = vector.shape_cast %swap3A_654 : vector<16xi32> to vector<16xi32>
      %swap3A_656 = vector.shape_cast %add3A_650 : vector<16xi32> to vector<16xi32>
      tpu.vector_store %arg6[%swap3A_653], %swap3A_656 {strides = array<i32>} : memref<20480xi32, #tpu.memory_space<vmem>>, vector<16xi32>,
      %scan3A_657 = arith.constant 5 : i32
      %scan3A_658 = arith.addi %scan3A_555, %scan3A_657 : i32
      %mul3A_659 = arith.constant 16 : i32
      %mul3A_660 = arith.muli %scan3A_658, %mul3A_659 : i32
      %get3A_661 = arith.index_cast %mul3A_660 : i32 to index
      %get3A_662 = tpu.vector_load %arg5[%get3A_661] {strides = array<i32>} : memref<20480xi32, #tpu.memory_space<vmem>>, vector<16xi32>,
      %get3A_663 = vector.shape_cast %get3A_662 : vector<16xi32> to vector<16xi32>
      %mul3A_664 = arith.constant 16 : i32
      %mul3A_665 = arith.muli %scan3A_658, %mul3A_664 : i32
      %get3A_666 = arith.index_cast %mul3A_665 : i32 to index
      %get3A_667 = tpu.vector_load %arg6[%get3A_666] {strides = array<i32>} : memref<20480xi32, #tpu.memory_space<vmem>>, vector<16xi32>,
      %get3A_668 = vector.shape_cast %get3A_667 : vector<16xi32> to vector<16xi32>
      %add3A_669 = arith.constant 128 : i32
      %add3A_670 = vector.broadcast %add3A_669 : i32 to vector<16xi32>
      %add3A_671 = arith.addi %get3A_668, %add3A_670 : vector<16xi32>
      %mul3A_672 = arith.constant 16 : i32
      %mul3A_673 = arith.muli %scan3A_658, %mul3A_672 : i32
      %swap3A_674 = arith.index_cast %mul3A_673 : i32 to index
      %swap3A_675 = tpu.vector_load %arg6[%swap3A_674] {strides = array<i32>} : memref<20480xi32, #tpu.memory_space<vmem>>, vector<16xi32>,
      %swap3A_676 = vector.shape_cast %swap3A_675 : vector<16xi32> to vector<16xi32>
      %swap3A_677 = vector.shape_cast %add3A_671 : vector<16xi32> to vector<16xi32>
      tpu.vector_store %arg6[%swap3A_674], %swap3A_677 {strides = array<i32>} : memref<20480xi32, #tpu.memory_space<vmem>>, vector<16xi32>,
      %scan3A_678 = arith.constant 6 : i32
      %scan3A_679 = arith.addi %scan3A_555, %scan3A_678 : i32
      %mul3A_680 = arith.constant 16 : i32
      %mul3A_681 = arith.muli %scan3A_679, %mul3A_680 : i32
      %get3A_682 = arith.index_cast %mul3A_681 : i32 to index
      %get3A_683 = tpu.vector_load %arg5[%get3A_682] {strides = array<i32>} : memref<20480xi32, #tpu.memory_space<vmem>>, vector<16xi32>,
      %get3A_684 = vector.shape_cast %get3A_683 : vector<16xi32> to vector<16xi32>
      %mul3A_685 = arith.constant 16 : i32
      %mul3A_686 = arith.muli %scan3A_679, %mul3A_685 : i32
      %get3A_687 = arith.index_cast %mul3A_686 : i32 to index
      %get3A_688 = tpu.vector_load %arg6[%get3A_687] {strides = array<i32>} : memref<20480xi32, #tpu.memory_space<vmem>>, vector<16xi32>,
      %get3A_689 = vector.shape_cast %get3A_688 : vector<16xi32> to vector<16xi32>
      %add3A_690 = arith.constant 128 : i32
      %add3A_691 = vector.broadcast %add3A_690 : i32 to vector<16xi32>
      %add3A_692 = arith.addi %get3A_689, %add3A_691 : vector<16xi32>
      %mul3A_693 = arith.constant 16 : i32
      %mul3A_694 = arith.muli %scan3A_679, %mul3A_693 : i32
      %swap3A_695 = arith.index_cast %mul3A_694 : i32 to index
      %swap3A_696 = tpu.vector_load %arg6[%swap3A_695] {strides = array<i32>} : memref<20480xi32, #tpu.memory_space<vmem>>, vector<16xi32>,
      %swap3A_697 = vector.shape_cast %swap3A_696 : vector<16xi32> to vector<16xi32>
      %swap3A_698 = vector.shape_cast %add3A_692 : vector<16xi32> to vector<16xi32>
      tpu.vector_store %arg6[%swap3A_695], %swap3A_698 {strides = array<i32>} : memref<20480xi32, #tpu.memory_space<vmem>>, vector<16xi32>,
      %scan3A_699 = arith.constant 7 : i32
      %scan3A_700 = arith.addi %scan3A_555, %scan3A_699 : i32
      %mul3A_701 = arith.constant 16 : i32
      %mul3A_702 = arith.muli %scan3A_700, %mul3A_701 : i32
      %get3A_703 = arith.index_cast %mul3A_702 : i32 to index
      %get3A_704 = tpu.vector_load %arg5[%get3A_703] {strides = array<i32>} : memref<20480xi32, #tpu.memory_space<vmem>>, vector<16xi32>,
      %get3A_705 = vector.shape_cast %get3A_704 : vector<16xi32> to vector<16xi32>
      %mul3A_706 = arith.constant 16 : i32
      %mul3A_707 = arith.muli %scan3A_700, %mul3A_706 : i32
      %get3A_708 = arith.index_cast %mul3A_707 : i32 to index
      %get3A_709 = tpu.vector_load %arg6[%get3A_708] {strides = array<i32>} : memref<20480xi32, #tpu.memory_space<vmem>>, vector<16xi32>,
      %get3A_710 = vector.shape_cast %get3A_709 : vector<16xi32> to vector<16xi32>
      %add3A_711 = arith.constant 128 : i32
      %add3A_712 = vector.broadcast %add3A_711 : i32 to vector<16xi32>
      %add3A_713 = arith.addi %get3A_710, %add3A_712 : vector<16xi32>
      %mul3A_714 = arith.constant 16 : i32
      %mul3A_715 = arith.muli %scan3A_700, %mul3A_714 : i32
      %swap3A_716 = arith.index_cast %mul3A_715 : i32 to index
      %swap3A_717 = tpu.vector_load %arg6[%swap3A_716] {strides = array<i32>} : memref<20480xi32, #tpu.memory_space<vmem>>, vector<16xi32>,
      %swap3A_718 = vector.shape_cast %swap3A_717 : vector<16xi32> to vector<16xi32>
      %swap3A_719 = vector.shape_cast %add3A_713 : vector<16xi32> to vector<16xi32>
      tpu.vector_store %arg6[%swap3A_716], %swap3A_719 {strides = array<i32>} : memref<20480xi32, #tpu.memory_space<vmem>>, vector<16xi32>,
    }
    %scan3A_150 = arith.constant 1280 : i32
    %mul3A_151 = arith.constant 8 : i32
    %mul3A_152 = arith.muli %arg0, %mul3A_151 : i32
    %add3A_153 = arith.constant 2 : i32
    %add3A_154 = arith.addi %mul3A_152, %add3A_153 : i32
    %mul3A_155 = arith.constant 327680 : i32
    %mul3A_156 = arith.muli %add3A_154, %mul3A_155 : i32
    %mul3A_157 = arith.constant 20480 : i32
    %mul3A_158 = arith.muli %arg1, %mul3A_157 : i32
    %add3A_159 = arith.addi %mul3A_156, %mul3A_158 : i32
    %dma_start3A_160 = arith.constant 0 : i32
    %dma_start3A_161 = tpu.memref_slice %arg6[%dma_start3A_160] : memref<20480xi32, #tpu.memory_space<vmem>> -> memref<4096xi32, #tpu.memory_space<vmem>>
    %dma_start3A_162 = arith.constant 0 : i32
    %dma_start3A_163 = tpu.memref_slice %arg2[%dma_start3A_162] : memref<16001024xf32, #tpu.memory_space<hbm>> -> memref<16001024xf32, #tpu.memory_space<hbm>>
    tpu.enqueue_indirect_dma source(%dma_start3A_163 : memref<16001024xf32, #tpu.memory_space<hbm>>) target(%arg7 : memref<4096xf32, #tpu.memory_space<vmem>>) offsets(%dma_start3A_161 : memref<4096xi32, #tpu.memory_space<vmem>>) semaphore(%arg9 : memref<!tpu.dma_semaphore, #tpu.memory_space<semaphore_mem>>)
    %dma_start3A_164 = arith.constant 4096 : i32
    %dma_start3A_165 = tpu.memref_slice %arg6[%dma_start3A_164] : memref<20480xi32, #tpu.memory_space<vmem>> -> memref<4096xi32, #tpu.memory_space<vmem>>
    %dma_start3A_166 = arith.constant 0 : i32
    %dma_start3A_167 = tpu.memref_slice %arg2[%dma_start3A_166] : memref<16001024xf32, #tpu.memory_space<hbm>> -> memref<16001024xf32, #tpu.memory_space<hbm>>
    tpu.enqueue_indirect_dma source(%dma_start3A_167 : memref<16001024xf32, #tpu.memory_space<hbm>>) target(%arg8 : memref<4096xf32, #tpu.memory_space<vmem>>) offsets(%dma_start3A_165 : memref<4096xi32, #tpu.memory_space<vmem>>) semaphore(%arg10 : memref<!tpu.dma_semaphore, #tpu.memory_space<semaphore_mem>>)
    %dma_wait3A_168 = arith.constant 0 : i32
    %dma_wait3A_169 = tpu.memref_slice %arg6[%dma_wait3A_168] : memref<20480xi32, #tpu.memory_space<vmem>> -> memref<4096xi32, #tpu.memory_space<vmem>>
    %dma_wait3A_170 = arith.constant 0 : i32
    %dma_wait3A_171 = tpu.memref_slice %arg2[%dma_wait3A_170] : memref<16001024xf32, #tpu.memory_space<hbm>> -> memref<16001024xf32, #tpu.memory_space<hbm>>
    tpu.wait_indirect_dma semaphore(%arg9 : memref<!tpu.dma_semaphore, #tpu.memory_space<semaphore_mem>>) src(%dma_wait3A_171 : memref<16001024xf32, #tpu.memory_space<hbm>>) dst(%arg7 : memref<4096xf32, #tpu.memory_space<vmem>>)
    %add3A_172 = arith.constant 0 : i32
    %add3A_173 = arith.addi %add3A_159, %add3A_172 : i32
    "tpu.region"() ({
      %run_scoped3A = tpu.sem_alloc : memref<!tpu.dma_semaphore, #tpu.memory_space<semaphore_mem>>
      %dma_start3A_555 = tpu.memref_slice %arg4[%add3A_173] : memref<5242880xf32, #tpu.memory_space<hbm>> -> memref<4096xf32, #tpu.memory_space<hbm>>
      %dma_start3A_556 = tpu.memref_slice %arg4[%add3A_173] : memref<5242880xf32, #tpu.memory_space<hbm>> -> memref<4096xf32, #tpu.memory_space<hbm>>
      tpu.enqueue_dma source(%arg7 : memref<4096xf32, #tpu.memory_space<vmem>>) target(%dma_start3A_556 : memref<4096xf32, #tpu.memory_space<hbm>>) target_semaphore(%run_scoped3A : memref<!tpu.dma_semaphore, #tpu.memory_space<semaphore_mem>>)
      %dma_wait3A_557 = tpu.memref_slice %arg4[%add3A_173] : memref<5242880xf32, #tpu.memory_space<hbm>> -> memref<4096xf32, #tpu.memory_space<hbm>>
      %dma_wait3A_558 = tpu.memref_slice %arg4[%add3A_173] : memref<5242880xf32, #tpu.memory_space<hbm>> -> memref<4096xf32, #tpu.memory_space<hbm>>
      tpu.wait_dma2 semaphore(%run_scoped3A : memref<!tpu.dma_semaphore, #tpu.memory_space<semaphore_mem>>) src(%arg7 : memref<4096xf32, #tpu.memory_space<vmem>>) dst(%dma_wait3A_558 : memref<4096xf32, #tpu.memory_space<hbm>>)
      tpu.yield
    }) : () -> ()
    %dma_start3A_174 = arith.constant 8192 : i32
    %dma_start3A_175 = tpu.memref_slice %arg6[%dma_start3A_174] : memref<20480xi32, #tpu.memory_space<vmem>> -> memref<4096xi32, #tpu.memory_space<vmem>>
    %dma_start3A_176 = arith.constant 0 : i32
    %dma_start3A_177 = tpu.memref_slice %arg2[%dma_start3A_176] : memref<16001024xf32, #tpu.memory_space<hbm>> -> memref<16001024xf32, #tpu.memory_space<hbm>>
    tpu.enqueue_indirect_dma source(%dma_start3A_177 : memref<16001024xf32, #tpu.memory_space<hbm>>) target(%arg7 : memref<4096xf32, #tpu.memory_space<vmem>>) offsets(%dma_start3A_175 : memref<4096xi32, #tpu.memory_space<vmem>>) semaphore(%arg9 : memref<!tpu.dma_semaphore, #tpu.memory_space<semaphore_mem>>)
    %dma_wait3A_178 = arith.constant 4096 : i32
    %dma_wait3A_179 = tpu.memref_slice %arg6[%dma_wait3A_178] : memref<20480xi32, #tpu.memory_space<vmem>> -> memref<4096xi32, #tpu.memory_space<vmem>>
    %dma_wait3A_180 = arith.constant 0 : i32
    %dma_wait3A_181 = tpu.memref_slice %arg2[%dma_wait3A_180] : memref<16001024xf32, #tpu.memory_space<hbm>> -> memref<16001024xf32, #tpu.memory_space<hbm>>
    tpu.wait_indirect_dma semaphore(%arg10 : memref<!tpu.dma_semaphore, #tpu.memory_space<semaphore_mem>>) src(%dma_wait3A_181 : memref<16001024xf32, #tpu.memory_space<hbm>>) dst(%arg8 : memref<4096xf32, #tpu.memory_space<vmem>>)
    %add3A_182 = arith.constant 4096 : i32
    %add3A_183 = arith.addi %add3A_159, %add3A_182 : i32
    "tpu.region"() ({
      %run_scoped3A = tpu.sem_alloc : memref<!tpu.dma_semaphore, #tpu.memory_space<semaphore_mem>>
      %dma_start3A_555 = tpu.memref_slice %arg4[%add3A_183] : memref<5242880xf32, #tpu.memory_space<hbm>> -> memref<4096xf32, #tpu.memory_space<hbm>>
      %dma_start3A_556 = tpu.memref_slice %arg4[%add3A_183] : memref<5242880xf32, #tpu.memory_space<hbm>> -> memref<4096xf32, #tpu.memory_space<hbm>>
      tpu.enqueue_dma source(%arg8 : memref<4096xf32, #tpu.memory_space<vmem>>) target(%dma_start3A_556 : memref<4096xf32, #tpu.memory_space<hbm>>) target_semaphore(%run_scoped3A : memref<!tpu.dma_semaphore, #tpu.memory_space<semaphore_mem>>)
      %dma_wait3A_557 = tpu.memref_slice %arg4[%add3A_183] : memref<5242880xf32, #tpu.memory_space<hbm>> -> memref<4096xf32, #tpu.memory_space<hbm>>
      %dma_wait3A_558 = tpu.memref_slice %arg4[%add3A_183] : memref<5242880xf32, #tpu.memory_space<hbm>> -> memref<4096xf32, #tpu.memory_space<hbm>>
      tpu.wait_dma2 semaphore(%run_scoped3A : memref<!tpu.dma_semaphore, #tpu.memory_space<semaphore_mem>>) src(%arg8 : memref<4096xf32, #tpu.memory_space<vmem>>) dst(%dma_wait3A_558 : memref<4096xf32, #tpu.memory_space<hbm>>)
      tpu.yield
    }) : () -> ()
    %dma_start3A_184 = arith.constant 12288 : i32
    %dma_start3A_185 = tpu.memref_slice %arg6[%dma_start3A_184] : memref<20480xi32, #tpu.memory_space<vmem>> -> memref<4096xi32, #tpu.memory_space<vmem>>
    %dma_start3A_186 = arith.constant 0 : i32
    %dma_start3A_187 = tpu.memref_slice %arg2[%dma_start3A_186] : memref<16001024xf32, #tpu.memory_space<hbm>> -> memref<16001024xf32, #tpu.memory_space<hbm>>
    tpu.enqueue_indirect_dma source(%dma_start3A_187 : memref<16001024xf32, #tpu.memory_space<hbm>>) target(%arg8 : memref<4096xf32, #tpu.memory_space<vmem>>) offsets(%dma_start3A_185 : memref<4096xi32, #tpu.memory_space<vmem>>) semaphore(%arg10 : memref<!tpu.dma_semaphore, #tpu.memory_space<semaphore_mem>>)
    %dma_wait3A_188 = arith.constant 8192 : i32
    %dma_wait3A_189 = tpu.memref_slice %arg6[%dma_wait3A_188] : memref<20480xi32, #tpu.memory_space<vmem>> -> memref<4096xi32, #tpu.memory_space<vmem>>
    %dma_wait3A_190 = arith.constant 0 : i32
    %dma_wait3A_191 = tpu.memref_slice %arg2[%dma_wait3A_190] : memref<16001024xf32, #tpu.memory_space<hbm>> -> memref<16001024xf32, #tpu.memory_space<hbm>>
    tpu.wait_indirect_dma semaphore(%arg9 : memref<!tpu.dma_semaphore, #tpu.memory_space<semaphore_mem>>) src(%dma_wait3A_191 : memref<16001024xf32, #tpu.memory_space<hbm>>) dst(%arg7 : memref<4096xf32, #tpu.memory_space<vmem>>)
    %add3A_192 = arith.constant 8192 : i32
    %add3A_193 = arith.addi %add3A_159, %add3A_192 : i32
    "tpu.region"() ({
      %run_scoped3A = tpu.sem_alloc : memref<!tpu.dma_semaphore, #tpu.memory_space<semaphore_mem>>
      %dma_start3A_555 = tpu.memref_slice %arg4[%add3A_193] : memref<5242880xf32, #tpu.memory_space<hbm>> -> memref<4096xf32, #tpu.memory_space<hbm>>
      %dma_start3A_556 = tpu.memref_slice %arg4[%add3A_193] : memref<5242880xf32, #tpu.memory_space<hbm>> -> memref<4096xf32, #tpu.memory_space<hbm>>
      tpu.enqueue_dma source(%arg7 : memref<4096xf32, #tpu.memory_space<vmem>>) target(%dma_start3A_556 : memref<4096xf32, #tpu.memory_space<hbm>>) target_semaphore(%run_scoped3A : memref<!tpu.dma_semaphore, #tpu.memory_space<semaphore_mem>>)
      %dma_wait3A_557 = tpu.memref_slice %arg4[%add3A_193] : memref<5242880xf32, #tpu.memory_space<hbm>> -> memref<4096xf32, #tpu.memory_space<hbm>>
      %dma_wait3A_558 = tpu.memref_slice %arg4[%add3A_193] : memref<5242880xf32, #tpu.memory_space<hbm>> -> memref<4096xf32, #tpu.memory_space<hbm>>
      tpu.wait_dma2 semaphore(%run_scoped3A : memref<!tpu.dma_semaphore, #tpu.memory_space<semaphore_mem>>) src(%arg7 : memref<4096xf32, #tpu.memory_space<vmem>>) dst(%dma_wait3A_558 : memref<4096xf32, #tpu.memory_space<hbm>>)
      tpu.yield
    }) : () -> ()
    %dma_start3A_194 = arith.constant 16384 : i32
    %dma_start3A_195 = tpu.memref_slice %arg6[%dma_start3A_194] : memref<20480xi32, #tpu.memory_space<vmem>> -> memref<4096xi32, #tpu.memory_space<vmem>>
    %dma_start3A_196 = arith.constant 0 : i32
    %dma_start3A_197 = tpu.memref_slice %arg2[%dma_start3A_196] : memref<16001024xf32, #tpu.memory_space<hbm>> -> memref<16001024xf32, #tpu.memory_space<hbm>>
    tpu.enqueue_indirect_dma source(%dma_start3A_197 : memref<16001024xf32, #tpu.memory_space<hbm>>) target(%arg7 : memref<4096xf32, #tpu.memory_space<vmem>>) offsets(%dma_start3A_195 : memref<4096xi32, #tpu.memory_space<vmem>>) semaphore(%arg9 : memref<!tpu.dma_semaphore, #tpu.memory_space<semaphore_mem>>)
    %dma_wait3A_198 = arith.constant 12288 : i32
    %dma_wait3A_199 = tpu.memref_slice %arg6[%dma_wait3A_198] : memref<20480xi32, #tpu.memory_space<vmem>> -> memref<4096xi32, #tpu.memory_space<vmem>>
    %dma_wait3A_200 = arith.constant 0 : i32
    %dma_wait3A_201 = tpu.memref_slice %arg2[%dma_wait3A_200] : memref<16001024xf32, #tpu.memory_space<hbm>> -> memref<16001024xf32, #tpu.memory_space<hbm>>
    tpu.wait_indirect_dma semaphore(%arg10 : memref<!tpu.dma_semaphore, #tpu.memory_space<semaphore_mem>>) src(%dma_wait3A_201 : memref<16001024xf32, #tpu.memory_space<hbm>>) dst(%arg8 : memref<4096xf32, #tpu.memory_space<vmem>>)
    %add3A_202 = arith.constant 12288 : i32
    %add3A_203 = arith.addi %add3A_159, %add3A_202 : i32
    "tpu.region"() ({
      %run_scoped3A = tpu.sem_alloc : memref<!tpu.dma_semaphore, #tpu.memory_space<semaphore_mem>>
      %dma_start3A_555 = tpu.memref_slice %arg4[%add3A_203] : memref<5242880xf32, #tpu.memory_space<hbm>> -> memref<4096xf32, #tpu.memory_space<hbm>>
      %dma_start3A_556 = tpu.memref_slice %arg4[%add3A_203] : memref<5242880xf32, #tpu.memory_space<hbm>> -> memref<4096xf32, #tpu.memory_space<hbm>>
      tpu.enqueue_dma source(%arg8 : memref<4096xf32, #tpu.memory_space<vmem>>) target(%dma_start3A_556 : memref<4096xf32, #tpu.memory_space<hbm>>) target_semaphore(%run_scoped3A : memref<!tpu.dma_semaphore, #tpu.memory_space<semaphore_mem>>)
      %dma_wait3A_557 = tpu.memref_slice %arg4[%add3A_203] : memref<5242880xf32, #tpu.memory_space<hbm>> -> memref<4096xf32, #tpu.memory_space<hbm>>
      %dma_wait3A_558 = tpu.memref_slice %arg4[%add3A_203] : memref<5242880xf32, #tpu.memory_space<hbm>> -> memref<4096xf32, #tpu.memory_space<hbm>>
      tpu.wait_dma2 semaphore(%run_scoped3A : memref<!tpu.dma_semaphore, #tpu.memory_space<semaphore_mem>>) src(%arg8 : memref<4096xf32, #tpu.memory_space<vmem>>) dst(%dma_wait3A_558 : memref<4096xf32, #tpu.memory_space<hbm>>)
      tpu.yield
    }) : () -> ()
    %dma_wait3A_204 = arith.constant 16384 : i32
    %dma_wait3A_205 = tpu.memref_slice %arg6[%dma_wait3A_204] : memref<20480xi32, #tpu.memory_space<vmem>> -> memref<4096xi32, #tpu.memory_space<vmem>>
    %dma_wait3A_206 = arith.constant 0 : i32
    %dma_wait3A_207 = tpu.memref_slice %arg2[%dma_wait3A_206] : memref<16001024xf32, #tpu.memory_space<hbm>> -> memref<16001024xf32, #tpu.memory_space<hbm>>
    tpu.wait_indirect_dma semaphore(%arg9 : memref<!tpu.dma_semaphore, #tpu.memory_space<semaphore_mem>>) src(%dma_wait3A_207 : memref<16001024xf32, #tpu.memory_space<hbm>>) dst(%arg7 : memref<4096xf32, #tpu.memory_space<vmem>>)
    %add3A_208 = arith.constant 16384 : i32
    %add3A_209 = arith.addi %add3A_159, %add3A_208 : i32
    "tpu.region"() ({
      %run_scoped3A = tpu.sem_alloc : memref<!tpu.dma_semaphore, #tpu.memory_space<semaphore_mem>>
      %dma_start3A_555 = tpu.memref_slice %arg4[%add3A_209] : memref<5242880xf32, #tpu.memory_space<hbm>> -> memref<4096xf32, #tpu.memory_space<hbm>>
      %dma_start3A_556 = tpu.memref_slice %arg4[%add3A_209] : memref<5242880xf32, #tpu.memory_space<hbm>> -> memref<4096xf32, #tpu.memory_space<hbm>>
      tpu.enqueue_dma source(%arg7 : memref<4096xf32, #tpu.memory_space<vmem>>) target(%dma_start3A_556 : memref<4096xf32, #tpu.memory_space<hbm>>) target_semaphore(%run_scoped3A : memref<!tpu.dma_semaphore, #tpu.memory_space<semaphore_mem>>)
      %dma_wait3A_557 = tpu.memref_slice %arg4[%add3A_209] : memref<5242880xf32, #tpu.memory_space<hbm>> -> memref<4096xf32, #tpu.memory_space<hbm>>
      %dma_wait3A_558 = tpu.memref_slice %arg4[%add3A_209] : memref<5242880xf32, #tpu.memory_space<hbm>> -> memref<4096xf32, #tpu.memory_space<hbm>>
      tpu.wait_dma2 semaphore(%run_scoped3A : memref<!tpu.dma_semaphore, #tpu.memory_space<semaphore_mem>>) src(%arg7 : memref<4096xf32, #tpu.memory_space<vmem>>) dst(%dma_wait3A_558 : memref<4096xf32, #tpu.memory_space<hbm>>)
      tpu.yield
    }) : () -> ()
    %mul3A_210 = arith.constant 8000512 : i32
    %mul3A_211 = arith.muli %arg0, %mul3A_210 : i32
    %add3A_212 = arith.constant 384 : i32
    %add3A_213 = arith.addi %mul3A_211, %add3A_212 : i32
    %scan3A_214 = arith.constant 0 : i32
    %scan3A_215 = arith.constant 0 : i32
    %scan3A_216 = arith.constant 1280 : i32
    %scan3A_217 = arith.addi %scan3A_215, %scan3A_216 : i32
    %scan3A_218 = arith.constant 8 : i32
    scf.for %scan3A_555 = %scan3A_215 to %scan3A_217 step %scan3A_218  : i32 {
      %mul3A_556 = arith.constant 16 : i32
      %mul3A_557 = arith.muli %scan3A_555, %mul3A_556 : i32
      %get3A = arith.index_cast %mul3A_557 : i32 to index
      %get3A_558 = tpu.vector_load %arg5[%get3A] {strides = array<i32>} : memref<20480xi32, #tpu.memory_space<vmem>>, vector<16xi32>,
      %get3A_559 = vector.shape_cast %get3A_558 : vector<16xi32> to vector<16xi32>
      %mul3A_560 = arith.constant 16 : i32
      %mul3A_561 = arith.muli %scan3A_555, %mul3A_560 : i32
      %get3A_562 = arith.index_cast %mul3A_561 : i32 to index
      %get3A_563 = tpu.vector_load %arg6[%get3A_562] {strides = array<i32>} : memref<20480xi32, #tpu.memory_space<vmem>>, vector<16xi32>,
      %get3A_564 = vector.shape_cast %get3A_563 : vector<16xi32> to vector<16xi32>
      %add3A_565 = arith.constant 128 : i32
      %add3A_566 = vector.broadcast %add3A_565 : i32 to vector<16xi32>
      %add3A_567 = arith.addi %get3A_564, %add3A_566 : vector<16xi32>
      %mul3A_568 = arith.constant 16 : i32
      %mul3A_569 = arith.muli %scan3A_555, %mul3A_568 : i32
      %swap3A = arith.index_cast %mul3A_569 : i32 to index
      %swap3A_570 = tpu.vector_load %arg6[%swap3A] {strides = array<i32>} : memref<20480xi32, #tpu.memory_space<vmem>>, vector<16xi32>,
      %swap3A_571 = vector.shape_cast %swap3A_570 : vector<16xi32> to vector<16xi32>
      %swap3A_572 = vector.shape_cast %add3A_567 : vector<16xi32> to vector<16xi32>
      tpu.vector_store %arg6[%swap3A], %swap3A_572 {strides = array<i32>} : memref<20480xi32, #tpu.memory_space<vmem>>, vector<16xi32>,
      %scan3A_573 = arith.constant 1 : i32
      %scan3A_574 = arith.addi %scan3A_555, %scan3A_573 : i32
      %mul3A_575 = arith.constant 16 : i32
      %mul3A_576 = arith.muli %scan3A_574, %mul3A_575 : i32
      %get3A_577 = arith.index_cast %mul3A_576 : i32 to index
      %get3A_578 = tpu.vector_load %arg5[%get3A_577] {strides = array<i32>} : memref<20480xi32, #tpu.memory_space<vmem>>, vector<16xi32>,
      %get3A_579 = vector.shape_cast %get3A_578 : vector<16xi32> to vector<16xi32>
      %mul3A_580 = arith.constant 16 : i32
      %mul3A_581 = arith.muli %scan3A_574, %mul3A_580 : i32
      %get3A_582 = arith.index_cast %mul3A_581 : i32 to index
      %get3A_583 = tpu.vector_load %arg6[%get3A_582] {strides = array<i32>} : memref<20480xi32, #tpu.memory_space<vmem>>, vector<16xi32>,
      %get3A_584 = vector.shape_cast %get3A_583 : vector<16xi32> to vector<16xi32>
      %add3A_585 = arith.constant 128 : i32
      %add3A_586 = vector.broadcast %add3A_585 : i32 to vector<16xi32>
      %add3A_587 = arith.addi %get3A_584, %add3A_586 : vector<16xi32>
      %mul3A_588 = arith.constant 16 : i32
      %mul3A_589 = arith.muli %scan3A_574, %mul3A_588 : i32
      %swap3A_590 = arith.index_cast %mul3A_589 : i32 to index
      %swap3A_591 = tpu.vector_load %arg6[%swap3A_590] {strides = array<i32>} : memref<20480xi32, #tpu.memory_space<vmem>>, vector<16xi32>,
      %swap3A_592 = vector.shape_cast %swap3A_591 : vector<16xi32> to vector<16xi32>
      %swap3A_593 = vector.shape_cast %add3A_587 : vector<16xi32> to vector<16xi32>
      tpu.vector_store %arg6[%swap3A_590], %swap3A_593 {strides = array<i32>} : memref<20480xi32, #tpu.memory_space<vmem>>, vector<16xi32>,
      %scan3A_594 = arith.constant 2 : i32
      %scan3A_595 = arith.addi %scan3A_555, %scan3A_594 : i32
      %mul3A_596 = arith.constant 16 : i32
      %mul3A_597 = arith.muli %scan3A_595, %mul3A_596 : i32
      %get3A_598 = arith.index_cast %mul3A_597 : i32 to index
      %get3A_599 = tpu.vector_load %arg5[%get3A_598] {strides = array<i32>} : memref<20480xi32, #tpu.memory_space<vmem>>, vector<16xi32>,
      %get3A_600 = vector.shape_cast %get3A_599 : vector<16xi32> to vector<16xi32>
      %mul3A_601 = arith.constant 16 : i32
      %mul3A_602 = arith.muli %scan3A_595, %mul3A_601 : i32
      %get3A_603 = arith.index_cast %mul3A_602 : i32 to index
      %get3A_604 = tpu.vector_load %arg6[%get3A_603] {strides = array<i32>} : memref<20480xi32, #tpu.memory_space<vmem>>, vector<16xi32>,
      %get3A_605 = vector.shape_cast %get3A_604 : vector<16xi32> to vector<16xi32>
      %add3A_606 = arith.constant 128 : i32
      %add3A_607 = vector.broadcast %add3A_606 : i32 to vector<16xi32>
      %add3A_608 = arith.addi %get3A_605, %add3A_607 : vector<16xi32>
      %mul3A_609 = arith.constant 16 : i32
      %mul3A_610 = arith.muli %scan3A_595, %mul3A_609 : i32
      %swap3A_611 = arith.index_cast %mul3A_610 : i32 to index
      %swap3A_612 = tpu.vector_load %arg6[%swap3A_611] {strides = array<i32>} : memref<20480xi32, #tpu.memory_space<vmem>>, vector<16xi32>,
      %swap3A_613 = vector.shape_cast %swap3A_612 : vector<16xi32> to vector<16xi32>
      %swap3A_614 = vector.shape_cast %add3A_608 : vector<16xi32> to vector<16xi32>
      tpu.vector_store %arg6[%swap3A_611], %swap3A_614 {strides = array<i32>} : memref<20480xi32, #tpu.memory_space<vmem>>, vector<16xi32>,
      %scan3A_615 = arith.constant 3 : i32
      %scan3A_616 = arith.addi %scan3A_555, %scan3A_615 : i32
      %mul3A_617 = arith.constant 16 : i32
      %mul3A_618 = arith.muli %scan3A_616, %mul3A_617 : i32
      %get3A_619 = arith.index_cast %mul3A_618 : i32 to index
      %get3A_620 = tpu.vector_load %arg5[%get3A_619] {strides = array<i32>} : memref<20480xi32, #tpu.memory_space<vmem>>, vector<16xi32>,
      %get3A_621 = vector.shape_cast %get3A_620 : vector<16xi32> to vector<16xi32>
      %mul3A_622 = arith.constant 16 : i32
      %mul3A_623 = arith.muli %scan3A_616, %mul3A_622 : i32
      %get3A_624 = arith.index_cast %mul3A_623 : i32 to index
      %get3A_625 = tpu.vector_load %arg6[%get3A_624] {strides = array<i32>} : memref<20480xi32, #tpu.memory_space<vmem>>, vector<16xi32>,
      %get3A_626 = vector.shape_cast %get3A_625 : vector<16xi32> to vector<16xi32>
      %add3A_627 = arith.constant 128 : i32
      %add3A_628 = vector.broadcast %add3A_627 : i32 to vector<16xi32>
      %add3A_629 = arith.addi %get3A_626, %add3A_628 : vector<16xi32>
      %mul3A_630 = arith.constant 16 : i32
      %mul3A_631 = arith.muli %scan3A_616, %mul3A_630 : i32
      %swap3A_632 = arith.index_cast %mul3A_631 : i32 to index
      %swap3A_633 = tpu.vector_load %arg6[%swap3A_632] {strides = array<i32>} : memref<20480xi32, #tpu.memory_space<vmem>>, vector<16xi32>,
      %swap3A_634 = vector.shape_cast %swap3A_633 : vector<16xi32> to vector<16xi32>
      %swap3A_635 = vector.shape_cast %add3A_629 : vector<16xi32> to vector<16xi32>
      tpu.vector_store %arg6[%swap3A_632], %swap3A_635 {strides = array<i32>} : memref<20480xi32, #tpu.memory_space<vmem>>, vector<16xi32>,
      %scan3A_636 = arith.constant 4 : i32
      %scan3A_637 = arith.addi %scan3A_555, %scan3A_636 : i32
      %mul3A_638 = arith.constant 16 : i32
      %mul3A_639 = arith.muli %scan3A_637, %mul3A_638 : i32
      %get3A_640 = arith.index_cast %mul3A_639 : i32 to index
      %get3A_641 = tpu.vector_load %arg5[%get3A_640] {strides = array<i32>} : memref<20480xi32, #tpu.memory_space<vmem>>, vector<16xi32>,
      %get3A_642 = vector.shape_cast %get3A_641 : vector<16xi32> to vector<16xi32>
      %mul3A_643 = arith.constant 16 : i32
      %mul3A_644 = arith.muli %scan3A_637, %mul3A_643 : i32
      %get3A_645 = arith.index_cast %mul3A_644 : i32 to index
      %get3A_646 = tpu.vector_load %arg6[%get3A_645] {strides = array<i32>} : memref<20480xi32, #tpu.memory_space<vmem>>, vector<16xi32>,
      %get3A_647 = vector.shape_cast %get3A_646 : vector<16xi32> to vector<16xi32>
      %add3A_648 = arith.constant 128 : i32
      %add3A_649 = vector.broadcast %add3A_648 : i32 to vector<16xi32>
      %add3A_650 = arith.addi %get3A_647, %add3A_649 : vector<16xi32>
      %mul3A_651 = arith.constant 16 : i32
      %mul3A_652 = arith.muli %scan3A_637, %mul3A_651 : i32
      %swap3A_653 = arith.index_cast %mul3A_652 : i32 to index
      %swap3A_654 = tpu.vector_load %arg6[%swap3A_653] {strides = array<i32>} : memref<20480xi32, #tpu.memory_space<vmem>>, vector<16xi32>,
      %swap3A_655 = vector.shape_cast %swap3A_654 : vector<16xi32> to vector<16xi32>
      %swap3A_656 = vector.shape_cast %add3A_650 : vector<16xi32> to vector<16xi32>
      tpu.vector_store %arg6[%swap3A_653], %swap3A_656 {strides = array<i32>} : memref<20480xi32, #tpu.memory_space<vmem>>, vector<16xi32>,
      %scan3A_657 = arith.constant 5 : i32
      %scan3A_658 = arith.addi %scan3A_555, %scan3A_657 : i32
      %mul3A_659 = arith.constant 16 : i32
      %mul3A_660 = arith.muli %scan3A_658, %mul3A_659 : i32
      %get3A_661 = arith.index_cast %mul3A_660 : i32 to index
      %get3A_662 = tpu.vector_load %arg5[%get3A_661] {strides = array<i32>} : memref<20480xi32, #tpu.memory_space<vmem>>, vector<16xi32>,
      %get3A_663 = vector.shape_cast %get3A_662 : vector<16xi32> to vector<16xi32>
      %mul3A_664 = arith.constant 16 : i32
      %mul3A_665 = arith.muli %scan3A_658, %mul3A_664 : i32
      %get3A_666 = arith.index_cast %mul3A_665 : i32 to index
      %get3A_667 = tpu.vector_load %arg6[%get3A_666] {strides = array<i32>} : memref<20480xi32, #tpu.memory_space<vmem>>, vector<16xi32>,
      %get3A_668 = vector.shape_cast %get3A_667 : vector<16xi32> to vector<16xi32>
      %add3A_669 = arith.constant 128 : i32
      %add3A_670 = vector.broadcast %add3A_669 : i32 to vector<16xi32>
      %add3A_671 = arith.addi %get3A_668, %add3A_670 : vector<16xi32>
      %mul3A_672 = arith.constant 16 : i32
      %mul3A_673 = arith.muli %scan3A_658, %mul3A_672 : i32
      %swap3A_674 = arith.index_cast %mul3A_673 : i32 to index
      %swap3A_675 = tpu.vector_load %arg6[%swap3A_674] {strides = array<i32>} : memref<20480xi32, #tpu.memory_space<vmem>>, vector<16xi32>,
      %swap3A_676 = vector.shape_cast %swap3A_675 : vector<16xi32> to vector<16xi32>
      %swap3A_677 = vector.shape_cast %add3A_671 : vector<16xi32> to vector<16xi32>
      tpu.vector_store %arg6[%swap3A_674], %swap3A_677 {strides = array<i32>} : memref<20480xi32, #tpu.memory_space<vmem>>, vector<16xi32>,
      %scan3A_678 = arith.constant 6 : i32
      %scan3A_679 = arith.addi %scan3A_555, %scan3A_678 : i32
      %mul3A_680 = arith.constant 16 : i32
      %mul3A_681 = arith.muli %scan3A_679, %mul3A_680 : i32
      %get3A_682 = arith.index_cast %mul3A_681 : i32 to index
      %get3A_683 = tpu.vector_load %arg5[%get3A_682] {strides = array<i32>} : memref<20480xi32, #tpu.memory_space<vmem>>, vector<16xi32>,
      %get3A_684 = vector.shape_cast %get3A_683 : vector<16xi32> to vector<16xi32>
      %mul3A_685 = arith.constant 16 : i32
      %mul3A_686 = arith.muli %scan3A_679, %mul3A_685 : i32
      %get3A_687 = arith.index_cast %mul3A_686 : i32 to index
      %get3A_688 = tpu.vector_load %arg6[%get3A_687] {strides = array<i32>} : memref<20480xi32, #tpu.memory_space<vmem>>, vector<16xi32>,
      %get3A_689 = vector.shape_cast %get3A_688 : vector<16xi32> to vector<16xi32>
      %add3A_690 = arith.constant 128 : i32
      %add3A_691 = vector.broadcast %add3A_690 : i32 to vector<16xi32>
      %add3A_692 = arith.addi %get3A_689, %add3A_691 : vector<16xi32>
      %mul3A_693 = arith.constant 16 : i32
      %mul3A_694 = arith.muli %scan3A_679, %mul3A_693 : i32
      %swap3A_695 = arith.index_cast %mul3A_694 : i32 to index
      %swap3A_696 = tpu.vector_load %arg6[%swap3A_695] {strides = array<i32>} : memref<20480xi32, #tpu.memory_space<vmem>>, vector<16xi32>,
      %swap3A_697 = vector.shape_cast %swap3A_696 : vector<16xi32> to vector<16xi32>
      %swap3A_698 = vector.shape_cast %add3A_692 : vector<16xi32> to vector<16xi32>
      tpu.vector_store %arg6[%swap3A_695], %swap3A_698 {strides = array<i32>} : memref<20480xi32, #tpu.memory_space<vmem>>, vector<16xi32>,
      %scan3A_699 = arith.constant 7 : i32
      %scan3A_700 = arith.addi %scan3A_555, %scan3A_699 : i32
      %mul3A_701 = arith.constant 16 : i32
      %mul3A_702 = arith.muli %scan3A_700, %mul3A_701 : i32
      %get3A_703 = arith.index_cast %mul3A_702 : i32 to index
      %get3A_704 = tpu.vector_load %arg5[%get3A_703] {strides = array<i32>} : memref<20480xi32, #tpu.memory_space<vmem>>, vector<16xi32>,
      %get3A_705 = vector.shape_cast %get3A_704 : vector<16xi32> to vector<16xi32>
      %mul3A_706 = arith.constant 16 : i32
      %mul3A_707 = arith.muli %scan3A_700, %mul3A_706 : i32
      %get3A_708 = arith.index_cast %mul3A_707 : i32 to index
      %get3A_709 = tpu.vector_load %arg6[%get3A_708] {strides = array<i32>} : memref<20480xi32, #tpu.memory_space<vmem>>, vector<16xi32>,
      %get3A_710 = vector.shape_cast %get3A_709 : vector<16xi32> to vector<16xi32>
      %add3A_711 = arith.constant 128 : i32
      %add3A_712 = vector.broadcast %add3A_711 : i32 to vector<16xi32>
      %add3A_713 = arith.addi %get3A_710, %add3A_712 : vector<16xi32>
      %mul3A_714 = arith.constant 16 : i32
      %mul3A_715 = arith.muli %scan3A_700, %mul3A_714 : i32
      %swap3A_716 = arith.index_cast %mul3A_715 : i32 to index
      %swap3A_717 = tpu.vector_load %arg6[%swap3A_716] {strides = array<i32>} : memref<20480xi32, #tpu.memory_space<vmem>>, vector<16xi32>,
      %swap3A_718 = vector.shape_cast %swap3A_717 : vector<16xi32> to vector<16xi32>
      %swap3A_719 = vector.shape_cast %add3A_713 : vector<16xi32> to vector<16xi32>
      tpu.vector_store %arg6[%swap3A_716], %swap3A_719 {strides = array<i32>} : memref<20480xi32, #tpu.memory_space<vmem>>, vector<16xi32>,
    }
    %scan3A_219 = arith.constant 1280 : i32
    %mul3A_220 = arith.constant 8 : i32
    %mul3A_221 = arith.muli %arg0, %mul3A_220 : i32
    %add3A_222 = arith.constant 3 : i32
    %add3A_223 = arith.addi %mul3A_221, %add3A_222 : i32
    %mul3A_224 = arith.constant 327680 : i32
    %mul3A_225 = arith.muli %add3A_223, %mul3A_224 : i32
    %mul3A_226 = arith.constant 20480 : i32
    %mul3A_227 = arith.muli %arg1, %mul3A_226 : i32
    %add3A_228 = arith.addi %mul3A_225, %mul3A_227 : i32
    %dma_start3A_229 = arith.constant 0 : i32
    %dma_start3A_230 = tpu.memref_slice %arg6[%dma_start3A_229] : memref<20480xi32, #tpu.memory_space<vmem>> -> memref<4096xi32, #tpu.memory_space<vmem>>
    %dma_start3A_231 = arith.constant 0 : i32
    %dma_start3A_232 = tpu.memref_slice %arg2[%dma_start3A_231] : memref<16001024xf32, #tpu.memory_space<hbm>> -> memref<16001024xf32, #tpu.memory_space<hbm>>
    tpu.enqueue_indirect_dma source(%dma_start3A_232 : memref<16001024xf32, #tpu.memory_space<hbm>>) target(%arg7 : memref<4096xf32, #tpu.memory_space<vmem>>) offsets(%dma_start3A_230 : memref<4096xi32, #tpu.memory_space<vmem>>) semaphore(%arg9 : memref<!tpu.dma_semaphore, #tpu.memory_space<semaphore_mem>>)
    %dma_start3A_233 = arith.constant 4096 : i32
    %dma_start3A_234 = tpu.memref_slice %arg6[%dma_start3A_233] : memref<20480xi32, #tpu.memory_space<vmem>> -> memref<4096xi32, #tpu.memory_space<vmem>>
    %dma_start3A_235 = arith.constant 0 : i32
    %dma_start3A_236 = tpu.memref_slice %arg2[%dma_start3A_235] : memref<16001024xf32, #tpu.memory_space<hbm>> -> memref<16001024xf32, #tpu.memory_space<hbm>>
    tpu.enqueue_indirect_dma source(%dma_start3A_236 : memref<16001024xf32, #tpu.memory_space<hbm>>) target(%arg8 : memref<4096xf32, #tpu.memory_space<vmem>>) offsets(%dma_start3A_234 : memref<4096xi32, #tpu.memory_space<vmem>>) semaphore(%arg10 : memref<!tpu.dma_semaphore, #tpu.memory_space<semaphore_mem>>)
    %dma_wait3A_237 = arith.constant 0 : i32
    %dma_wait3A_238 = tpu.memref_slice %arg6[%dma_wait3A_237] : memref<20480xi32, #tpu.memory_space<vmem>> -> memref<4096xi32, #tpu.memory_space<vmem>>
    %dma_wait3A_239 = arith.constant 0 : i32
    %dma_wait3A_240 = tpu.memref_slice %arg2[%dma_wait3A_239] : memref<16001024xf32, #tpu.memory_space<hbm>> -> memref<16001024xf32, #tpu.memory_space<hbm>>
    tpu.wait_indirect_dma semaphore(%arg9 : memref<!tpu.dma_semaphore, #tpu.memory_space<semaphore_mem>>) src(%dma_wait3A_240 : memref<16001024xf32, #tpu.memory_space<hbm>>) dst(%arg7 : memref<4096xf32, #tpu.memory_space<vmem>>)
    %add3A_241 = arith.constant 0 : i32
    %add3A_242 = arith.addi %add3A_228, %add3A_241 : i32
    "tpu.region"() ({
      %run_scoped3A = tpu.sem_alloc : memref<!tpu.dma_semaphore, #tpu.memory_space<semaphore_mem>>
      %dma_start3A_555 = tpu.memref_slice %arg4[%add3A_242] : memref<5242880xf32, #tpu.memory_space<hbm>> -> memref<4096xf32, #tpu.memory_space<hbm>>
      %dma_start3A_556 = tpu.memref_slice %arg4[%add3A_242] : memref<5242880xf32, #tpu.memory_space<hbm>> -> memref<4096xf32, #tpu.memory_space<hbm>>
      tpu.enqueue_dma source(%arg7 : memref<4096xf32, #tpu.memory_space<vmem>>) target(%dma_start3A_556 : memref<4096xf32, #tpu.memory_space<hbm>>) target_semaphore(%run_scoped3A : memref<!tpu.dma_semaphore, #tpu.memory_space<semaphore_mem>>)
      %dma_wait3A_557 = tpu.memref_slice %arg4[%add3A_242] : memref<5242880xf32, #tpu.memory_space<hbm>> -> memref<4096xf32, #tpu.memory_space<hbm>>
      %dma_wait3A_558 = tpu.memref_slice %arg4[%add3A_242] : memref<5242880xf32, #tpu.memory_space<hbm>> -> memref<4096xf32, #tpu.memory_space<hbm>>
      tpu.wait_dma2 semaphore(%run_scoped3A : memref<!tpu.dma_semaphore, #tpu.memory_space<semaphore_mem>>) src(%arg7 : memref<4096xf32, #tpu.memory_space<vmem>>) dst(%dma_wait3A_558 : memref<4096xf32, #tpu.memory_space<hbm>>)
      tpu.yield
    }) : () -> ()
    %dma_start3A_243 = arith.constant 8192 : i32
    %dma_start3A_244 = tpu.memref_slice %arg6[%dma_start3A_243] : memref<20480xi32, #tpu.memory_space<vmem>> -> memref<4096xi32, #tpu.memory_space<vmem>>
    %dma_start3A_245 = arith.constant 0 : i32
    %dma_start3A_246 = tpu.memref_slice %arg2[%dma_start3A_245] : memref<16001024xf32, #tpu.memory_space<hbm>> -> memref<16001024xf32, #tpu.memory_space<hbm>>
    tpu.enqueue_indirect_dma source(%dma_start3A_246 : memref<16001024xf32, #tpu.memory_space<hbm>>) target(%arg7 : memref<4096xf32, #tpu.memory_space<vmem>>) offsets(%dma_start3A_244 : memref<4096xi32, #tpu.memory_space<vmem>>) semaphore(%arg9 : memref<!tpu.dma_semaphore, #tpu.memory_space<semaphore_mem>>)
    %dma_wait3A_247 = arith.constant 4096 : i32
    %dma_wait3A_248 = tpu.memref_slice %arg6[%dma_wait3A_247] : memref<20480xi32, #tpu.memory_space<vmem>> -> memref<4096xi32, #tpu.memory_space<vmem>>
    %dma_wait3A_249 = arith.constant 0 : i32
    %dma_wait3A_250 = tpu.memref_slice %arg2[%dma_wait3A_249] : memref<16001024xf32, #tpu.memory_space<hbm>> -> memref<16001024xf32, #tpu.memory_space<hbm>>
    tpu.wait_indirect_dma semaphore(%arg10 : memref<!tpu.dma_semaphore, #tpu.memory_space<semaphore_mem>>) src(%dma_wait3A_250 : memref<16001024xf32, #tpu.memory_space<hbm>>) dst(%arg8 : memref<4096xf32, #tpu.memory_space<vmem>>)
    %add3A_251 = arith.constant 4096 : i32
    %add3A_252 = arith.addi %add3A_228, %add3A_251 : i32
    "tpu.region"() ({
      %run_scoped3A = tpu.sem_alloc : memref<!tpu.dma_semaphore, #tpu.memory_space<semaphore_mem>>
      %dma_start3A_555 = tpu.memref_slice %arg4[%add3A_252] : memref<5242880xf32, #tpu.memory_space<hbm>> -> memref<4096xf32, #tpu.memory_space<hbm>>
      %dma_start3A_556 = tpu.memref_slice %arg4[%add3A_252] : memref<5242880xf32, #tpu.memory_space<hbm>> -> memref<4096xf32, #tpu.memory_space<hbm>>
      tpu.enqueue_dma source(%arg8 : memref<4096xf32, #tpu.memory_space<vmem>>) target(%dma_start3A_556 : memref<4096xf32, #tpu.memory_space<hbm>>) target_semaphore(%run_scoped3A : memref<!tpu.dma_semaphore, #tpu.memory_space<semaphore_mem>>)
      %dma_wait3A_557 = tpu.memref_slice %arg4[%add3A_252] : memref<5242880xf32, #tpu.memory_space<hbm>> -> memref<4096xf32, #tpu.memory_space<hbm>>
      %dma_wait3A_558 = tpu.memref_slice %arg4[%add3A_252] : memref<5242880xf32, #tpu.memory_space<hbm>> -> memref<4096xf32, #tpu.memory_space<hbm>>
      tpu.wait_dma2 semaphore(%run_scoped3A : memref<!tpu.dma_semaphore, #tpu.memory_space<semaphore_mem>>) src(%arg8 : memref<4096xf32, #tpu.memory_space<vmem>>) dst(%dma_wait3A_558 : memref<4096xf32, #tpu.memory_space<hbm>>)
      tpu.yield
    }) : () -> ()
    %dma_start3A_253 = arith.constant 12288 : i32
    %dma_start3A_254 = tpu.memref_slice %arg6[%dma_start3A_253] : memref<20480xi32, #tpu.memory_space<vmem>> -> memref<4096xi32, #tpu.memory_space<vmem>>
    %dma_start3A_255 = arith.constant 0 : i32
    %dma_start3A_256 = tpu.memref_slice %arg2[%dma_start3A_255] : memref<16001024xf32, #tpu.memory_space<hbm>> -> memref<16001024xf32, #tpu.memory_space<hbm>>
    tpu.enqueue_indirect_dma source(%dma_start3A_256 : memref<16001024xf32, #tpu.memory_space<hbm>>) target(%arg8 : memref<4096xf32, #tpu.memory_space<vmem>>) offsets(%dma_start3A_254 : memref<4096xi32, #tpu.memory_space<vmem>>) semaphore(%arg10 : memref<!tpu.dma_semaphore, #tpu.memory_space<semaphore_mem>>)
    %dma_wait3A_257 = arith.constant 8192 : i32
    %dma_wait3A_258 = tpu.memref_slice %arg6[%dma_wait3A_257] : memref<20480xi32, #tpu.memory_space<vmem>> -> memref<4096xi32, #tpu.memory_space<vmem>>
    %dma_wait3A_259 = arith.constant 0 : i32
    %dma_wait3A_260 = tpu.memref_slice %arg2[%dma_wait3A_259] : memref<16001024xf32, #tpu.memory_space<hbm>> -> memref<16001024xf32, #tpu.memory_space<hbm>>
    tpu.wait_indirect_dma semaphore(%arg9 : memref<!tpu.dma_semaphore, #tpu.memory_space<semaphore_mem>>) src(%dma_wait3A_260 : memref<16001024xf32, #tpu.memory_space<hbm>>) dst(%arg7 : memref<4096xf32, #tpu.memory_space<vmem>>)
    %add3A_261 = arith.constant 8192 : i32
    %add3A_262 = arith.addi %add3A_228, %add3A_261 : i32
    "tpu.region"() ({
      %run_scoped3A = tpu.sem_alloc : memref<!tpu.dma_semaphore, #tpu.memory_space<semaphore_mem>>
      %dma_start3A_555 = tpu.memref_slice %arg4[%add3A_262] : memref<5242880xf32, #tpu.memory_space<hbm>> -> memref<4096xf32, #tpu.memory_space<hbm>>
      %dma_start3A_556 = tpu.memref_slice %arg4[%add3A_262] : memref<5242880xf32, #tpu.memory_space<hbm>> -> memref<4096xf32, #tpu.memory_space<hbm>>
      tpu.enqueue_dma source(%arg7 : memref<4096xf32, #tpu.memory_space<vmem>>) target(%dma_start3A_556 : memref<4096xf32, #tpu.memory_space<hbm>>) target_semaphore(%run_scoped3A : memref<!tpu.dma_semaphore, #tpu.memory_space<semaphore_mem>>)
      %dma_wait3A_557 = tpu.memref_slice %arg4[%add3A_262] : memref<5242880xf32, #tpu.memory_space<hbm>> -> memref<4096xf32, #tpu.memory_space<hbm>>
      %dma_wait3A_558 = tpu.memref_slice %arg4[%add3A_262] : memref<5242880xf32, #tpu.memory_space<hbm>> -> memref<4096xf32, #tpu.memory_space<hbm>>
      tpu.wait_dma2 semaphore(%run_scoped3A : memref<!tpu.dma_semaphore, #tpu.memory_space<semaphore_mem>>) src(%arg7 : memref<4096xf32, #tpu.memory_space<vmem>>) dst(%dma_wait3A_558 : memref<4096xf32, #tpu.memory_space<hbm>>)
      tpu.yield
    }) : () -> ()
    %dma_start3A_263 = arith.constant 16384 : i32
    %dma_start3A_264 = tpu.memref_slice %arg6[%dma_start3A_263] : memref<20480xi32, #tpu.memory_space<vmem>> -> memref<4096xi32, #tpu.memory_space<vmem>>
    %dma_start3A_265 = arith.constant 0 : i32
    %dma_start3A_266 = tpu.memref_slice %arg2[%dma_start3A_265] : memref<16001024xf32, #tpu.memory_space<hbm>> -> memref<16001024xf32, #tpu.memory_space<hbm>>
    tpu.enqueue_indirect_dma source(%dma_start3A_266 : memref<16001024xf32, #tpu.memory_space<hbm>>) target(%arg7 : memref<4096xf32, #tpu.memory_space<vmem>>) offsets(%dma_start3A_264 : memref<4096xi32, #tpu.memory_space<vmem>>) semaphore(%arg9 : memref<!tpu.dma_semaphore, #tpu.memory_space<semaphore_mem>>)
    %dma_wait3A_267 = arith.constant 12288 : i32
    %dma_wait3A_268 = tpu.memref_slice %arg6[%dma_wait3A_267] : memref<20480xi32, #tpu.memory_space<vmem>> -> memref<4096xi32, #tpu.memory_space<vmem>>
    %dma_wait3A_269 = arith.constant 0 : i32
    %dma_wait3A_270 = tpu.memref_slice %arg2[%dma_wait3A_269] : memref<16001024xf32, #tpu.memory_space<hbm>> -> memref<16001024xf32, #tpu.memory_space<hbm>>
    tpu.wait_indirect_dma semaphore(%arg10 : memref<!tpu.dma_semaphore, #tpu.memory_space<semaphore_mem>>) src(%dma_wait3A_270 : memref<16001024xf32, #tpu.memory_space<hbm>>) dst(%arg8 : memref<4096xf32, #tpu.memory_space<vmem>>)
    %add3A_271 = arith.constant 12288 : i32
    %add3A_272 = arith.addi %add3A_228, %add3A_271 : i32
    "tpu.region"() ({
      %run_scoped3A = tpu.sem_alloc : memref<!tpu.dma_semaphore, #tpu.memory_space<semaphore_mem>>
      %dma_start3A_555 = tpu.memref_slice %arg4[%add3A_272] : memref<5242880xf32, #tpu.memory_space<hbm>> -> memref<4096xf32, #tpu.memory_space<hbm>>
      %dma_start3A_556 = tpu.memref_slice %arg4[%add3A_272] : memref<5242880xf32, #tpu.memory_space<hbm>> -> memref<4096xf32, #tpu.memory_space<hbm>>
      tpu.enqueue_dma source(%arg8 : memref<4096xf32, #tpu.memory_space<vmem>>) target(%dma_start3A_556 : memref<4096xf32, #tpu.memory_space<hbm>>) target_semaphore(%run_scoped3A : memref<!tpu.dma_semaphore, #tpu.memory_space<semaphore_mem>>)
      %dma_wait3A_557 = tpu.memref_slice %arg4[%add3A_272] : memref<5242880xf32, #tpu.memory_space<hbm>> -> memref<4096xf32, #tpu.memory_space<hbm>>
      %dma_wait3A_558 = tpu.memref_slice %arg4[%add3A_272] : memref<5242880xf32, #tpu.memory_space<hbm>> -> memref<4096xf32, #tpu.memory_space<hbm>>
      tpu.wait_dma2 semaphore(%run_scoped3A : memref<!tpu.dma_semaphore, #tpu.memory_space<semaphore_mem>>) src(%arg8 : memref<4096xf32, #tpu.memory_space<vmem>>) dst(%dma_wait3A_558 : memref<4096xf32, #tpu.memory_space<hbm>>)
      tpu.yield
    }) : () -> ()
    %dma_wait3A_273 = arith.constant 16384 : i32
    %dma_wait3A_274 = tpu.memref_slice %arg6[%dma_wait3A_273] : memref<20480xi32, #tpu.memory_space<vmem>> -> memref<4096xi32, #tpu.memory_space<vmem>>
    %dma_wait3A_275 = arith.constant 0 : i32
    %dma_wait3A_276 = tpu.memref_slice %arg2[%dma_wait3A_275] : memref<16001024xf32, #tpu.memory_space<hbm>> -> memref<16001024xf32, #tpu.memory_space<hbm>>
    tpu.wait_indirect_dma semaphore(%arg9 : memref<!tpu.dma_semaphore, #tpu.memory_space<semaphore_mem>>) src(%dma_wait3A_276 : memref<16001024xf32, #tpu.memory_space<hbm>>) dst(%arg7 : memref<4096xf32, #tpu.memory_space<vmem>>)
    %add3A_277 = arith.constant 16384 : i32
    %add3A_278 = arith.addi %add3A_228, %add3A_277 : i32
    "tpu.region"() ({
      %run_scoped3A = tpu.sem_alloc : memref<!tpu.dma_semaphore, #tpu.memory_space<semaphore_mem>>
      %dma_start3A_555 = tpu.memref_slice %arg4[%add3A_278] : memref<5242880xf32, #tpu.memory_space<hbm>> -> memref<4096xf32, #tpu.memory_space<hbm>>
      %dma_start3A_556 = tpu.memref_slice %arg4[%add3A_278] : memref<5242880xf32, #tpu.memory_space<hbm>> -> memref<4096xf32, #tpu.memory_space<hbm>>
      tpu.enqueue_dma source(%arg7 : memref<4096xf32, #tpu.memory_space<vmem>>) target(%dma_start3A_556 : memref<4096xf32, #tpu.memory_space<hbm>>) target_semaphore(%run_scoped3A : memref<!tpu.dma_semaphore, #tpu.memory_space<semaphore_mem>>)
      %dma_wait3A_557 = tpu.memref_slice %arg4[%add3A_278] : memref<5242880xf32, #tpu.memory_space<hbm>> -> memref<4096xf32, #tpu.memory_space<hbm>>
      %dma_wait3A_558 = tpu.memref_slice %arg4[%add3A_278] : memref<5242880xf32, #tpu.memory_space<hbm>> -> memref<4096xf32, #tpu.memory_space<hbm>>
      tpu.wait_dma2 semaphore(%run_scoped3A : memref<!tpu.dma_semaphore, #tpu.memory_space<semaphore_mem>>) src(%arg7 : memref<4096xf32, #tpu.memory_space<vmem>>) dst(%dma_wait3A_558 : memref<4096xf32, #tpu.memory_space<hbm>>)
      tpu.yield
    }) : () -> ()
    %mul3A_279 = arith.constant 8000512 : i32
    %mul3A_280 = arith.muli %arg0, %mul3A_279 : i32
    %add3A_281 = arith.constant 512 : i32
    %add3A_282 = arith.addi %mul3A_280, %add3A_281 : i32
    %scan3A_283 = arith.constant 0 : i32
    %scan3A_284 = arith.constant 0 : i32
    %scan3A_285 = arith.constant 1280 : i32
    %scan3A_286 = arith.addi %scan3A_284, %scan3A_285 : i32
    %scan3A_287 = arith.constant 8 : i32
    scf.for %scan3A_555 = %scan3A_284 to %scan3A_286 step %scan3A_287  : i32 {
      %mul3A_556 = arith.constant 16 : i32
      %mul3A_557 = arith.muli %scan3A_555, %mul3A_556 : i32
      %get3A = arith.index_cast %mul3A_557 : i32 to index
      %get3A_558 = tpu.vector_load %arg5[%get3A] {strides = array<i32>} : memref<20480xi32, #tpu.memory_space<vmem>>, vector<16xi32>,
      %get3A_559 = vector.shape_cast %get3A_558 : vector<16xi32> to vector<16xi32>
      %mul3A_560 = arith.constant 16 : i32
      %mul3A_561 = arith.muli %scan3A_555, %mul3A_560 : i32
      %get3A_562 = arith.index_cast %mul3A_561 : i32 to index
      %get3A_563 = tpu.vector_load %arg6[%get3A_562] {strides = array<i32>} : memref<20480xi32, #tpu.memory_space<vmem>>, vector<16xi32>,
      %get3A_564 = vector.shape_cast %get3A_563 : vector<16xi32> to vector<16xi32>
      %add3A_565 = arith.constant 128 : i32
      %add3A_566 = vector.broadcast %add3A_565 : i32 to vector<16xi32>
      %add3A_567 = arith.addi %get3A_564, %add3A_566 : vector<16xi32>
      %mul3A_568 = arith.constant 16 : i32
      %mul3A_569 = arith.muli %scan3A_555, %mul3A_568 : i32
      %swap3A = arith.index_cast %mul3A_569 : i32 to index
      %swap3A_570 = tpu.vector_load %arg6[%swap3A] {strides = array<i32>} : memref<20480xi32, #tpu.memory_space<vmem>>, vector<16xi32>,
      %swap3A_571 = vector.shape_cast %swap3A_570 : vector<16xi32> to vector<16xi32>
      %swap3A_572 = vector.shape_cast %add3A_567 : vector<16xi32> to vector<16xi32>
      tpu.vector_store %arg6[%swap3A], %swap3A_572 {strides = array<i32>} : memref<20480xi32, #tpu.memory_space<vmem>>, vector<16xi32>,
      %scan3A_573 = arith.constant 1 : i32
      %scan3A_574 = arith.addi %scan3A_555, %scan3A_573 : i32
      %mul3A_575 = arith.constant 16 : i32
      %mul3A_576 = arith.muli %scan3A_574, %mul3A_575 : i32
      %get3A_577 = arith.index_cast %mul3A_576 : i32 to index
      %get3A_578 = tpu.vector_load %arg5[%get3A_577] {strides = array<i32>} : memref<20480xi32, #tpu.memory_space<vmem>>, vector<16xi32>,
      %get3A_579 = vector.shape_cast %get3A_578 : vector<16xi32> to vector<16xi32>
      %mul3A_580 = arith.constant 16 : i32
      %mul3A_581 = arith.muli %scan3A_574, %mul3A_580 : i32
      %get3A_582 = arith.index_cast %mul3A_581 : i32 to index
      %get3A_583 = tpu.vector_load %arg6[%get3A_582] {strides = array<i32>} : memref<20480xi32, #tpu.memory_space<vmem>>, vector<16xi32>,
      %get3A_584 = vector.shape_cast %get3A_583 : vector<16xi32> to vector<16xi32>
      %add3A_585 = arith.constant 128 : i32
      %add3A_586 = vector.broadcast %add3A_585 : i32 to vector<16xi32>
      %add3A_587 = arith.addi %get3A_584, %add3A_586 : vector<16xi32>
      %mul3A_588 = arith.constant 16 : i32
      %mul3A_589 = arith.muli %scan3A_574, %mul3A_588 : i32
      %swap3A_590 = arith.index_cast %mul3A_589 : i32 to index
      %swap3A_591 = tpu.vector_load %arg6[%swap3A_590] {strides = array<i32>} : memref<20480xi32, #tpu.memory_space<vmem>>, vector<16xi32>,
      %swap3A_592 = vector.shape_cast %swap3A_591 : vector<16xi32> to vector<16xi32>
      %swap3A_593 = vector.shape_cast %add3A_587 : vector<16xi32> to vector<16xi32>
      tpu.vector_store %arg6[%swap3A_590], %swap3A_593 {strides = array<i32>} : memref<20480xi32, #tpu.memory_space<vmem>>, vector<16xi32>,
      %scan3A_594 = arith.constant 2 : i32
      %scan3A_595 = arith.addi %scan3A_555, %scan3A_594 : i32
      %mul3A_596 = arith.constant 16 : i32
      %mul3A_597 = arith.muli %scan3A_595, %mul3A_596 : i32
      %get3A_598 = arith.index_cast %mul3A_597 : i32 to index
      %get3A_599 = tpu.vector_load %arg5[%get3A_598] {strides = array<i32>} : memref<20480xi32, #tpu.memory_space<vmem>>, vector<16xi32>,
      %get3A_600 = vector.shape_cast %get3A_599 : vector<16xi32> to vector<16xi32>
      %mul3A_601 = arith.constant 16 : i32
      %mul3A_602 = arith.muli %scan3A_595, %mul3A_601 : i32
      %get3A_603 = arith.index_cast %mul3A_602 : i32 to index
      %get3A_604 = tpu.vector_load %arg6[%get3A_603] {strides = array<i32>} : memref<20480xi32, #tpu.memory_space<vmem>>, vector<16xi32>,
      %get3A_605 = vector.shape_cast %get3A_604 : vector<16xi32> to vector<16xi32>
      %add3A_606 = arith.constant 128 : i32
      %add3A_607 = vector.broadcast %add3A_606 : i32 to vector<16xi32>
      %add3A_608 = arith.addi %get3A_605, %add3A_607 : vector<16xi32>
      %mul3A_609 = arith.constant 16 : i32
      %mul3A_610 = arith.muli %scan3A_595, %mul3A_609 : i32
      %swap3A_611 = arith.index_cast %mul3A_610 : i32 to index
      %swap3A_612 = tpu.vector_load %arg6[%swap3A_611] {strides = array<i32>} : memref<20480xi32, #tpu.memory_space<vmem>>, vector<16xi32>,
      %swap3A_613 = vector.shape_cast %swap3A_612 : vector<16xi32> to vector<16xi32>
      %swap3A_614 = vector.shape_cast %add3A_608 : vector<16xi32> to vector<16xi32>
      tpu.vector_store %arg6[%swap3A_611], %swap3A_614 {strides = array<i32>} : memref<20480xi32, #tpu.memory_space<vmem>>, vector<16xi32>,
      %scan3A_615 = arith.constant 3 : i32
      %scan3A_616 = arith.addi %scan3A_555, %scan3A_615 : i32
      %mul3A_617 = arith.constant 16 : i32
      %mul3A_618 = arith.muli %scan3A_616, %mul3A_617 : i32
      %get3A_619 = arith.index_cast %mul3A_618 : i32 to index
      %get3A_620 = tpu.vector_load %arg5[%get3A_619] {strides = array<i32>} : memref<20480xi32, #tpu.memory_space<vmem>>, vector<16xi32>,
      %get3A_621 = vector.shape_cast %get3A_620 : vector<16xi32> to vector<16xi32>
      %mul3A_622 = arith.constant 16 : i32
      %mul3A_623 = arith.muli %scan3A_616, %mul3A_622 : i32
      %get3A_624 = arith.index_cast %mul3A_623 : i32 to index
      %get3A_625 = tpu.vector_load %arg6[%get3A_624] {strides = array<i32>} : memref<20480xi32, #tpu.memory_space<vmem>>, vector<16xi32>,
      %get3A_626 = vector.shape_cast %get3A_625 : vector<16xi32> to vector<16xi32>
      %add3A_627 = arith.constant 128 : i32
      %add3A_628 = vector.broadcast %add3A_627 : i32 to vector<16xi32>
      %add3A_629 = arith.addi %get3A_626, %add3A_628 : vector<16xi32>
      %mul3A_630 = arith.constant 16 : i32
      %mul3A_631 = arith.muli %scan3A_616, %mul3A_630 : i32
      %swap3A_632 = arith.index_cast %mul3A_631 : i32 to index
      %swap3A_633 = tpu.vector_load %arg6[%swap3A_632] {strides = array<i32>} : memref<20480xi32, #tpu.memory_space<vmem>>, vector<16xi32>,
      %swap3A_634 = vector.shape_cast %swap3A_633 : vector<16xi32> to vector<16xi32>
      %swap3A_635 = vector.shape_cast %add3A_629 : vector<16xi32> to vector<16xi32>
      tpu.vector_store %arg6[%swap3A_632], %swap3A_635 {strides = array<i32>} : memref<20480xi32, #tpu.memory_space<vmem>>, vector<16xi32>,
      %scan3A_636 = arith.constant 4 : i32
      %scan3A_637 = arith.addi %scan3A_555, %scan3A_636 : i32
      %mul3A_638 = arith.constant 16 : i32
      %mul3A_639 = arith.muli %scan3A_637, %mul3A_638 : i32
      %get3A_640 = arith.index_cast %mul3A_639 : i32 to index
      %get3A_641 = tpu.vector_load %arg5[%get3A_640] {strides = array<i32>} : memref<20480xi32, #tpu.memory_space<vmem>>, vector<16xi32>,
      %get3A_642 = vector.shape_cast %get3A_641 : vector<16xi32> to vector<16xi32>
      %mul3A_643 = arith.constant 16 : i32
      %mul3A_644 = arith.muli %scan3A_637, %mul3A_643 : i32
      %get3A_645 = arith.index_cast %mul3A_644 : i32 to index
      %get3A_646 = tpu.vector_load %arg6[%get3A_645] {strides = array<i32>} : memref<20480xi32, #tpu.memory_space<vmem>>, vector<16xi32>,
      %get3A_647 = vector.shape_cast %get3A_646 : vector<16xi32> to vector<16xi32>
      %add3A_648 = arith.constant 128 : i32
      %add3A_649 = vector.broadcast %add3A_648 : i32 to vector<16xi32>
      %add3A_650 = arith.addi %get3A_647, %add3A_649 : vector<16xi32>
      %mul3A_651 = arith.constant 16 : i32
      %mul3A_652 = arith.muli %scan3A_637, %mul3A_651 : i32
      %swap3A_653 = arith.index_cast %mul3A_652 : i32 to index
      %swap3A_654 = tpu.vector_load %arg6[%swap3A_653] {strides = array<i32>} : memref<20480xi32, #tpu.memory_space<vmem>>, vector<16xi32>,
      %swap3A_655 = vector.shape_cast %swap3A_654 : vector<16xi32> to vector<16xi32>
      %swap3A_656 = vector.shape_cast %add3A_650 : vector<16xi32> to vector<16xi32>
      tpu.vector_store %arg6[%swap3A_653], %swap3A_656 {strides = array<i32>} : memref<20480xi32, #tpu.memory_space<vmem>>, vector<16xi32>,
      %scan3A_657 = arith.constant 5 : i32
      %scan3A_658 = arith.addi %scan3A_555, %scan3A_657 : i32
      %mul3A_659 = arith.constant 16 : i32
      %mul3A_660 = arith.muli %scan3A_658, %mul3A_659 : i32
      %get3A_661 = arith.index_cast %mul3A_660 : i32 to index
      %get3A_662 = tpu.vector_load %arg5[%get3A_661] {strides = array<i32>} : memref<20480xi32, #tpu.memory_space<vmem>>, vector<16xi32>,
      %get3A_663 = vector.shape_cast %get3A_662 : vector<16xi32> to vector<16xi32>
      %mul3A_664 = arith.constant 16 : i32
      %mul3A_665 = arith.muli %scan3A_658, %mul3A_664 : i32
      %get3A_666 = arith.index_cast %mul3A_665 : i32 to index
      %get3A_667 = tpu.vector_load %arg6[%get3A_666] {strides = array<i32>} : memref<20480xi32, #tpu.memory_space<vmem>>, vector<16xi32>,
      %get3A_668 = vector.shape_cast %get3A_667 : vector<16xi32> to vector<16xi32>
      %add3A_669 = arith.constant 128 : i32
      %add3A_670 = vector.broadcast %add3A_669 : i32 to vector<16xi32>
      %add3A_671 = arith.addi %get3A_668, %add3A_670 : vector<16xi32>
      %mul3A_672 = arith.constant 16 : i32
      %mul3A_673 = arith.muli %scan3A_658, %mul3A_672 : i32
      %swap3A_674 = arith.index_cast %mul3A_673 : i32 to index
      %swap3A_675 = tpu.vector_load %arg6[%swap3A_674] {strides = array<i32>} : memref<20480xi32, #tpu.memory_space<vmem>>, vector<16xi32>,
      %swap3A_676 = vector.shape_cast %swap3A_675 : vector<16xi32> to vector<16xi32>
      %swap3A_677 = vector.shape_cast %add3A_671 : vector<16xi32> to vector<16xi32>
      tpu.vector_store %arg6[%swap3A_674], %swap3A_677 {strides = array<i32>} : memref<20480xi32, #tpu.memory_space<vmem>>, vector<16xi32>,
      %scan3A_678 = arith.constant 6 : i32
      %scan3A_679 = arith.addi %scan3A_555, %scan3A_678 : i32
      %mul3A_680 = arith.constant 16 : i32
      %mul3A_681 = arith.muli %scan3A_679, %mul3A_680 : i32
      %get3A_682 = arith.index_cast %mul3A_681 : i32 to index
      %get3A_683 = tpu.vector_load %arg5[%get3A_682] {strides = array<i32>} : memref<20480xi32, #tpu.memory_space<vmem>>, vector<16xi32>,
      %get3A_684 = vector.shape_cast %get3A_683 : vector<16xi32> to vector<16xi32>
      %mul3A_685 = arith.constant 16 : i32
      %mul3A_686 = arith.muli %scan3A_679, %mul3A_685 : i32
      %get3A_687 = arith.index_cast %mul3A_686 : i32 to index
      %get3A_688 = tpu.vector_load %arg6[%get3A_687] {strides = array<i32>} : memref<20480xi32, #tpu.memory_space<vmem>>, vector<16xi32>,
      %get3A_689 = vector.shape_cast %get3A_688 : vector<16xi32> to vector<16xi32>
      %add3A_690 = arith.constant 128 : i32
      %add3A_691 = vector.broadcast %add3A_690 : i32 to vector<16xi32>
      %add3A_692 = arith.addi %get3A_689, %add3A_691 : vector<16xi32>
      %mul3A_693 = arith.constant 16 : i32
      %mul3A_694 = arith.muli %scan3A_679, %mul3A_693 : i32
      %swap3A_695 = arith.index_cast %mul3A_694 : i32 to index
      %swap3A_696 = tpu.vector_load %arg6[%swap3A_695] {strides = array<i32>} : memref<20480xi32, #tpu.memory_space<vmem>>, vector<16xi32>,
      %swap3A_697 = vector.shape_cast %swap3A_696 : vector<16xi32> to vector<16xi32>
      %swap3A_698 = vector.shape_cast %add3A_692 : vector<16xi32> to vector<16xi32>
      tpu.vector_store %arg6[%swap3A_695], %swap3A_698 {strides = array<i32>} : memref<20480xi32, #tpu.memory_space<vmem>>, vector<16xi32>,
      %scan3A_699 = arith.constant 7 : i32
      %scan3A_700 = arith.addi %scan3A_555, %scan3A_699 : i32
      %mul3A_701 = arith.constant 16 : i32
      %mul3A_702 = arith.muli %scan3A_700, %mul3A_701 : i32
      %get3A_703 = arith.index_cast %mul3A_702 : i32 to index
      %get3A_704 = tpu.vector_load %arg5[%get3A_703] {strides = array<i32>} : memref<20480xi32, #tpu.memory_space<vmem>>, vector<16xi32>,
      %get3A_705 = vector.shape_cast %get3A_704 : vector<16xi32> to vector<16xi32>
      %mul3A_706 = arith.constant 16 : i32
      %mul3A_707 = arith.muli %scan3A_700, %mul3A_706 : i32
      %get3A_708 = arith.index_cast %mul3A_707 : i32 to index
      %get3A_709 = tpu.vector_load %arg6[%get3A_708] {strides = array<i32>} : memref<20480xi32, #tpu.memory_space<vmem>>, vector<16xi32>,
      %get3A_710 = vector.shape_cast %get3A_709 : vector<16xi32> to vector<16xi32>
      %add3A_711 = arith.constant 128 : i32
      %add3A_712 = vector.broadcast %add3A_711 : i32 to vector<16xi32>
      %add3A_713 = arith.addi %get3A_710, %add3A_712 : vector<16xi32>
      %mul3A_714 = arith.constant 16 : i32
      %mul3A_715 = arith.muli %scan3A_700, %mul3A_714 : i32
      %swap3A_716 = arith.index_cast %mul3A_715 : i32 to index
      %swap3A_717 = tpu.vector_load %arg6[%swap3A_716] {strides = array<i32>} : memref<20480xi32, #tpu.memory_space<vmem>>, vector<16xi32>,
      %swap3A_718 = vector.shape_cast %swap3A_717 : vector<16xi32> to vector<16xi32>
      %swap3A_719 = vector.shape_cast %add3A_713 : vector<16xi32> to vector<16xi32>
      tpu.vector_store %arg6[%swap3A_716], %swap3A_719 {strides = array<i32>} : memref<20480xi32, #tpu.memory_space<vmem>>, vector<16xi32>,
    }
    %scan3A_288 = arith.constant 1280 : i32
    %mul3A_289 = arith.constant 8 : i32
    %mul3A_290 = arith.muli %arg0, %mul3A_289 : i32
    %add3A_291 = arith.constant 4 : i32
    %add3A_292 = arith.addi %mul3A_290, %add3A_291 : i32
    %mul3A_293 = arith.constant 327680 : i32
    %mul3A_294 = arith.muli %add3A_292, %mul3A_293 : i32
    %mul3A_295 = arith.constant 20480 : i32
    %mul3A_296 = arith.muli %arg1, %mul3A_295 : i32
    %add3A_297 = arith.addi %mul3A_294, %mul3A_296 : i32
    %dma_start3A_298 = arith.constant 0 : i32
    %dma_start3A_299 = tpu.memref_slice %arg6[%dma_start3A_298] : memref<20480xi32, #tpu.memory_space<vmem>> -> memref<4096xi32, #tpu.memory_space<vmem>>
    %dma_start3A_300 = arith.constant 0 : i32
    %dma_start3A_301 = tpu.memref_slice %arg2[%dma_start3A_300] : memref<16001024xf32, #tpu.memory_space<hbm>> -> memref<16001024xf32, #tpu.memory_space<hbm>>
    tpu.enqueue_indirect_dma source(%dma_start3A_301 : memref<16001024xf32, #tpu.memory_space<hbm>>) target(%arg7 : memref<4096xf32, #tpu.memory_space<vmem>>) offsets(%dma_start3A_299 : memref<4096xi32, #tpu.memory_space<vmem>>) semaphore(%arg9 : memref<!tpu.dma_semaphore, #tpu.memory_space<semaphore_mem>>)
    %dma_start3A_302 = arith.constant 4096 : i32
    %dma_start3A_303 = tpu.memref_slice %arg6[%dma_start3A_302] : memref<20480xi32, #tpu.memory_space<vmem>> -> memref<4096xi32, #tpu.memory_space<vmem>>
    %dma_start3A_304 = arith.constant 0 : i32
    %dma_start3A_305 = tpu.memref_slice %arg2[%dma_start3A_304] : memref<16001024xf32, #tpu.memory_space<hbm>> -> memref<16001024xf32, #tpu.memory_space<hbm>>
    tpu.enqueue_indirect_dma source(%dma_start3A_305 : memref<16001024xf32, #tpu.memory_space<hbm>>) target(%arg8 : memref<4096xf32, #tpu.memory_space<vmem>>) offsets(%dma_start3A_303 : memref<4096xi32, #tpu.memory_space<vmem>>) semaphore(%arg10 : memref<!tpu.dma_semaphore, #tpu.memory_space<semaphore_mem>>)
    %dma_wait3A_306 = arith.constant 0 : i32
    %dma_wait3A_307 = tpu.memref_slice %arg6[%dma_wait3A_306] : memref<20480xi32, #tpu.memory_space<vmem>> -> memref<4096xi32, #tpu.memory_space<vmem>>
    %dma_wait3A_308 = arith.constant 0 : i32
    %dma_wait3A_309 = tpu.memref_slice %arg2[%dma_wait3A_308] : memref<16001024xf32, #tpu.memory_space<hbm>> -> memref<16001024xf32, #tpu.memory_space<hbm>>
    tpu.wait_indirect_dma semaphore(%arg9 : memref<!tpu.dma_semaphore, #tpu.memory_space<semaphore_mem>>) src(%dma_wait3A_309 : memref<16001024xf32, #tpu.memory_space<hbm>>) dst(%arg7 : memref<4096xf32, #tpu.memory_space<vmem>>)
    %add3A_310 = arith.constant 0 : i32
    %add3A_311 = arith.addi %add3A_297, %add3A_310 : i32
    "tpu.region"() ({
      %run_scoped3A = tpu.sem_alloc : memref<!tpu.dma_semaphore, #tpu.memory_space<semaphore_mem>>
      %dma_start3A_555 = tpu.memref_slice %arg4[%add3A_311] : memref<5242880xf32, #tpu.memory_space<hbm>> -> memref<4096xf32, #tpu.memory_space<hbm>>
      %dma_start3A_556 = tpu.memref_slice %arg4[%add3A_311] : memref<5242880xf32, #tpu.memory_space<hbm>> -> memref<4096xf32, #tpu.memory_space<hbm>>
      tpu.enqueue_dma source(%arg7 : memref<4096xf32, #tpu.memory_space<vmem>>) target(%dma_start3A_556 : memref<4096xf32, #tpu.memory_space<hbm>>) target_semaphore(%run_scoped3A : memref<!tpu.dma_semaphore, #tpu.memory_space<semaphore_mem>>)
      %dma_wait3A_557 = tpu.memref_slice %arg4[%add3A_311] : memref<5242880xf32, #tpu.memory_space<hbm>> -> memref<4096xf32, #tpu.memory_space<hbm>>
      %dma_wait3A_558 = tpu.memref_slice %arg4[%add3A_311] : memref<5242880xf32, #tpu.memory_space<hbm>> -> memref<4096xf32, #tpu.memory_space<hbm>>
      tpu.wait_dma2 semaphore(%run_scoped3A : memref<!tpu.dma_semaphore, #tpu.memory_space<semaphore_mem>>) src(%arg7 : memref<4096xf32, #tpu.memory_space<vmem>>) dst(%dma_wait3A_558 : memref<4096xf32, #tpu.memory_space<hbm>>)
      tpu.yield
    }) : () -> ()
    %dma_start3A_312 = arith.constant 8192 : i32
    %dma_start3A_313 = tpu.memref_slice %arg6[%dma_start3A_312] : memref<20480xi32, #tpu.memory_space<vmem>> -> memref<4096xi32, #tpu.memory_space<vmem>>
    %dma_start3A_314 = arith.constant 0 : i32
    %dma_start3A_315 = tpu.memref_slice %arg2[%dma_start3A_314] : memref<16001024xf32, #tpu.memory_space<hbm>> -> memref<16001024xf32, #tpu.memory_space<hbm>>
    tpu.enqueue_indirect_dma source(%dma_start3A_315 : memref<16001024xf32, #tpu.memory_space<hbm>>) target(%arg7 : memref<4096xf32, #tpu.memory_space<vmem>>) offsets(%dma_start3A_313 : memref<4096xi32, #tpu.memory_space<vmem>>) semaphore(%arg9 : memref<!tpu.dma_semaphore, #tpu.memory_space<semaphore_mem>>)
    %dma_wait3A_316 = arith.constant 4096 : i32
    %dma_wait3A_317 = tpu.memref_slice %arg6[%dma_wait3A_316] : memref<20480xi32, #tpu.memory_space<vmem>> -> memref<4096xi32, #tpu.memory_space<vmem>>
    %dma_wait3A_318 = arith.constant 0 : i32
    %dma_wait3A_319 = tpu.memref_slice %arg2[%dma_wait3A_318] : memref<16001024xf32, #tpu.memory_space<hbm>> -> memref<16001024xf32, #tpu.memory_space<hbm>>
    tpu.wait_indirect_dma semaphore(%arg10 : memref<!tpu.dma_semaphore, #tpu.memory_space<semaphore_mem>>) src(%dma_wait3A_319 : memref<16001024xf32, #tpu.memory_space<hbm>>) dst(%arg8 : memref<4096xf32, #tpu.memory_space<vmem>>)
    %add3A_320 = arith.constant 4096 : i32
    %add3A_321 = arith.addi %add3A_297, %add3A_320 : i32
    "tpu.region"() ({
      %run_scoped3A = tpu.sem_alloc : memref<!tpu.dma_semaphore, #tpu.memory_space<semaphore_mem>>
      %dma_start3A_555 = tpu.memref_slice %arg4[%add3A_321] : memref<5242880xf32, #tpu.memory_space<hbm>> -> memref<4096xf32, #tpu.memory_space<hbm>>
      %dma_start3A_556 = tpu.memref_slice %arg4[%add3A_321] : memref<5242880xf32, #tpu.memory_space<hbm>> -> memref<4096xf32, #tpu.memory_space<hbm>>
      tpu.enqueue_dma source(%arg8 : memref<4096xf32, #tpu.memory_space<vmem>>) target(%dma_start3A_556 : memref<4096xf32, #tpu.memory_space<hbm>>) target_semaphore(%run_scoped3A : memref<!tpu.dma_semaphore, #tpu.memory_space<semaphore_mem>>)
      %dma_wait3A_557 = tpu.memref_slice %arg4[%add3A_321] : memref<5242880xf32, #tpu.memory_space<hbm>> -> memref<4096xf32, #tpu.memory_space<hbm>>
      %dma_wait3A_558 = tpu.memref_slice %arg4[%add3A_321] : memref<5242880xf32, #tpu.memory_space<hbm>> -> memref<4096xf32, #tpu.memory_space<hbm>>
      tpu.wait_dma2 semaphore(%run_scoped3A : memref<!tpu.dma_semaphore, #tpu.memory_space<semaphore_mem>>) src(%arg8 : memref<4096xf32, #tpu.memory_space<vmem>>) dst(%dma_wait3A_558 : memref<4096xf32, #tpu.memory_space<hbm>>)
      tpu.yield
    }) : () -> ()
    %dma_start3A_322 = arith.constant 12288 : i32
    %dma_start3A_323 = tpu.memref_slice %arg6[%dma_start3A_322] : memref<20480xi32, #tpu.memory_space<vmem>> -> memref<4096xi32, #tpu.memory_space<vmem>>
    %dma_start3A_324 = arith.constant 0 : i32
    %dma_start3A_325 = tpu.memref_slice %arg2[%dma_start3A_324] : memref<16001024xf32, #tpu.memory_space<hbm>> -> memref<16001024xf32, #tpu.memory_space<hbm>>
    tpu.enqueue_indirect_dma source(%dma_start3A_325 : memref<16001024xf32, #tpu.memory_space<hbm>>) target(%arg8 : memref<4096xf32, #tpu.memory_space<vmem>>) offsets(%dma_start3A_323 : memref<4096xi32, #tpu.memory_space<vmem>>) semaphore(%arg10 : memref<!tpu.dma_semaphore, #tpu.memory_space<semaphore_mem>>)
    %dma_wait3A_326 = arith.constant 8192 : i32
    %dma_wait3A_327 = tpu.memref_slice %arg6[%dma_wait3A_326] : memref<20480xi32, #tpu.memory_space<vmem>> -> memref<4096xi32, #tpu.memory_space<vmem>>
    %dma_wait3A_328 = arith.constant 0 : i32
    %dma_wait3A_329 = tpu.memref_slice %arg2[%dma_wait3A_328] : memref<16001024xf32, #tpu.memory_space<hbm>> -> memref<16001024xf32, #tpu.memory_space<hbm>>
    tpu.wait_indirect_dma semaphore(%arg9 : memref<!tpu.dma_semaphore, #tpu.memory_space<semaphore_mem>>) src(%dma_wait3A_329 : memref<16001024xf32, #tpu.memory_space<hbm>>) dst(%arg7 : memref<4096xf32, #tpu.memory_space<vmem>>)
    %add3A_330 = arith.constant 8192 : i32
    %add3A_331 = arith.addi %add3A_297, %add3A_330 : i32
    "tpu.region"() ({
      %run_scoped3A = tpu.sem_alloc : memref<!tpu.dma_semaphore, #tpu.memory_space<semaphore_mem>>
      %dma_start3A_555 = tpu.memref_slice %arg4[%add3A_331] : memref<5242880xf32, #tpu.memory_space<hbm>> -> memref<4096xf32, #tpu.memory_space<hbm>>
      %dma_start3A_556 = tpu.memref_slice %arg4[%add3A_331] : memref<5242880xf32, #tpu.memory_space<hbm>> -> memref<4096xf32, #tpu.memory_space<hbm>>
      tpu.enqueue_dma source(%arg7 : memref<4096xf32, #tpu.memory_space<vmem>>) target(%dma_start3A_556 : memref<4096xf32, #tpu.memory_space<hbm>>) target_semaphore(%run_scoped3A : memref<!tpu.dma_semaphore, #tpu.memory_space<semaphore_mem>>)
      %dma_wait3A_557 = tpu.memref_slice %arg4[%add3A_331] : memref<5242880xf32, #tpu.memory_space<hbm>> -> memref<4096xf32, #tpu.memory_space<hbm>>
      %dma_wait3A_558 = tpu.memref_slice %arg4[%add3A_331] : memref<5242880xf32, #tpu.memory_space<hbm>> -> memref<4096xf32, #tpu.memory_space<hbm>>
      tpu.wait_dma2 semaphore(%run_scoped3A : memref<!tpu.dma_semaphore, #tpu.memory_space<semaphore_mem>>) src(%arg7 : memref<4096xf32, #tpu.memory_space<vmem>>) dst(%dma_wait3A_558 : memref<4096xf32, #tpu.memory_space<hbm>>)
      tpu.yield
    }) : () -> ()
    %dma_start3A_332 = arith.constant 16384 : i32
    %dma_start3A_333 = tpu.memref_slice %arg6[%dma_start3A_332] : memref<20480xi32, #tpu.memory_space<vmem>> -> memref<4096xi32, #tpu.memory_space<vmem>>
    %dma_start3A_334 = arith.constant 0 : i32
    %dma_start3A_335 = tpu.memref_slice %arg2[%dma_start3A_334] : memref<16001024xf32, #tpu.memory_space<hbm>> -> memref<16001024xf32, #tpu.memory_space<hbm>>
    tpu.enqueue_indirect_dma source(%dma_start3A_335 : memref<16001024xf32, #tpu.memory_space<hbm>>) target(%arg7 : memref<4096xf32, #tpu.memory_space<vmem>>) offsets(%dma_start3A_333 : memref<4096xi32, #tpu.memory_space<vmem>>) semaphore(%arg9 : memref<!tpu.dma_semaphore, #tpu.memory_space<semaphore_mem>>)
    %dma_wait3A_336 = arith.constant 12288 : i32
    %dma_wait3A_337 = tpu.memref_slice %arg6[%dma_wait3A_336] : memref<20480xi32, #tpu.memory_space<vmem>> -> memref<4096xi32, #tpu.memory_space<vmem>>
    %dma_wait3A_338 = arith.constant 0 : i32
    %dma_wait3A_339 = tpu.memref_slice %arg2[%dma_wait3A_338] : memref<16001024xf32, #tpu.memory_space<hbm>> -> memref<16001024xf32, #tpu.memory_space<hbm>>
    tpu.wait_indirect_dma semaphore(%arg10 : memref<!tpu.dma_semaphore, #tpu.memory_space<semaphore_mem>>) src(%dma_wait3A_339 : memref<16001024xf32, #tpu.memory_space<hbm>>) dst(%arg8 : memref<4096xf32, #tpu.memory_space<vmem>>)
    %add3A_340 = arith.constant 12288 : i32
    %add3A_341 = arith.addi %add3A_297, %add3A_340 : i32
    "tpu.region"() ({
      %run_scoped3A = tpu.sem_alloc : memref<!tpu.dma_semaphore, #tpu.memory_space<semaphore_mem>>
      %dma_start3A_555 = tpu.memref_slice %arg4[%add3A_341] : memref<5242880xf32, #tpu.memory_space<hbm>> -> memref<4096xf32, #tpu.memory_space<hbm>>
      %dma_start3A_556 = tpu.memref_slice %arg4[%add3A_341] : memref<5242880xf32, #tpu.memory_space<hbm>> -> memref<4096xf32, #tpu.memory_space<hbm>>
      tpu.enqueue_dma source(%arg8 : memref<4096xf32, #tpu.memory_space<vmem>>) target(%dma_start3A_556 : memref<4096xf32, #tpu.memory_space<hbm>>) target_semaphore(%run_scoped3A : memref<!tpu.dma_semaphore, #tpu.memory_space<semaphore_mem>>)
      %dma_wait3A_557 = tpu.memref_slice %arg4[%add3A_341] : memref<5242880xf32, #tpu.memory_space<hbm>> -> memref<4096xf32, #tpu.memory_space<hbm>>
      %dma_wait3A_558 = tpu.memref_slice %arg4[%add3A_341] : memref<5242880xf32, #tpu.memory_space<hbm>> -> memref<4096xf32, #tpu.memory_space<hbm>>
      tpu.wait_dma2 semaphore(%run_scoped3A : memref<!tpu.dma_semaphore, #tpu.memory_space<semaphore_mem>>) src(%arg8 : memref<4096xf32, #tpu.memory_space<vmem>>) dst(%dma_wait3A_558 : memref<4096xf32, #tpu.memory_space<hbm>>)
      tpu.yield
    }) : () -> ()
    %dma_wait3A_342 = arith.constant 16384 : i32
    %dma_wait3A_343 = tpu.memref_slice %arg6[%dma_wait3A_342] : memref<20480xi32, #tpu.memory_space<vmem>> -> memref<4096xi32, #tpu.memory_space<vmem>>
    %dma_wait3A_344 = arith.constant 0 : i32
    %dma_wait3A_345 = tpu.memref_slice %arg2[%dma_wait3A_344] : memref<16001024xf32, #tpu.memory_space<hbm>> -> memref<16001024xf32, #tpu.memory_space<hbm>>
    tpu.wait_indirect_dma semaphore(%arg9 : memref<!tpu.dma_semaphore, #tpu.memory_space<semaphore_mem>>) src(%dma_wait3A_345 : memref<16001024xf32, #tpu.memory_space<hbm>>) dst(%arg7 : memref<4096xf32, #tpu.memory_space<vmem>>)
    %add3A_346 = arith.constant 16384 : i32
    %add3A_347 = arith.addi %add3A_297, %add3A_346 : i32
    "tpu.region"() ({
      %run_scoped3A = tpu.sem_alloc : memref<!tpu.dma_semaphore, #tpu.memory_space<semaphore_mem>>
      %dma_start3A_555 = tpu.memref_slice %arg4[%add3A_347] : memref<5242880xf32, #tpu.memory_space<hbm>> -> memref<4096xf32, #tpu.memory_space<hbm>>
      %dma_start3A_556 = tpu.memref_slice %arg4[%add3A_347] : memref<5242880xf32, #tpu.memory_space<hbm>> -> memref<4096xf32, #tpu.memory_space<hbm>>
      tpu.enqueue_dma source(%arg7 : memref<4096xf32, #tpu.memory_space<vmem>>) target(%dma_start3A_556 : memref<4096xf32, #tpu.memory_space<hbm>>) target_semaphore(%run_scoped3A : memref<!tpu.dma_semaphore, #tpu.memory_space<semaphore_mem>>)
      %dma_wait3A_557 = tpu.memref_slice %arg4[%add3A_347] : memref<5242880xf32, #tpu.memory_space<hbm>> -> memref<4096xf32, #tpu.memory_space<hbm>>
      %dma_wait3A_558 = tpu.memref_slice %arg4[%add3A_347] : memref<5242880xf32, #tpu.memory_space<hbm>> -> memref<4096xf32, #tpu.memory_space<hbm>>
      tpu.wait_dma2 semaphore(%run_scoped3A : memref<!tpu.dma_semaphore, #tpu.memory_space<semaphore_mem>>) src(%arg7 : memref<4096xf32, #tpu.memory_space<vmem>>) dst(%dma_wait3A_558 : memref<4096xf32, #tpu.memory_space<hbm>>)
      tpu.yield
    }) : () -> ()
    %mul3A_348 = arith.constant 8000512 : i32
    %mul3A_349 = arith.muli %arg0, %mul3A_348 : i32
    %add3A_350 = arith.constant 640 : i32
    %add3A_351 = arith.addi %mul3A_349, %add3A_350 : i32
    %scan3A_352 = arith.constant 0 : i32
    %scan3A_353 = arith.constant 0 : i32
    %scan3A_354 = arith.constant 1280 : i32
    %scan3A_355 = arith.addi %scan3A_353, %scan3A_354 : i32
    %scan3A_356 = arith.constant 8 : i32
    scf.for %scan3A_555 = %scan3A_353 to %scan3A_355 step %scan3A_356  : i32 {
      %mul3A_556 = arith.constant 16 : i32
      %mul3A_557 = arith.muli %scan3A_555, %mul3A_556 : i32
      %get3A = arith.index_cast %mul3A_557 : i32 to index
      %get3A_558 = tpu.vector_load %arg5[%get3A] {strides = array<i32>} : memref<20480xi32, #tpu.memory_space<vmem>>, vector<16xi32>,
      %get3A_559 = vector.shape_cast %get3A_558 : vector<16xi32> to vector<16xi32>
      %mul3A_560 = arith.constant 16 : i32
      %mul3A_561 = arith.muli %scan3A_555, %mul3A_560 : i32
      %get3A_562 = arith.index_cast %mul3A_561 : i32 to index
      %get3A_563 = tpu.vector_load %arg6[%get3A_562] {strides = array<i32>} : memref<20480xi32, #tpu.memory_space<vmem>>, vector<16xi32>,
      %get3A_564 = vector.shape_cast %get3A_563 : vector<16xi32> to vector<16xi32>
      %add3A_565 = arith.constant 128 : i32
      %add3A_566 = vector.broadcast %add3A_565 : i32 to vector<16xi32>
      %add3A_567 = arith.addi %get3A_564, %add3A_566 : vector<16xi32>
      %mul3A_568 = arith.constant 16 : i32
      %mul3A_569 = arith.muli %scan3A_555, %mul3A_568 : i32
      %swap3A = arith.index_cast %mul3A_569 : i32 to index
      %swap3A_570 = tpu.vector_load %arg6[%swap3A] {strides = array<i32>} : memref<20480xi32, #tpu.memory_space<vmem>>, vector<16xi32>,
      %swap3A_571 = vector.shape_cast %swap3A_570 : vector<16xi32> to vector<16xi32>
      %swap3A_572 = vector.shape_cast %add3A_567 : vector<16xi32> to vector<16xi32>
      tpu.vector_store %arg6[%swap3A], %swap3A_572 {strides = array<i32>} : memref<20480xi32, #tpu.memory_space<vmem>>, vector<16xi32>,
      %scan3A_573 = arith.constant 1 : i32
      %scan3A_574 = arith.addi %scan3A_555, %scan3A_573 : i32
      %mul3A_575 = arith.constant 16 : i32
      %mul3A_576 = arith.muli %scan3A_574, %mul3A_575 : i32
      %get3A_577 = arith.index_cast %mul3A_576 : i32 to index
      %get3A_578 = tpu.vector_load %arg5[%get3A_577] {strides = array<i32>} : memref<20480xi32, #tpu.memory_space<vmem>>, vector<16xi32>,
      %get3A_579 = vector.shape_cast %get3A_578 : vector<16xi32> to vector<16xi32>
      %mul3A_580 = arith.constant 16 : i32
      %mul3A_581 = arith.muli %scan3A_574, %mul3A_580 : i32
      %get3A_582 = arith.index_cast %mul3A_581 : i32 to index
      %get3A_583 = tpu.vector_load %arg6[%get3A_582] {strides = array<i32>} : memref<20480xi32, #tpu.memory_space<vmem>>, vector<16xi32>,
      %get3A_584 = vector.shape_cast %get3A_583 : vector<16xi32> to vector<16xi32>
      %add3A_585 = arith.constant 128 : i32
      %add3A_586 = vector.broadcast %add3A_585 : i32 to vector<16xi32>
      %add3A_587 = arith.addi %get3A_584, %add3A_586 : vector<16xi32>
      %mul3A_588 = arith.constant 16 : i32
      %mul3A_589 = arith.muli %scan3A_574, %mul3A_588 : i32
      %swap3A_590 = arith.index_cast %mul3A_589 : i32 to index
      %swap3A_591 = tpu.vector_load %arg6[%swap3A_590] {strides = array<i32>} : memref<20480xi32, #tpu.memory_space<vmem>>, vector<16xi32>,
      %swap3A_592 = vector.shape_cast %swap3A_591 : vector<16xi32> to vector<16xi32>
      %swap3A_593 = vector.shape_cast %add3A_587 : vector<16xi32> to vector<16xi32>
      tpu.vector_store %arg6[%swap3A_590], %swap3A_593 {strides = array<i32>} : memref<20480xi32, #tpu.memory_space<vmem>>, vector<16xi32>,
      %scan3A_594 = arith.constant 2 : i32
      %scan3A_595 = arith.addi %scan3A_555, %scan3A_594 : i32
      %mul3A_596 = arith.constant 16 : i32
      %mul3A_597 = arith.muli %scan3A_595, %mul3A_596 : i32
      %get3A_598 = arith.index_cast %mul3A_597 : i32 to index
      %get3A_599 = tpu.vector_load %arg5[%get3A_598] {strides = array<i32>} : memref<20480xi32, #tpu.memory_space<vmem>>, vector<16xi32>,
      %get3A_600 = vector.shape_cast %get3A_599 : vector<16xi32> to vector<16xi32>
      %mul3A_601 = arith.constant 16 : i32
      %mul3A_602 = arith.muli %scan3A_595, %mul3A_601 : i32
      %get3A_603 = arith.index_cast %mul3A_602 : i32 to index
      %get3A_604 = tpu.vector_load %arg6[%get3A_603] {strides = array<i32>} : memref<20480xi32, #tpu.memory_space<vmem>>, vector<16xi32>,
      %get3A_605 = vector.shape_cast %get3A_604 : vector<16xi32> to vector<16xi32>
      %add3A_606 = arith.constant 128 : i32
      %add3A_607 = vector.broadcast %add3A_606 : i32 to vector<16xi32>
      %add3A_608 = arith.addi %get3A_605, %add3A_607 : vector<16xi32>
      %mul3A_609 = arith.constant 16 : i32
      %mul3A_610 = arith.muli %scan3A_595, %mul3A_609 : i32
      %swap3A_611 = arith.index_cast %mul3A_610 : i32 to index
      %swap3A_612 = tpu.vector_load %arg6[%swap3A_611] {strides = array<i32>} : memref<20480xi32, #tpu.memory_space<vmem>>, vector<16xi32>,
      %swap3A_613 = vector.shape_cast %swap3A_612 : vector<16xi32> to vector<16xi32>
      %swap3A_614 = vector.shape_cast %add3A_608 : vector<16xi32> to vector<16xi32>
      tpu.vector_store %arg6[%swap3A_611], %swap3A_614 {strides = array<i32>} : memref<20480xi32, #tpu.memory_space<vmem>>, vector<16xi32>,
      %scan3A_615 = arith.constant 3 : i32
      %scan3A_616 = arith.addi %scan3A_555, %scan3A_615 : i32
      %mul3A_617 = arith.constant 16 : i32
      %mul3A_618 = arith.muli %scan3A_616, %mul3A_617 : i32
      %get3A_619 = arith.index_cast %mul3A_618 : i32 to index
      %get3A_620 = tpu.vector_load %arg5[%get3A_619] {strides = array<i32>} : memref<20480xi32, #tpu.memory_space<vmem>>, vector<16xi32>,
      %get3A_621 = vector.shape_cast %get3A_620 : vector<16xi32> to vector<16xi32>
      %mul3A_622 = arith.constant 16 : i32
      %mul3A_623 = arith.muli %scan3A_616, %mul3A_622 : i32
      %get3A_624 = arith.index_cast %mul3A_623 : i32 to index
      %get3A_625 = tpu.vector_load %arg6[%get3A_624] {strides = array<i32>} : memref<20480xi32, #tpu.memory_space<vmem>>, vector<16xi32>,
      %get3A_626 = vector.shape_cast %get3A_625 : vector<16xi32> to vector<16xi32>
      %add3A_627 = arith.constant 128 : i32
      %add3A_628 = vector.broadcast %add3A_627 : i32 to vector<16xi32>
      %add3A_629 = arith.addi %get3A_626, %add3A_628 : vector<16xi32>
      %mul3A_630 = arith.constant 16 : i32
      %mul3A_631 = arith.muli %scan3A_616, %mul3A_630 : i32
      %swap3A_632 = arith.index_cast %mul3A_631 : i32 to index
      %swap3A_633 = tpu.vector_load %arg6[%swap3A_632] {strides = array<i32>} : memref<20480xi32, #tpu.memory_space<vmem>>, vector<16xi32>,
      %swap3A_634 = vector.shape_cast %swap3A_633 : vector<16xi32> to vector<16xi32>
      %swap3A_635 = vector.shape_cast %add3A_629 : vector<16xi32> to vector<16xi32>
      tpu.vector_store %arg6[%swap3A_632], %swap3A_635 {strides = array<i32>} : memref<20480xi32, #tpu.memory_space<vmem>>, vector<16xi32>,
      %scan3A_636 = arith.constant 4 : i32
      %scan3A_637 = arith.addi %scan3A_555, %scan3A_636 : i32
      %mul3A_638 = arith.constant 16 : i32
      %mul3A_639 = arith.muli %scan3A_637, %mul3A_638 : i32
      %get3A_640 = arith.index_cast %mul3A_639 : i32 to index
      %get3A_641 = tpu.vector_load %arg5[%get3A_640] {strides = array<i32>} : memref<20480xi32, #tpu.memory_space<vmem>>, vector<16xi32>,
      %get3A_642 = vector.shape_cast %get3A_641 : vector<16xi32> to vector<16xi32>
      %mul3A_643 = arith.constant 16 : i32
      %mul3A_644 = arith.muli %scan3A_637, %mul3A_643 : i32
      %get3A_645 = arith.index_cast %mul3A_644 : i32 to index
      %get3A_646 = tpu.vector_load %arg6[%get3A_645] {strides = array<i32>} : memref<20480xi32, #tpu.memory_space<vmem>>, vector<16xi32>,
      %get3A_647 = vector.shape_cast %get3A_646 : vector<16xi32> to vector<16xi32>
      %add3A_648 = arith.constant 128 : i32
      %add3A_649 = vector.broadcast %add3A_648 : i32 to vector<16xi32>
      %add3A_650 = arith.addi %get3A_647, %add3A_649 : vector<16xi32>
      %mul3A_651 = arith.constant 16 : i32
      %mul3A_652 = arith.muli %scan3A_637, %mul3A_651 : i32
      %swap3A_653 = arith.index_cast %mul3A_652 : i32 to index
      %swap3A_654 = tpu.vector_load %arg6[%swap3A_653] {strides = array<i32>} : memref<20480xi32, #tpu.memory_space<vmem>>, vector<16xi32>,
      %swap3A_655 = vector.shape_cast %swap3A_654 : vector<16xi32> to vector<16xi32>
      %swap3A_656 = vector.shape_cast %add3A_650 : vector<16xi32> to vector<16xi32>
      tpu.vector_store %arg6[%swap3A_653], %swap3A_656 {strides = array<i32>} : memref<20480xi32, #tpu.memory_space<vmem>>, vector<16xi32>,
      %scan3A_657 = arith.constant 5 : i32
      %scan3A_658 = arith.addi %scan3A_555, %scan3A_657 : i32
      %mul3A_659 = arith.constant 16 : i32
      %mul3A_660 = arith.muli %scan3A_658, %mul3A_659 : i32
      %get3A_661 = arith.index_cast %mul3A_660 : i32 to index
      %get3A_662 = tpu.vector_load %arg5[%get3A_661] {strides = array<i32>} : memref<20480xi32, #tpu.memory_space<vmem>>, vector<16xi32>,
      %get3A_663 = vector.shape_cast %get3A_662 : vector<16xi32> to vector<16xi32>
      %mul3A_664 = arith.constant 16 : i32
      %mul3A_665 = arith.muli %scan3A_658, %mul3A_664 : i32
      %get3A_666 = arith.index_cast %mul3A_665 : i32 to index
      %get3A_667 = tpu.vector_load %arg6[%get3A_666] {strides = array<i32>} : memref<20480xi32, #tpu.memory_space<vmem>>, vector<16xi32>,
      %get3A_668 = vector.shape_cast %get3A_667 : vector<16xi32> to vector<16xi32>
      %add3A_669 = arith.constant 128 : i32
      %add3A_670 = vector.broadcast %add3A_669 : i32 to vector<16xi32>
      %add3A_671 = arith.addi %get3A_668, %add3A_670 : vector<16xi32>
      %mul3A_672 = arith.constant 16 : i32
      %mul3A_673 = arith.muli %scan3A_658, %mul3A_672 : i32
      %swap3A_674 = arith.index_cast %mul3A_673 : i32 to index
      %swap3A_675 = tpu.vector_load %arg6[%swap3A_674] {strides = array<i32>} : memref<20480xi32, #tpu.memory_space<vmem>>, vector<16xi32>,
      %swap3A_676 = vector.shape_cast %swap3A_675 : vector<16xi32> to vector<16xi32>
      %swap3A_677 = vector.shape_cast %add3A_671 : vector<16xi32> to vector<16xi32>
      tpu.vector_store %arg6[%swap3A_674], %swap3A_677 {strides = array<i32>} : memref<20480xi32, #tpu.memory_space<vmem>>, vector<16xi32>,
      %scan3A_678 = arith.constant 6 : i32
      %scan3A_679 = arith.addi %scan3A_555, %scan3A_678 : i32
      %mul3A_680 = arith.constant 16 : i32
      %mul3A_681 = arith.muli %scan3A_679, %mul3A_680 : i32
      %get3A_682 = arith.index_cast %mul3A_681 : i32 to index
      %get3A_683 = tpu.vector_load %arg5[%get3A_682] {strides = array<i32>} : memref<20480xi32, #tpu.memory_space<vmem>>, vector<16xi32>,
      %get3A_684 = vector.shape_cast %get3A_683 : vector<16xi32> to vector<16xi32>
      %mul3A_685 = arith.constant 16 : i32
      %mul3A_686 = arith.muli %scan3A_679, %mul3A_685 : i32
      %get3A_687 = arith.index_cast %mul3A_686 : i32 to index
      %get3A_688 = tpu.vector_load %arg6[%get3A_687] {strides = array<i32>} : memref<20480xi32, #tpu.memory_space<vmem>>, vector<16xi32>,
      %get3A_689 = vector.shape_cast %get3A_688 : vector<16xi32> to vector<16xi32>
      %add3A_690 = arith.constant 128 : i32
      %add3A_691 = vector.broadcast %add3A_690 : i32 to vector<16xi32>
      %add3A_692 = arith.addi %get3A_689, %add3A_691 : vector<16xi32>
      %mul3A_693 = arith.constant 16 : i32
      %mul3A_694 = arith.muli %scan3A_679, %mul3A_693 : i32
      %swap3A_695 = arith.index_cast %mul3A_694 : i32 to index
      %swap3A_696 = tpu.vector_load %arg6[%swap3A_695] {strides = array<i32>} : memref<20480xi32, #tpu.memory_space<vmem>>, vector<16xi32>,
      %swap3A_697 = vector.shape_cast %swap3A_696 : vector<16xi32> to vector<16xi32>
      %swap3A_698 = vector.shape_cast %add3A_692 : vector<16xi32> to vector<16xi32>
      tpu.vector_store %arg6[%swap3A_695], %swap3A_698 {strides = array<i32>} : memref<20480xi32, #tpu.memory_space<vmem>>, vector<16xi32>,
      %scan3A_699 = arith.constant 7 : i32
      %scan3A_700 = arith.addi %scan3A_555, %scan3A_699 : i32
      %mul3A_701 = arith.constant 16 : i32
      %mul3A_702 = arith.muli %scan3A_700, %mul3A_701 : i32
      %get3A_703 = arith.index_cast %mul3A_702 : i32 to index
      %get3A_704 = tpu.vector_load %arg5[%get3A_703] {strides = array<i32>} : memref<20480xi32, #tpu.memory_space<vmem>>, vector<16xi32>,
      %get3A_705 = vector.shape_cast %get3A_704 : vector<16xi32> to vector<16xi32>
      %mul3A_706 = arith.constant 16 : i32
      %mul3A_707 = arith.muli %scan3A_700, %mul3A_706 : i32
      %get3A_708 = arith.index_cast %mul3A_707 : i32 to index
      %get3A_709 = tpu.vector_load %arg6[%get3A_708] {strides = array<i32>} : memref<20480xi32, #tpu.memory_space<vmem>>, vector<16xi32>,
      %get3A_710 = vector.shape_cast %get3A_709 : vector<16xi32> to vector<16xi32>
      %add3A_711 = arith.constant 128 : i32
      %add3A_712 = vector.broadcast %add3A_711 : i32 to vector<16xi32>
      %add3A_713 = arith.addi %get3A_710, %add3A_712 : vector<16xi32>
      %mul3A_714 = arith.constant 16 : i32
      %mul3A_715 = arith.muli %scan3A_700, %mul3A_714 : i32
      %swap3A_716 = arith.index_cast %mul3A_715 : i32 to index
      %swap3A_717 = tpu.vector_load %arg6[%swap3A_716] {strides = array<i32>} : memref<20480xi32, #tpu.memory_space<vmem>>, vector<16xi32>,
      %swap3A_718 = vector.shape_cast %swap3A_717 : vector<16xi32> to vector<16xi32>
      %swap3A_719 = vector.shape_cast %add3A_713 : vector<16xi32> to vector<16xi32>
      tpu.vector_store %arg6[%swap3A_716], %swap3A_719 {strides = array<i32>} : memref<20480xi32, #tpu.memory_space<vmem>>, vector<16xi32>,
    }
    %scan3A_357 = arith.constant 1280 : i32
    %mul3A_358 = arith.constant 8 : i32
    %mul3A_359 = arith.muli %arg0, %mul3A_358 : i32
    %add3A_360 = arith.constant 5 : i32
    %add3A_361 = arith.addi %mul3A_359, %add3A_360 : i32
    %mul3A_362 = arith.constant 327680 : i32
    %mul3A_363 = arith.muli %add3A_361, %mul3A_362 : i32
    %mul3A_364 = arith.constant 20480 : i32
    %mul3A_365 = arith.muli %arg1, %mul3A_364 : i32
    %add3A_366 = arith.addi %mul3A_363, %mul3A_365 : i32
    %dma_start3A_367 = arith.constant 0 : i32
    %dma_start3A_368 = tpu.memref_slice %arg6[%dma_start3A_367] : memref<20480xi32, #tpu.memory_space<vmem>> -> memref<4096xi32, #tpu.memory_space<vmem>>
    %dma_start3A_369 = arith.constant 0 : i32
    %dma_start3A_370 = tpu.memref_slice %arg2[%dma_start3A_369] : memref<16001024xf32, #tpu.memory_space<hbm>> -> memref<16001024xf32, #tpu.memory_space<hbm>>
    tpu.enqueue_indirect_dma source(%dma_start3A_370 : memref<16001024xf32, #tpu.memory_space<hbm>>) target(%arg7 : memref<4096xf32, #tpu.memory_space<vmem>>) offsets(%dma_start3A_368 : memref<4096xi32, #tpu.memory_space<vmem>>) semaphore(%arg9 : memref<!tpu.dma_semaphore, #tpu.memory_space<semaphore_mem>>)
    %dma_start3A_371 = arith.constant 4096 : i32
    %dma_start3A_372 = tpu.memref_slice %arg6[%dma_start3A_371] : memref<20480xi32, #tpu.memory_space<vmem>> -> memref<4096xi32, #tpu.memory_space<vmem>>
    %dma_start3A_373 = arith.constant 0 : i32
    %dma_start3A_374 = tpu.memref_slice %arg2[%dma_start3A_373] : memref<16001024xf32, #tpu.memory_space<hbm>> -> memref<16001024xf32, #tpu.memory_space<hbm>>
    tpu.enqueue_indirect_dma source(%dma_start3A_374 : memref<16001024xf32, #tpu.memory_space<hbm>>) target(%arg8 : memref<4096xf32, #tpu.memory_space<vmem>>) offsets(%dma_start3A_372 : memref<4096xi32, #tpu.memory_space<vmem>>) semaphore(%arg10 : memref<!tpu.dma_semaphore, #tpu.memory_space<semaphore_mem>>)
    %dma_wait3A_375 = arith.constant 0 : i32
    %dma_wait3A_376 = tpu.memref_slice %arg6[%dma_wait3A_375] : memref<20480xi32, #tpu.memory_space<vmem>> -> memref<4096xi32, #tpu.memory_space<vmem>>
    %dma_wait3A_377 = arith.constant 0 : i32
    %dma_wait3A_378 = tpu.memref_slice %arg2[%dma_wait3A_377] : memref<16001024xf32, #tpu.memory_space<hbm>> -> memref<16001024xf32, #tpu.memory_space<hbm>>
    tpu.wait_indirect_dma semaphore(%arg9 : memref<!tpu.dma_semaphore, #tpu.memory_space<semaphore_mem>>) src(%dma_wait3A_378 : memref<16001024xf32, #tpu.memory_space<hbm>>) dst(%arg7 : memref<4096xf32, #tpu.memory_space<vmem>>)
    %add3A_379 = arith.constant 0 : i32
    %add3A_380 = arith.addi %add3A_366, %add3A_379 : i32
    "tpu.region"() ({
      %run_scoped3A = tpu.sem_alloc : memref<!tpu.dma_semaphore, #tpu.memory_space<semaphore_mem>>
      %dma_start3A_555 = tpu.memref_slice %arg4[%add3A_380] : memref<5242880xf32, #tpu.memory_space<hbm>> -> memref<4096xf32, #tpu.memory_space<hbm>>
      %dma_start3A_556 = tpu.memref_slice %arg4[%add3A_380] : memref<5242880xf32, #tpu.memory_space<hbm>> -> memref<4096xf32, #tpu.memory_space<hbm>>
      tpu.enqueue_dma source(%arg7 : memref<4096xf32, #tpu.memory_space<vmem>>) target(%dma_start3A_556 : memref<4096xf32, #tpu.memory_space<hbm>>) target_semaphore(%run_scoped3A : memref<!tpu.dma_semaphore, #tpu.memory_space<semaphore_mem>>)
      %dma_wait3A_557 = tpu.memref_slice %arg4[%add3A_380] : memref<5242880xf32, #tpu.memory_space<hbm>> -> memref<4096xf32, #tpu.memory_space<hbm>>
      %dma_wait3A_558 = tpu.memref_slice %arg4[%add3A_380] : memref<5242880xf32, #tpu.memory_space<hbm>> -> memref<4096xf32, #tpu.memory_space<hbm>>
      tpu.wait_dma2 semaphore(%run_scoped3A : memref<!tpu.dma_semaphore, #tpu.memory_space<semaphore_mem>>) src(%arg7 : memref<4096xf32, #tpu.memory_space<vmem>>) dst(%dma_wait3A_558 : memref<4096xf32, #tpu.memory_space<hbm>>)
      tpu.yield
    }) : () -> ()
    %dma_start3A_381 = arith.constant 8192 : i32
    %dma_start3A_382 = tpu.memref_slice %arg6[%dma_start3A_381] : memref<20480xi32, #tpu.memory_space<vmem>> -> memref<4096xi32, #tpu.memory_space<vmem>>
    %dma_start3A_383 = arith.constant 0 : i32
    %dma_start3A_384 = tpu.memref_slice %arg2[%dma_start3A_383] : memref<16001024xf32, #tpu.memory_space<hbm>> -> memref<16001024xf32, #tpu.memory_space<hbm>>
    tpu.enqueue_indirect_dma source(%dma_start3A_384 : memref<16001024xf32, #tpu.memory_space<hbm>>) target(%arg7 : memref<4096xf32, #tpu.memory_space<vmem>>) offsets(%dma_start3A_382 : memref<4096xi32, #tpu.memory_space<vmem>>) semaphore(%arg9 : memref<!tpu.dma_semaphore, #tpu.memory_space<semaphore_mem>>)
    %dma_wait3A_385 = arith.constant 4096 : i32
    %dma_wait3A_386 = tpu.memref_slice %arg6[%dma_wait3A_385] : memref<20480xi32, #tpu.memory_space<vmem>> -> memref<4096xi32, #tpu.memory_space<vmem>>
    %dma_wait3A_387 = arith.constant 0 : i32
    %dma_wait3A_388 = tpu.memref_slice %arg2[%dma_wait3A_387] : memref<16001024xf32, #tpu.memory_space<hbm>> -> memref<16001024xf32, #tpu.memory_space<hbm>>
    tpu.wait_indirect_dma semaphore(%arg10 : memref<!tpu.dma_semaphore, #tpu.memory_space<semaphore_mem>>) src(%dma_wait3A_388 : memref<16001024xf32, #tpu.memory_space<hbm>>) dst(%arg8 : memref<4096xf32, #tpu.memory_space<vmem>>)
    %add3A_389 = arith.constant 4096 : i32
    %add3A_390 = arith.addi %add3A_366, %add3A_389 : i32
    "tpu.region"() ({
      %run_scoped3A = tpu.sem_alloc : memref<!tpu.dma_semaphore, #tpu.memory_space<semaphore_mem>>
      %dma_start3A_555 = tpu.memref_slice %arg4[%add3A_390] : memref<5242880xf32, #tpu.memory_space<hbm>> -> memref<4096xf32, #tpu.memory_space<hbm>>
      %dma_start3A_556 = tpu.memref_slice %arg4[%add3A_390] : memref<5242880xf32, #tpu.memory_space<hbm>> -> memref<4096xf32, #tpu.memory_space<hbm>>
      tpu.enqueue_dma source(%arg8 : memref<4096xf32, #tpu.memory_space<vmem>>) target(%dma_start3A_556 : memref<4096xf32, #tpu.memory_space<hbm>>) target_semaphore(%run_scoped3A : memref<!tpu.dma_semaphore, #tpu.memory_space<semaphore_mem>>)
      %dma_wait3A_557 = tpu.memref_slice %arg4[%add3A_390] : memref<5242880xf32, #tpu.memory_space<hbm>> -> memref<4096xf32, #tpu.memory_space<hbm>>
      %dma_wait3A_558 = tpu.memref_slice %arg4[%add3A_390] : memref<5242880xf32, #tpu.memory_space<hbm>> -> memref<4096xf32, #tpu.memory_space<hbm>>
      tpu.wait_dma2 semaphore(%run_scoped3A : memref<!tpu.dma_semaphore, #tpu.memory_space<semaphore_mem>>) src(%arg8 : memref<4096xf32, #tpu.memory_space<vmem>>) dst(%dma_wait3A_558 : memref<4096xf32, #tpu.memory_space<hbm>>)
      tpu.yield
    }) : () -> ()
    %dma_start3A_391 = arith.constant 12288 : i32
    %dma_start3A_392 = tpu.memref_slice %arg6[%dma_start3A_391] : memref<20480xi32, #tpu.memory_space<vmem>> -> memref<4096xi32, #tpu.memory_space<vmem>>
    %dma_start3A_393 = arith.constant 0 : i32
    %dma_start3A_394 = tpu.memref_slice %arg2[%dma_start3A_393] : memref<16001024xf32, #tpu.memory_space<hbm>> -> memref<16001024xf32, #tpu.memory_space<hbm>>
    tpu.enqueue_indirect_dma source(%dma_start3A_394 : memref<16001024xf32, #tpu.memory_space<hbm>>) target(%arg8 : memref<4096xf32, #tpu.memory_space<vmem>>) offsets(%dma_start3A_392 : memref<4096xi32, #tpu.memory_space<vmem>>) semaphore(%arg10 : memref<!tpu.dma_semaphore, #tpu.memory_space<semaphore_mem>>)
    %dma_wait3A_395 = arith.constant 8192 : i32
    %dma_wait3A_396 = tpu.memref_slice %arg6[%dma_wait3A_395] : memref<20480xi32, #tpu.memory_space<vmem>> -> memref<4096xi32, #tpu.memory_space<vmem>>
    %dma_wait3A_397 = arith.constant 0 : i32
    %dma_wait3A_398 = tpu.memref_slice %arg2[%dma_wait3A_397] : memref<16001024xf32, #tpu.memory_space<hbm>> -> memref<16001024xf32, #tpu.memory_space<hbm>>
    tpu.wait_indirect_dma semaphore(%arg9 : memref<!tpu.dma_semaphore, #tpu.memory_space<semaphore_mem>>) src(%dma_wait3A_398 : memref<16001024xf32, #tpu.memory_space<hbm>>) dst(%arg7 : memref<4096xf32, #tpu.memory_space<vmem>>)
    %add3A_399 = arith.constant 8192 : i32
    %add3A_400 = arith.addi %add3A_366, %add3A_399 : i32
    "tpu.region"() ({
      %run_scoped3A = tpu.sem_alloc : memref<!tpu.dma_semaphore, #tpu.memory_space<semaphore_mem>>
      %dma_start3A_555 = tpu.memref_slice %arg4[%add3A_400] : memref<5242880xf32, #tpu.memory_space<hbm>> -> memref<4096xf32, #tpu.memory_space<hbm>>
      %dma_start3A_556 = tpu.memref_slice %arg4[%add3A_400] : memref<5242880xf32, #tpu.memory_space<hbm>> -> memref<4096xf32, #tpu.memory_space<hbm>>
      tpu.enqueue_dma source(%arg7 : memref<4096xf32, #tpu.memory_space<vmem>>) target(%dma_start3A_556 : memref<4096xf32, #tpu.memory_space<hbm>>) target_semaphore(%run_scoped3A : memref<!tpu.dma_semaphore, #tpu.memory_space<semaphore_mem>>)
      %dma_wait3A_557 = tpu.memref_slice %arg4[%add3A_400] : memref<5242880xf32, #tpu.memory_space<hbm>> -> memref<4096xf32, #tpu.memory_space<hbm>>
      %dma_wait3A_558 = tpu.memref_slice %arg4[%add3A_400] : memref<5242880xf32, #tpu.memory_space<hbm>> -> memref<4096xf32, #tpu.memory_space<hbm>>
      tpu.wait_dma2 semaphore(%run_scoped3A : memref<!tpu.dma_semaphore, #tpu.memory_space<semaphore_mem>>) src(%arg7 : memref<4096xf32, #tpu.memory_space<vmem>>) dst(%dma_wait3A_558 : memref<4096xf32, #tpu.memory_space<hbm>>)
      tpu.yield
    }) : () -> ()
    %dma_start3A_401 = arith.constant 16384 : i32
    %dma_start3A_402 = tpu.memref_slice %arg6[%dma_start3A_401] : memref<20480xi32, #tpu.memory_space<vmem>> -> memref<4096xi32, #tpu.memory_space<vmem>>
    %dma_start3A_403 = arith.constant 0 : i32
    %dma_start3A_404 = tpu.memref_slice %arg2[%dma_start3A_403] : memref<16001024xf32, #tpu.memory_space<hbm>> -> memref<16001024xf32, #tpu.memory_space<hbm>>
    tpu.enqueue_indirect_dma source(%dma_start3A_404 : memref<16001024xf32, #tpu.memory_space<hbm>>) target(%arg7 : memref<4096xf32, #tpu.memory_space<vmem>>) offsets(%dma_start3A_402 : memref<4096xi32, #tpu.memory_space<vmem>>) semaphore(%arg9 : memref<!tpu.dma_semaphore, #tpu.memory_space<semaphore_mem>>)
    %dma_wait3A_405 = arith.constant 12288 : i32
    %dma_wait3A_406 = tpu.memref_slice %arg6[%dma_wait3A_405] : memref<20480xi32, #tpu.memory_space<vmem>> -> memref<4096xi32, #tpu.memory_space<vmem>>
    %dma_wait3A_407 = arith.constant 0 : i32
    %dma_wait3A_408 = tpu.memref_slice %arg2[%dma_wait3A_407] : memref<16001024xf32, #tpu.memory_space<hbm>> -> memref<16001024xf32, #tpu.memory_space<hbm>>
    tpu.wait_indirect_dma semaphore(%arg10 : memref<!tpu.dma_semaphore, #tpu.memory_space<semaphore_mem>>) src(%dma_wait3A_408 : memref<16001024xf32, #tpu.memory_space<hbm>>) dst(%arg8 : memref<4096xf32, #tpu.memory_space<vmem>>)
    %add3A_409 = arith.constant 12288 : i32
    %add3A_410 = arith.addi %add3A_366, %add3A_409 : i32
    "tpu.region"() ({
      %run_scoped3A = tpu.sem_alloc : memref<!tpu.dma_semaphore, #tpu.memory_space<semaphore_mem>>
      %dma_start3A_555 = tpu.memref_slice %arg4[%add3A_410] : memref<5242880xf32, #tpu.memory_space<hbm>> -> memref<4096xf32, #tpu.memory_space<hbm>>
      %dma_start3A_556 = tpu.memref_slice %arg4[%add3A_410] : memref<5242880xf32, #tpu.memory_space<hbm>> -> memref<4096xf32, #tpu.memory_space<hbm>>
      tpu.enqueue_dma source(%arg8 : memref<4096xf32, #tpu.memory_space<vmem>>) target(%dma_start3A_556 : memref<4096xf32, #tpu.memory_space<hbm>>) target_semaphore(%run_scoped3A : memref<!tpu.dma_semaphore, #tpu.memory_space<semaphore_mem>>)
      %dma_wait3A_557 = tpu.memref_slice %arg4[%add3A_410] : memref<5242880xf32, #tpu.memory_space<hbm>> -> memref<4096xf32, #tpu.memory_space<hbm>>
      %dma_wait3A_558 = tpu.memref_slice %arg4[%add3A_410] : memref<5242880xf32, #tpu.memory_space<hbm>> -> memref<4096xf32, #tpu.memory_space<hbm>>
      tpu.wait_dma2 semaphore(%run_scoped3A : memref<!tpu.dma_semaphore, #tpu.memory_space<semaphore_mem>>) src(%arg8 : memref<4096xf32, #tpu.memory_space<vmem>>) dst(%dma_wait3A_558 : memref<4096xf32, #tpu.memory_space<hbm>>)
      tpu.yield
    }) : () -> ()
    %dma_wait3A_411 = arith.constant 16384 : i32
    %dma_wait3A_412 = tpu.memref_slice %arg6[%dma_wait3A_411] : memref<20480xi32, #tpu.memory_space<vmem>> -> memref<4096xi32, #tpu.memory_space<vmem>>
    %dma_wait3A_413 = arith.constant 0 : i32
    %dma_wait3A_414 = tpu.memref_slice %arg2[%dma_wait3A_413] : memref<16001024xf32, #tpu.memory_space<hbm>> -> memref<16001024xf32, #tpu.memory_space<hbm>>
    tpu.wait_indirect_dma semaphore(%arg9 : memref<!tpu.dma_semaphore, #tpu.memory_space<semaphore_mem>>) src(%dma_wait3A_414 : memref<16001024xf32, #tpu.memory_space<hbm>>) dst(%arg7 : memref<4096xf32, #tpu.memory_space<vmem>>)
    %add3A_415 = arith.constant 16384 : i32
    %add3A_416 = arith.addi %add3A_366, %add3A_415 : i32
    "tpu.region"() ({
      %run_scoped3A = tpu.sem_alloc : memref<!tpu.dma_semaphore, #tpu.memory_space<semaphore_mem>>
      %dma_start3A_555 = tpu.memref_slice %arg4[%add3A_416] : memref<5242880xf32, #tpu.memory_space<hbm>> -> memref<4096xf32, #tpu.memory_space<hbm>>
      %dma_start3A_556 = tpu.memref_slice %arg4[%add3A_416] : memref<5242880xf32, #tpu.memory_space<hbm>> -> memref<4096xf32, #tpu.memory_space<hbm>>
      tpu.enqueue_dma source(%arg7 : memref<4096xf32, #tpu.memory_space<vmem>>) target(%dma_start3A_556 : memref<4096xf32, #tpu.memory_space<hbm>>) target_semaphore(%run_scoped3A : memref<!tpu.dma_semaphore, #tpu.memory_space<semaphore_mem>>)
      %dma_wait3A_557 = tpu.memref_slice %arg4[%add3A_416] : memref<5242880xf32, #tpu.memory_space<hbm>> -> memref<4096xf32, #tpu.memory_space<hbm>>
      %dma_wait3A_558 = tpu.memref_slice %arg4[%add3A_416] : memref<5242880xf32, #tpu.memory_space<hbm>> -> memref<4096xf32, #tpu.memory_space<hbm>>
      tpu.wait_dma2 semaphore(%run_scoped3A : memref<!tpu.dma_semaphore, #tpu.memory_space<semaphore_mem>>) src(%arg7 : memref<4096xf32, #tpu.memory_space<vmem>>) dst(%dma_wait3A_558 : memref<4096xf32, #tpu.memory_space<hbm>>)
      tpu.yield
    }) : () -> ()
    %mul3A_417 = arith.constant 8000512 : i32
    %mul3A_418 = arith.muli %arg0, %mul3A_417 : i32
    %add3A_419 = arith.constant 768 : i32
    %add3A_420 = arith.addi %mul3A_418, %add3A_419 : i32
    %scan3A_421 = arith.constant 0 : i32
    %scan3A_422 = arith.constant 0 : i32
    %scan3A_423 = arith.constant 1280 : i32
    %scan3A_424 = arith.addi %scan3A_422, %scan3A_423 : i32
    %scan3A_425 = arith.constant 8 : i32
    scf.for %scan3A_555 = %scan3A_422 to %scan3A_424 step %scan3A_425  : i32 {
      %mul3A_556 = arith.constant 16 : i32
      %mul3A_557 = arith.muli %scan3A_555, %mul3A_556 : i32
      %get3A = arith.index_cast %mul3A_557 : i32 to index
      %get3A_558 = tpu.vector_load %arg5[%get3A] {strides = array<i32>} : memref<20480xi32, #tpu.memory_space<vmem>>, vector<16xi32>,
      %get3A_559 = vector.shape_cast %get3A_558 : vector<16xi32> to vector<16xi32>
      %mul3A_560 = arith.constant 16 : i32
      %mul3A_561 = arith.muli %scan3A_555, %mul3A_560 : i32
      %get3A_562 = arith.index_cast %mul3A_561 : i32 to index
      %get3A_563 = tpu.vector_load %arg6[%get3A_562] {strides = array<i32>} : memref<20480xi32, #tpu.memory_space<vmem>>, vector<16xi32>,
      %get3A_564 = vector.shape_cast %get3A_563 : vector<16xi32> to vector<16xi32>
      %add3A_565 = arith.constant 128 : i32
      %add3A_566 = vector.broadcast %add3A_565 : i32 to vector<16xi32>
      %add3A_567 = arith.addi %get3A_564, %add3A_566 : vector<16xi32>
      %mul3A_568 = arith.constant 16 : i32
      %mul3A_569 = arith.muli %scan3A_555, %mul3A_568 : i32
      %swap3A = arith.index_cast %mul3A_569 : i32 to index
      %swap3A_570 = tpu.vector_load %arg6[%swap3A] {strides = array<i32>} : memref<20480xi32, #tpu.memory_space<vmem>>, vector<16xi32>,
      %swap3A_571 = vector.shape_cast %swap3A_570 : vector<16xi32> to vector<16xi32>
      %swap3A_572 = vector.shape_cast %add3A_567 : vector<16xi32> to vector<16xi32>
      tpu.vector_store %arg6[%swap3A], %swap3A_572 {strides = array<i32>} : memref<20480xi32, #tpu.memory_space<vmem>>, vector<16xi32>,
      %scan3A_573 = arith.constant 1 : i32
      %scan3A_574 = arith.addi %scan3A_555, %scan3A_573 : i32
      %mul3A_575 = arith.constant 16 : i32
      %mul3A_576 = arith.muli %scan3A_574, %mul3A_575 : i32
      %get3A_577 = arith.index_cast %mul3A_576 : i32 to index
      %get3A_578 = tpu.vector_load %arg5[%get3A_577] {strides = array<i32>} : memref<20480xi32, #tpu.memory_space<vmem>>, vector<16xi32>,
      %get3A_579 = vector.shape_cast %get3A_578 : vector<16xi32> to vector<16xi32>
      %mul3A_580 = arith.constant 16 : i32
      %mul3A_581 = arith.muli %scan3A_574, %mul3A_580 : i32
      %get3A_582 = arith.index_cast %mul3A_581 : i32 to index
      %get3A_583 = tpu.vector_load %arg6[%get3A_582] {strides = array<i32>} : memref<20480xi32, #tpu.memory_space<vmem>>, vector<16xi32>,
      %get3A_584 = vector.shape_cast %get3A_583 : vector<16xi32> to vector<16xi32>
      %add3A_585 = arith.constant 128 : i32
      %add3A_586 = vector.broadcast %add3A_585 : i32 to vector<16xi32>
      %add3A_587 = arith.addi %get3A_584, %add3A_586 : vector<16xi32>
      %mul3A_588 = arith.constant 16 : i32
      %mul3A_589 = arith.muli %scan3A_574, %mul3A_588 : i32
      %swap3A_590 = arith.index_cast %mul3A_589 : i32 to index
      %swap3A_591 = tpu.vector_load %arg6[%swap3A_590] {strides = array<i32>} : memref<20480xi32, #tpu.memory_space<vmem>>, vector<16xi32>,
      %swap3A_592 = vector.shape_cast %swap3A_591 : vector<16xi32> to vector<16xi32>
      %swap3A_593 = vector.shape_cast %add3A_587 : vector<16xi32> to vector<16xi32>
      tpu.vector_store %arg6[%swap3A_590], %swap3A_593 {strides = array<i32>} : memref<20480xi32, #tpu.memory_space<vmem>>, vector<16xi32>,
      %scan3A_594 = arith.constant 2 : i32
      %scan3A_595 = arith.addi %scan3A_555, %scan3A_594 : i32
      %mul3A_596 = arith.constant 16 : i32
      %mul3A_597 = arith.muli %scan3A_595, %mul3A_596 : i32
      %get3A_598 = arith.index_cast %mul3A_597 : i32 to index
      %get3A_599 = tpu.vector_load %arg5[%get3A_598] {strides = array<i32>} : memref<20480xi32, #tpu.memory_space<vmem>>, vector<16xi32>,
      %get3A_600 = vector.shape_cast %get3A_599 : vector<16xi32> to vector<16xi32>
      %mul3A_601 = arith.constant 16 : i32
      %mul3A_602 = arith.muli %scan3A_595, %mul3A_601 : i32
      %get3A_603 = arith.index_cast %mul3A_602 : i32 to index
      %get3A_604 = tpu.vector_load %arg6[%get3A_603] {strides = array<i32>} : memref<20480xi32, #tpu.memory_space<vmem>>, vector<16xi32>,
      %get3A_605 = vector.shape_cast %get3A_604 : vector<16xi32> to vector<16xi32>
      %add3A_606 = arith.constant 128 : i32
      %add3A_607 = vector.broadcast %add3A_606 : i32 to vector<16xi32>
      %add3A_608 = arith.addi %get3A_605, %add3A_607 : vector<16xi32>
      %mul3A_609 = arith.constant 16 : i32
      %mul3A_610 = arith.muli %scan3A_595, %mul3A_609 : i32
      %swap3A_611 = arith.index_cast %mul3A_610 : i32 to index
      %swap3A_612 = tpu.vector_load %arg6[%swap3A_611] {strides = array<i32>} : memref<20480xi32, #tpu.memory_space<vmem>>, vector<16xi32>,
      %swap3A_613 = vector.shape_cast %swap3A_612 : vector<16xi32> to vector<16xi32>
      %swap3A_614 = vector.shape_cast %add3A_608 : vector<16xi32> to vector<16xi32>
      tpu.vector_store %arg6[%swap3A_611], %swap3A_614 {strides = array<i32>} : memref<20480xi32, #tpu.memory_space<vmem>>, vector<16xi32>,
      %scan3A_615 = arith.constant 3 : i32
      %scan3A_616 = arith.addi %scan3A_555, %scan3A_615 : i32
      %mul3A_617 = arith.constant 16 : i32
      %mul3A_618 = arith.muli %scan3A_616, %mul3A_617 : i32
      %get3A_619 = arith.index_cast %mul3A_618 : i32 to index
      %get3A_620 = tpu.vector_load %arg5[%get3A_619] {strides = array<i32>} : memref<20480xi32, #tpu.memory_space<vmem>>, vector<16xi32>,
      %get3A_621 = vector.shape_cast %get3A_620 : vector<16xi32> to vector<16xi32>
      %mul3A_622 = arith.constant 16 : i32
      %mul3A_623 = arith.muli %scan3A_616, %mul3A_622 : i32
      %get3A_624 = arith.index_cast %mul3A_623 : i32 to index
      %get3A_625 = tpu.vector_load %arg6[%get3A_624] {strides = array<i32>} : memref<20480xi32, #tpu.memory_space<vmem>>, vector<16xi32>,
      %get3A_626 = vector.shape_cast %get3A_625 : vector<16xi32> to vector<16xi32>
      %add3A_627 = arith.constant 128 : i32
      %add3A_628 = vector.broadcast %add3A_627 : i32 to vector<16xi32>
      %add3A_629 = arith.addi %get3A_626, %add3A_628 : vector<16xi32>
      %mul3A_630 = arith.constant 16 : i32
      %mul3A_631 = arith.muli %scan3A_616, %mul3A_630 : i32
      %swap3A_632 = arith.index_cast %mul3A_631 : i32 to index
      %swap3A_633 = tpu.vector_load %arg6[%swap3A_632] {strides = array<i32>} : memref<20480xi32, #tpu.memory_space<vmem>>, vector<16xi32>,
      %swap3A_634 = vector.shape_cast %swap3A_633 : vector<16xi32> to vector<16xi32>
      %swap3A_635 = vector.shape_cast %add3A_629 : vector<16xi32> to vector<16xi32>
      tpu.vector_store %arg6[%swap3A_632], %swap3A_635 {strides = array<i32>} : memref<20480xi32, #tpu.memory_space<vmem>>, vector<16xi32>,
      %scan3A_636 = arith.constant 4 : i32
      %scan3A_637 = arith.addi %scan3A_555, %scan3A_636 : i32
      %mul3A_638 = arith.constant 16 : i32
      %mul3A_639 = arith.muli %scan3A_637, %mul3A_638 : i32
      %get3A_640 = arith.index_cast %mul3A_639 : i32 to index
      %get3A_641 = tpu.vector_load %arg5[%get3A_640] {strides = array<i32>} : memref<20480xi32, #tpu.memory_space<vmem>>, vector<16xi32>,
      %get3A_642 = vector.shape_cast %get3A_641 : vector<16xi32> to vector<16xi32>
      %mul3A_643 = arith.constant 16 : i32
      %mul3A_644 = arith.muli %scan3A_637, %mul3A_643 : i32
      %get3A_645 = arith.index_cast %mul3A_644 : i32 to index
      %get3A_646 = tpu.vector_load %arg6[%get3A_645] {strides = array<i32>} : memref<20480xi32, #tpu.memory_space<vmem>>, vector<16xi32>,
      %get3A_647 = vector.shape_cast %get3A_646 : vector<16xi32> to vector<16xi32>
      %add3A_648 = arith.constant 128 : i32
      %add3A_649 = vector.broadcast %add3A_648 : i32 to vector<16xi32>
      %add3A_650 = arith.addi %get3A_647, %add3A_649 : vector<16xi32>
      %mul3A_651 = arith.constant 16 : i32
      %mul3A_652 = arith.muli %scan3A_637, %mul3A_651 : i32
      %swap3A_653 = arith.index_cast %mul3A_652 : i32 to index
      %swap3A_654 = tpu.vector_load %arg6[%swap3A_653] {strides = array<i32>} : memref<20480xi32, #tpu.memory_space<vmem>>, vector<16xi32>,
      %swap3A_655 = vector.shape_cast %swap3A_654 : vector<16xi32> to vector<16xi32>
      %swap3A_656 = vector.shape_cast %add3A_650 : vector<16xi32> to vector<16xi32>
      tpu.vector_store %arg6[%swap3A_653], %swap3A_656 {strides = array<i32>} : memref<20480xi32, #tpu.memory_space<vmem>>, vector<16xi32>,
      %scan3A_657 = arith.constant 5 : i32
      %scan3A_658 = arith.addi %scan3A_555, %scan3A_657 : i32
      %mul3A_659 = arith.constant 16 : i32
      %mul3A_660 = arith.muli %scan3A_658, %mul3A_659 : i32
      %get3A_661 = arith.index_cast %mul3A_660 : i32 to index
      %get3A_662 = tpu.vector_load %arg5[%get3A_661] {strides = array<i32>} : memref<20480xi32, #tpu.memory_space<vmem>>, vector<16xi32>,
      %get3A_663 = vector.shape_cast %get3A_662 : vector<16xi32> to vector<16xi32>
      %mul3A_664 = arith.constant 16 : i32
      %mul3A_665 = arith.muli %scan3A_658, %mul3A_664 : i32
      %get3A_666 = arith.index_cast %mul3A_665 : i32 to index
      %get3A_667 = tpu.vector_load %arg6[%get3A_666] {strides = array<i32>} : memref<20480xi32, #tpu.memory_space<vmem>>, vector<16xi32>,
      %get3A_668 = vector.shape_cast %get3A_667 : vector<16xi32> to vector<16xi32>
      %add3A_669 = arith.constant 128 : i32
      %add3A_670 = vector.broadcast %add3A_669 : i32 to vector<16xi32>
      %add3A_671 = arith.addi %get3A_668, %add3A_670 : vector<16xi32>
      %mul3A_672 = arith.constant 16 : i32
      %mul3A_673 = arith.muli %scan3A_658, %mul3A_672 : i32
      %swap3A_674 = arith.index_cast %mul3A_673 : i32 to index
      %swap3A_675 = tpu.vector_load %arg6[%swap3A_674] {strides = array<i32>} : memref<20480xi32, #tpu.memory_space<vmem>>, vector<16xi32>,
      %swap3A_676 = vector.shape_cast %swap3A_675 : vector<16xi32> to vector<16xi32>
      %swap3A_677 = vector.shape_cast %add3A_671 : vector<16xi32> to vector<16xi32>
      tpu.vector_store %arg6[%swap3A_674], %swap3A_677 {strides = array<i32>} : memref<20480xi32, #tpu.memory_space<vmem>>, vector<16xi32>,
      %scan3A_678 = arith.constant 6 : i32
      %scan3A_679 = arith.addi %scan3A_555, %scan3A_678 : i32
      %mul3A_680 = arith.constant 16 : i32
      %mul3A_681 = arith.muli %scan3A_679, %mul3A_680 : i32
      %get3A_682 = arith.index_cast %mul3A_681 : i32 to index
      %get3A_683 = tpu.vector_load %arg5[%get3A_682] {strides = array<i32>} : memref<20480xi32, #tpu.memory_space<vmem>>, vector<16xi32>,
      %get3A_684 = vector.shape_cast %get3A_683 : vector<16xi32> to vector<16xi32>
      %mul3A_685 = arith.constant 16 : i32
      %mul3A_686 = arith.muli %scan3A_679, %mul3A_685 : i32
      %get3A_687 = arith.index_cast %mul3A_686 : i32 to index
      %get3A_688 = tpu.vector_load %arg6[%get3A_687] {strides = array<i32>} : memref<20480xi32, #tpu.memory_space<vmem>>, vector<16xi32>,
      %get3A_689 = vector.shape_cast %get3A_688 : vector<16xi32> to vector<16xi32>
      %add3A_690 = arith.constant 128 : i32
      %add3A_691 = vector.broadcast %add3A_690 : i32 to vector<16xi32>
      %add3A_692 = arith.addi %get3A_689, %add3A_691 : vector<16xi32>
      %mul3A_693 = arith.constant 16 : i32
      %mul3A_694 = arith.muli %scan3A_679, %mul3A_693 : i32
      %swap3A_695 = arith.index_cast %mul3A_694 : i32 to index
      %swap3A_696 = tpu.vector_load %arg6[%swap3A_695] {strides = array<i32>} : memref<20480xi32, #tpu.memory_space<vmem>>, vector<16xi32>,
      %swap3A_697 = vector.shape_cast %swap3A_696 : vector<16xi32> to vector<16xi32>
      %swap3A_698 = vector.shape_cast %add3A_692 : vector<16xi32> to vector<16xi32>
      tpu.vector_store %arg6[%swap3A_695], %swap3A_698 {strides = array<i32>} : memref<20480xi32, #tpu.memory_space<vmem>>, vector<16xi32>,
      %scan3A_699 = arith.constant 7 : i32
      %scan3A_700 = arith.addi %scan3A_555, %scan3A_699 : i32
      %mul3A_701 = arith.constant 16 : i32
      %mul3A_702 = arith.muli %scan3A_700, %mul3A_701 : i32
      %get3A_703 = arith.index_cast %mul3A_702 : i32 to index
      %get3A_704 = tpu.vector_load %arg5[%get3A_703] {strides = array<i32>} : memref<20480xi32, #tpu.memory_space<vmem>>, vector<16xi32>,
      %get3A_705 = vector.shape_cast %get3A_704 : vector<16xi32> to vector<16xi32>
      %mul3A_706 = arith.constant 16 : i32
      %mul3A_707 = arith.muli %scan3A_700, %mul3A_706 : i32
      %get3A_708 = arith.index_cast %mul3A_707 : i32 to index
      %get3A_709 = tpu.vector_load %arg6[%get3A_708] {strides = array<i32>} : memref<20480xi32, #tpu.memory_space<vmem>>, vector<16xi32>,
      %get3A_710 = vector.shape_cast %get3A_709 : vector<16xi32> to vector<16xi32>
      %add3A_711 = arith.constant 128 : i32
      %add3A_712 = vector.broadcast %add3A_711 : i32 to vector<16xi32>
      %add3A_713 = arith.addi %get3A_710, %add3A_712 : vector<16xi32>
      %mul3A_714 = arith.constant 16 : i32
      %mul3A_715 = arith.muli %scan3A_700, %mul3A_714 : i32
      %swap3A_716 = arith.index_cast %mul3A_715 : i32 to index
      %swap3A_717 = tpu.vector_load %arg6[%swap3A_716] {strides = array<i32>} : memref<20480xi32, #tpu.memory_space<vmem>>, vector<16xi32>,
      %swap3A_718 = vector.shape_cast %swap3A_717 : vector<16xi32> to vector<16xi32>
      %swap3A_719 = vector.shape_cast %add3A_713 : vector<16xi32> to vector<16xi32>
      tpu.vector_store %arg6[%swap3A_716], %swap3A_719 {strides = array<i32>} : memref<20480xi32, #tpu.memory_space<vmem>>, vector<16xi32>,
    }
    %scan3A_426 = arith.constant 1280 : i32
    %mul3A_427 = arith.constant 8 : i32
    %mul3A_428 = arith.muli %arg0, %mul3A_427 : i32
    %add3A_429 = arith.constant 6 : i32
    %add3A_430 = arith.addi %mul3A_428, %add3A_429 : i32
    %mul3A_431 = arith.constant 327680 : i32
    %mul3A_432 = arith.muli %add3A_430, %mul3A_431 : i32
    %mul3A_433 = arith.constant 20480 : i32
    %mul3A_434 = arith.muli %arg1, %mul3A_433 : i32
    %add3A_435 = arith.addi %mul3A_432, %mul3A_434 : i32
    %dma_start3A_436 = arith.constant 0 : i32
    %dma_start3A_437 = tpu.memref_slice %arg6[%dma_start3A_436] : memref<20480xi32, #tpu.memory_space<vmem>> -> memref<4096xi32, #tpu.memory_space<vmem>>
    %dma_start3A_438 = arith.constant 0 : i32
    %dma_start3A_439 = tpu.memref_slice %arg2[%dma_start3A_438] : memref<16001024xf32, #tpu.memory_space<hbm>> -> memref<16001024xf32, #tpu.memory_space<hbm>>
    tpu.enqueue_indirect_dma source(%dma_start3A_439 : memref<16001024xf32, #tpu.memory_space<hbm>>) target(%arg7 : memref<4096xf32, #tpu.memory_space<vmem>>) offsets(%dma_start3A_437 : memref<4096xi32, #tpu.memory_space<vmem>>) semaphore(%arg9 : memref<!tpu.dma_semaphore, #tpu.memory_space<semaphore_mem>>)
    %dma_start3A_440 = arith.constant 4096 : i32
    %dma_start3A_441 = tpu.memref_slice %arg6[%dma_start3A_440] : memref<20480xi32, #tpu.memory_space<vmem>> -> memref<4096xi32, #tpu.memory_space<vmem>>
    %dma_start3A_442 = arith.constant 0 : i32
    %dma_start3A_443 = tpu.memref_slice %arg2[%dma_start3A_442] : memref<16001024xf32, #tpu.memory_space<hbm>> -> memref<16001024xf32, #tpu.memory_space<hbm>>
    tpu.enqueue_indirect_dma source(%dma_start3A_443 : memref<16001024xf32, #tpu.memory_space<hbm>>) target(%arg8 : memref<4096xf32, #tpu.memory_space<vmem>>) offsets(%dma_start3A_441 : memref<4096xi32, #tpu.memory_space<vmem>>) semaphore(%arg10 : memref<!tpu.dma_semaphore, #tpu.memory_space<semaphore_mem>>)
    %dma_wait3A_444 = arith.constant 0 : i32
    %dma_wait3A_445 = tpu.memref_slice %arg6[%dma_wait3A_444] : memref<20480xi32, #tpu.memory_space<vmem>> -> memref<4096xi32, #tpu.memory_space<vmem>>
    %dma_wait3A_446 = arith.constant 0 : i32
    %dma_wait3A_447 = tpu.memref_slice %arg2[%dma_wait3A_446] : memref<16001024xf32, #tpu.memory_space<hbm>> -> memref<16001024xf32, #tpu.memory_space<hbm>>
    tpu.wait_indirect_dma semaphore(%arg9 : memref<!tpu.dma_semaphore, #tpu.memory_space<semaphore_mem>>) src(%dma_wait3A_447 : memref<16001024xf32, #tpu.memory_space<hbm>>) dst(%arg7 : memref<4096xf32, #tpu.memory_space<vmem>>)
    %add3A_448 = arith.constant 0 : i32
    %add3A_449 = arith.addi %add3A_435, %add3A_448 : i32
    "tpu.region"() ({
      %run_scoped3A = tpu.sem_alloc : memref<!tpu.dma_semaphore, #tpu.memory_space<semaphore_mem>>
      %dma_start3A_555 = tpu.memref_slice %arg4[%add3A_449] : memref<5242880xf32, #tpu.memory_space<hbm>> -> memref<4096xf32, #tpu.memory_space<hbm>>
      %dma_start3A_556 = tpu.memref_slice %arg4[%add3A_449] : memref<5242880xf32, #tpu.memory_space<hbm>> -> memref<4096xf32, #tpu.memory_space<hbm>>
      tpu.enqueue_dma source(%arg7 : memref<4096xf32, #tpu.memory_space<vmem>>) target(%dma_start3A_556 : memref<4096xf32, #tpu.memory_space<hbm>>) target_semaphore(%run_scoped3A : memref<!tpu.dma_semaphore, #tpu.memory_space<semaphore_mem>>)
      %dma_wait3A_557 = tpu.memref_slice %arg4[%add3A_449] : memref<5242880xf32, #tpu.memory_space<hbm>> -> memref<4096xf32, #tpu.memory_space<hbm>>
      %dma_wait3A_558 = tpu.memref_slice %arg4[%add3A_449] : memref<5242880xf32, #tpu.memory_space<hbm>> -> memref<4096xf32, #tpu.memory_space<hbm>>
      tpu.wait_dma2 semaphore(%run_scoped3A : memref<!tpu.dma_semaphore, #tpu.memory_space<semaphore_mem>>) src(%arg7 : memref<4096xf32, #tpu.memory_space<vmem>>) dst(%dma_wait3A_558 : memref<4096xf32, #tpu.memory_space<hbm>>)
      tpu.yield
    }) : () -> ()
    %dma_start3A_450 = arith.constant 8192 : i32
    %dma_start3A_451 = tpu.memref_slice %arg6[%dma_start3A_450] : memref<20480xi32, #tpu.memory_space<vmem>> -> memref<4096xi32, #tpu.memory_space<vmem>>
    %dma_start3A_452 = arith.constant 0 : i32
    %dma_start3A_453 = tpu.memref_slice %arg2[%dma_start3A_452] : memref<16001024xf32, #tpu.memory_space<hbm>> -> memref<16001024xf32, #tpu.memory_space<hbm>>
    tpu.enqueue_indirect_dma source(%dma_start3A_453 : memref<16001024xf32, #tpu.memory_space<hbm>>) target(%arg7 : memref<4096xf32, #tpu.memory_space<vmem>>) offsets(%dma_start3A_451 : memref<4096xi32, #tpu.memory_space<vmem>>) semaphore(%arg9 : memref<!tpu.dma_semaphore, #tpu.memory_space<semaphore_mem>>)
    %dma_wait3A_454 = arith.constant 4096 : i32
    %dma_wait3A_455 = tpu.memref_slice %arg6[%dma_wait3A_454] : memref<20480xi32, #tpu.memory_space<vmem>> -> memref<4096xi32, #tpu.memory_space<vmem>>
    %dma_wait3A_456 = arith.constant 0 : i32
    %dma_wait3A_457 = tpu.memref_slice %arg2[%dma_wait3A_456] : memref<16001024xf32, #tpu.memory_space<hbm>> -> memref<16001024xf32, #tpu.memory_space<hbm>>
    tpu.wait_indirect_dma semaphore(%arg10 : memref<!tpu.dma_semaphore, #tpu.memory_space<semaphore_mem>>) src(%dma_wait3A_457 : memref<16001024xf32, #tpu.memory_space<hbm>>) dst(%arg8 : memref<4096xf32, #tpu.memory_space<vmem>>)
    %add3A_458 = arith.constant 4096 : i32
    %add3A_459 = arith.addi %add3A_435, %add3A_458 : i32
    "tpu.region"() ({
      %run_scoped3A = tpu.sem_alloc : memref<!tpu.dma_semaphore, #tpu.memory_space<semaphore_mem>>
      %dma_start3A_555 = tpu.memref_slice %arg4[%add3A_459] : memref<5242880xf32, #tpu.memory_space<hbm>> -> memref<4096xf32, #tpu.memory_space<hbm>>
      %dma_start3A_556 = tpu.memref_slice %arg4[%add3A_459] : memref<5242880xf32, #tpu.memory_space<hbm>> -> memref<4096xf32, #tpu.memory_space<hbm>>
      tpu.enqueue_dma source(%arg8 : memref<4096xf32, #tpu.memory_space<vmem>>) target(%dma_start3A_556 : memref<4096xf32, #tpu.memory_space<hbm>>) target_semaphore(%run_scoped3A : memref<!tpu.dma_semaphore, #tpu.memory_space<semaphore_mem>>)
      %dma_wait3A_557 = tpu.memref_slice %arg4[%add3A_459] : memref<5242880xf32, #tpu.memory_space<hbm>> -> memref<4096xf32, #tpu.memory_space<hbm>>
      %dma_wait3A_558 = tpu.memref_slice %arg4[%add3A_459] : memref<5242880xf32, #tpu.memory_space<hbm>> -> memref<4096xf32, #tpu.memory_space<hbm>>
      tpu.wait_dma2 semaphore(%run_scoped3A : memref<!tpu.dma_semaphore, #tpu.memory_space<semaphore_mem>>) src(%arg8 : memref<4096xf32, #tpu.memory_space<vmem>>) dst(%dma_wait3A_558 : memref<4096xf32, #tpu.memory_space<hbm>>)
      tpu.yield
    }) : () -> ()
    %dma_start3A_460 = arith.constant 12288 : i32
    %dma_start3A_461 = tpu.memref_slice %arg6[%dma_start3A_460] : memref<20480xi32, #tpu.memory_space<vmem>> -> memref<4096xi32, #tpu.memory_space<vmem>>
    %dma_start3A_462 = arith.constant 0 : i32
    %dma_start3A_463 = tpu.memref_slice %arg2[%dma_start3A_462] : memref<16001024xf32, #tpu.memory_space<hbm>> -> memref<16001024xf32, #tpu.memory_space<hbm>>
    tpu.enqueue_indirect_dma source(%dma_start3A_463 : memref<16001024xf32, #tpu.memory_space<hbm>>) target(%arg8 : memref<4096xf32, #tpu.memory_space<vmem>>) offsets(%dma_start3A_461 : memref<4096xi32, #tpu.memory_space<vmem>>) semaphore(%arg10 : memref<!tpu.dma_semaphore, #tpu.memory_space<semaphore_mem>>)
    %dma_wait3A_464 = arith.constant 8192 : i32
    %dma_wait3A_465 = tpu.memref_slice %arg6[%dma_wait3A_464] : memref<20480xi32, #tpu.memory_space<vmem>> -> memref<4096xi32, #tpu.memory_space<vmem>>
    %dma_wait3A_466 = arith.constant 0 : i32
    %dma_wait3A_467 = tpu.memref_slice %arg2[%dma_wait3A_466] : memref<16001024xf32, #tpu.memory_space<hbm>> -> memref<16001024xf32, #tpu.memory_space<hbm>>
    tpu.wait_indirect_dma semaphore(%arg9 : memref<!tpu.dma_semaphore, #tpu.memory_space<semaphore_mem>>) src(%dma_wait3A_467 : memref<16001024xf32, #tpu.memory_space<hbm>>) dst(%arg7 : memref<4096xf32, #tpu.memory_space<vmem>>)
    %add3A_468 = arith.constant 8192 : i32
    %add3A_469 = arith.addi %add3A_435, %add3A_468 : i32
    "tpu.region"() ({
      %run_scoped3A = tpu.sem_alloc : memref<!tpu.dma_semaphore, #tpu.memory_space<semaphore_mem>>
      %dma_start3A_555 = tpu.memref_slice %arg4[%add3A_469] : memref<5242880xf32, #tpu.memory_space<hbm>> -> memref<4096xf32, #tpu.memory_space<hbm>>
      %dma_start3A_556 = tpu.memref_slice %arg4[%add3A_469] : memref<5242880xf32, #tpu.memory_space<hbm>> -> memref<4096xf32, #tpu.memory_space<hbm>>
      tpu.enqueue_dma source(%arg7 : memref<4096xf32, #tpu.memory_space<vmem>>) target(%dma_start3A_556 : memref<4096xf32, #tpu.memory_space<hbm>>) target_semaphore(%run_scoped3A : memref<!tpu.dma_semaphore, #tpu.memory_space<semaphore_mem>>)
      %dma_wait3A_557 = tpu.memref_slice %arg4[%add3A_469] : memref<5242880xf32, #tpu.memory_space<hbm>> -> memref<4096xf32, #tpu.memory_space<hbm>>
      %dma_wait3A_558 = tpu.memref_slice %arg4[%add3A_469] : memref<5242880xf32, #tpu.memory_space<hbm>> -> memref<4096xf32, #tpu.memory_space<hbm>>
      tpu.wait_dma2 semaphore(%run_scoped3A : memref<!tpu.dma_semaphore, #tpu.memory_space<semaphore_mem>>) src(%arg7 : memref<4096xf32, #tpu.memory_space<vmem>>) dst(%dma_wait3A_558 : memref<4096xf32, #tpu.memory_space<hbm>>)
      tpu.yield
    }) : () -> ()
    %dma_start3A_470 = arith.constant 16384 : i32
    %dma_start3A_471 = tpu.memref_slice %arg6[%dma_start3A_470] : memref<20480xi32, #tpu.memory_space<vmem>> -> memref<4096xi32, #tpu.memory_space<vmem>>
    %dma_start3A_472 = arith.constant 0 : i32
    %dma_start3A_473 = tpu.memref_slice %arg2[%dma_start3A_472] : memref<16001024xf32, #tpu.memory_space<hbm>> -> memref<16001024xf32, #tpu.memory_space<hbm>>
    tpu.enqueue_indirect_dma source(%dma_start3A_473 : memref<16001024xf32, #tpu.memory_space<hbm>>) target(%arg7 : memref<4096xf32, #tpu.memory_space<vmem>>) offsets(%dma_start3A_471 : memref<4096xi32, #tpu.memory_space<vmem>>) semaphore(%arg9 : memref<!tpu.dma_semaphore, #tpu.memory_space<semaphore_mem>>)
    %dma_wait3A_474 = arith.constant 12288 : i32
    %dma_wait3A_475 = tpu.memref_slice %arg6[%dma_wait3A_474] : memref<20480xi32, #tpu.memory_space<vmem>> -> memref<4096xi32, #tpu.memory_space<vmem>>
    %dma_wait3A_476 = arith.constant 0 : i32
    %dma_wait3A_477 = tpu.memref_slice %arg2[%dma_wait3A_476] : memref<16001024xf32, #tpu.memory_space<hbm>> -> memref<16001024xf32, #tpu.memory_space<hbm>>
    tpu.wait_indirect_dma semaphore(%arg10 : memref<!tpu.dma_semaphore, #tpu.memory_space<semaphore_mem>>) src(%dma_wait3A_477 : memref<16001024xf32, #tpu.memory_space<hbm>>) dst(%arg8 : memref<4096xf32, #tpu.memory_space<vmem>>)
    %add3A_478 = arith.constant 12288 : i32
    %add3A_479 = arith.addi %add3A_435, %add3A_478 : i32
    "tpu.region"() ({
      %run_scoped3A = tpu.sem_alloc : memref<!tpu.dma_semaphore, #tpu.memory_space<semaphore_mem>>
      %dma_start3A_555 = tpu.memref_slice %arg4[%add3A_479] : memref<5242880xf32, #tpu.memory_space<hbm>> -> memref<4096xf32, #tpu.memory_space<hbm>>
      %dma_start3A_556 = tpu.memref_slice %arg4[%add3A_479] : memref<5242880xf32, #tpu.memory_space<hbm>> -> memref<4096xf32, #tpu.memory_space<hbm>>
      tpu.enqueue_dma source(%arg8 : memref<4096xf32, #tpu.memory_space<vmem>>) target(%dma_start3A_556 : memref<4096xf32, #tpu.memory_space<hbm>>) target_semaphore(%run_scoped3A : memref<!tpu.dma_semaphore, #tpu.memory_space<semaphore_mem>>)
      %dma_wait3A_557 = tpu.memref_slice %arg4[%add3A_479] : memref<5242880xf32, #tpu.memory_space<hbm>> -> memref<4096xf32, #tpu.memory_space<hbm>>
      %dma_wait3A_558 = tpu.memref_slice %arg4[%add3A_479] : memref<5242880xf32, #tpu.memory_space<hbm>> -> memref<4096xf32, #tpu.memory_space<hbm>>
      tpu.wait_dma2 semaphore(%run_scoped3A : memref<!tpu.dma_semaphore, #tpu.memory_space<semaphore_mem>>) src(%arg8 : memref<4096xf32, #tpu.memory_space<vmem>>) dst(%dma_wait3A_558 : memref<4096xf32, #tpu.memory_space<hbm>>)
      tpu.yield
    }) : () -> ()
    %dma_wait3A_480 = arith.constant 16384 : i32
    %dma_wait3A_481 = tpu.memref_slice %arg6[%dma_wait3A_480] : memref<20480xi32, #tpu.memory_space<vmem>> -> memref<4096xi32, #tpu.memory_space<vmem>>
    %dma_wait3A_482 = arith.constant 0 : i32
    %dma_wait3A_483 = tpu.memref_slice %arg2[%dma_wait3A_482] : memref<16001024xf32, #tpu.memory_space<hbm>> -> memref<16001024xf32, #tpu.memory_space<hbm>>
    tpu.wait_indirect_dma semaphore(%arg9 : memref<!tpu.dma_semaphore, #tpu.memory_space<semaphore_mem>>) src(%dma_wait3A_483 : memref<16001024xf32, #tpu.memory_space<hbm>>) dst(%arg7 : memref<4096xf32, #tpu.memory_space<vmem>>)
    %add3A_484 = arith.constant 16384 : i32
    %add3A_485 = arith.addi %add3A_435, %add3A_484 : i32
    "tpu.region"() ({
      %run_scoped3A = tpu.sem_alloc : memref<!tpu.dma_semaphore, #tpu.memory_space<semaphore_mem>>
      %dma_start3A_555 = tpu.memref_slice %arg4[%add3A_485] : memref<5242880xf32, #tpu.memory_space<hbm>> -> memref<4096xf32, #tpu.memory_space<hbm>>
      %dma_start3A_556 = tpu.memref_slice %arg4[%add3A_485] : memref<5242880xf32, #tpu.memory_space<hbm>> -> memref<4096xf32, #tpu.memory_space<hbm>>
      tpu.enqueue_dma source(%arg7 : memref<4096xf32, #tpu.memory_space<vmem>>) target(%dma_start3A_556 : memref<4096xf32, #tpu.memory_space<hbm>>) target_semaphore(%run_scoped3A : memref<!tpu.dma_semaphore, #tpu.memory_space<semaphore_mem>>)
      %dma_wait3A_557 = tpu.memref_slice %arg4[%add3A_485] : memref<5242880xf32, #tpu.memory_space<hbm>> -> memref<4096xf32, #tpu.memory_space<hbm>>
      %dma_wait3A_558 = tpu.memref_slice %arg4[%add3A_485] : memref<5242880xf32, #tpu.memory_space<hbm>> -> memref<4096xf32, #tpu.memory_space<hbm>>
      tpu.wait_dma2 semaphore(%run_scoped3A : memref<!tpu.dma_semaphore, #tpu.memory_space<semaphore_mem>>) src(%arg7 : memref<4096xf32, #tpu.memory_space<vmem>>) dst(%dma_wait3A_558 : memref<4096xf32, #tpu.memory_space<hbm>>)
      tpu.yield
    }) : () -> ()
    %mul3A_486 = arith.constant 8000512 : i32
    %mul3A_487 = arith.muli %arg0, %mul3A_486 : i32
    %add3A_488 = arith.constant 896 : i32
    %add3A_489 = arith.addi %mul3A_487, %add3A_488 : i32
    %scan3A_490 = arith.constant 0 : i32
    %scan3A_491 = arith.constant 0 : i32
    %scan3A_492 = arith.constant 1280 : i32
    %scan3A_493 = arith.addi %scan3A_491, %scan3A_492 : i32
    %scan3A_494 = arith.constant 8 : i32
    scf.for %scan3A_555 = %scan3A_491 to %scan3A_493 step %scan3A_494  : i32 {
      %mul3A_556 = arith.constant 16 : i32
      %mul3A_557 = arith.muli %scan3A_555, %mul3A_556 : i32
      %get3A = arith.index_cast %mul3A_557 : i32 to index
      %get3A_558 = tpu.vector_load %arg5[%get3A] {strides = array<i32>} : memref<20480xi32, #tpu.memory_space<vmem>>, vector<16xi32>,
      %get3A_559 = vector.shape_cast %get3A_558 : vector<16xi32> to vector<16xi32>
      %mul3A_560 = arith.constant 16 : i32
      %mul3A_561 = arith.muli %scan3A_555, %mul3A_560 : i32
      %get3A_562 = arith.index_cast %mul3A_561 : i32 to index
      %get3A_563 = tpu.vector_load %arg6[%get3A_562] {strides = array<i32>} : memref<20480xi32, #tpu.memory_space<vmem>>, vector<16xi32>,
      %get3A_564 = vector.shape_cast %get3A_563 : vector<16xi32> to vector<16xi32>
      %add3A_565 = arith.constant 128 : i32
      %add3A_566 = vector.broadcast %add3A_565 : i32 to vector<16xi32>
      %add3A_567 = arith.addi %get3A_564, %add3A_566 : vector<16xi32>
      %mul3A_568 = arith.constant 16 : i32
      %mul3A_569 = arith.muli %scan3A_555, %mul3A_568 : i32
      %swap3A = arith.index_cast %mul3A_569 : i32 to index
      %swap3A_570 = tpu.vector_load %arg6[%swap3A] {strides = array<i32>} : memref<20480xi32, #tpu.memory_space<vmem>>, vector<16xi32>,
      %swap3A_571 = vector.shape_cast %swap3A_570 : vector<16xi32> to vector<16xi32>
      %swap3A_572 = vector.shape_cast %add3A_567 : vector<16xi32> to vector<16xi32>
      tpu.vector_store %arg6[%swap3A], %swap3A_572 {strides = array<i32>} : memref<20480xi32, #tpu.memory_space<vmem>>, vector<16xi32>,
      %scan3A_573 = arith.constant 1 : i32
      %scan3A_574 = arith.addi %scan3A_555, %scan3A_573 : i32
      %mul3A_575 = arith.constant 16 : i32
      %mul3A_576 = arith.muli %scan3A_574, %mul3A_575 : i32
      %get3A_577 = arith.index_cast %mul3A_576 : i32 to index
      %get3A_578 = tpu.vector_load %arg5[%get3A_577] {strides = array<i32>} : memref<20480xi32, #tpu.memory_space<vmem>>, vector<16xi32>,
      %get3A_579 = vector.shape_cast %get3A_578 : vector<16xi32> to vector<16xi32>
      %mul3A_580 = arith.constant 16 : i32
      %mul3A_581 = arith.muli %scan3A_574, %mul3A_580 : i32
      %get3A_582 = arith.index_cast %mul3A_581 : i32 to index
      %get3A_583 = tpu.vector_load %arg6[%get3A_582] {strides = array<i32>} : memref<20480xi32, #tpu.memory_space<vmem>>, vector<16xi32>,
      %get3A_584 = vector.shape_cast %get3A_583 : vector<16xi32> to vector<16xi32>
      %add3A_585 = arith.constant 128 : i32
      %add3A_586 = vector.broadcast %add3A_585 : i32 to vector<16xi32>
      %add3A_587 = arith.addi %get3A_584, %add3A_586 : vector<16xi32>
      %mul3A_588 = arith.constant 16 : i32
      %mul3A_589 = arith.muli %scan3A_574, %mul3A_588 : i32
      %swap3A_590 = arith.index_cast %mul3A_589 : i32 to index
      %swap3A_591 = tpu.vector_load %arg6[%swap3A_590] {strides = array<i32>} : memref<20480xi32, #tpu.memory_space<vmem>>, vector<16xi32>,
      %swap3A_592 = vector.shape_cast %swap3A_591 : vector<16xi32> to vector<16xi32>
      %swap3A_593 = vector.shape_cast %add3A_587 : vector<16xi32> to vector<16xi32>
      tpu.vector_store %arg6[%swap3A_590], %swap3A_593 {strides = array<i32>} : memref<20480xi32, #tpu.memory_space<vmem>>, vector<16xi32>,
      %scan3A_594 = arith.constant 2 : i32
      %scan3A_595 = arith.addi %scan3A_555, %scan3A_594 : i32
      %mul3A_596 = arith.constant 16 : i32
      %mul3A_597 = arith.muli %scan3A_595, %mul3A_596 : i32
      %get3A_598 = arith.index_cast %mul3A_597 : i32 to index
      %get3A_599 = tpu.vector_load %arg5[%get3A_598] {strides = array<i32>} : memref<20480xi32, #tpu.memory_space<vmem>>, vector<16xi32>,
      %get3A_600 = vector.shape_cast %get3A_599 : vector<16xi32> to vector<16xi32>
      %mul3A_601 = arith.constant 16 : i32
      %mul3A_602 = arith.muli %scan3A_595, %mul3A_601 : i32
      %get3A_603 = arith.index_cast %mul3A_602 : i32 to index
      %get3A_604 = tpu.vector_load %arg6[%get3A_603] {strides = array<i32>} : memref<20480xi32, #tpu.memory_space<vmem>>, vector<16xi32>,
      %get3A_605 = vector.shape_cast %get3A_604 : vector<16xi32> to vector<16xi32>
      %add3A_606 = arith.constant 128 : i32
      %add3A_607 = vector.broadcast %add3A_606 : i32 to vector<16xi32>
      %add3A_608 = arith.addi %get3A_605, %add3A_607 : vector<16xi32>
      %mul3A_609 = arith.constant 16 : i32
      %mul3A_610 = arith.muli %scan3A_595, %mul3A_609 : i32
      %swap3A_611 = arith.index_cast %mul3A_610 : i32 to index
      %swap3A_612 = tpu.vector_load %arg6[%swap3A_611] {strides = array<i32>} : memref<20480xi32, #tpu.memory_space<vmem>>, vector<16xi32>,
      %swap3A_613 = vector.shape_cast %swap3A_612 : vector<16xi32> to vector<16xi32>
      %swap3A_614 = vector.shape_cast %add3A_608 : vector<16xi32> to vector<16xi32>
      tpu.vector_store %arg6[%swap3A_611], %swap3A_614 {strides = array<i32>} : memref<20480xi32, #tpu.memory_space<vmem>>, vector<16xi32>,
      %scan3A_615 = arith.constant 3 : i32
      %scan3A_616 = arith.addi %scan3A_555, %scan3A_615 : i32
      %mul3A_617 = arith.constant 16 : i32
      %mul3A_618 = arith.muli %scan3A_616, %mul3A_617 : i32
      %get3A_619 = arith.index_cast %mul3A_618 : i32 to index
      %get3A_620 = tpu.vector_load %arg5[%get3A_619] {strides = array<i32>} : memref<20480xi32, #tpu.memory_space<vmem>>, vector<16xi32>,
      %get3A_621 = vector.shape_cast %get3A_620 : vector<16xi32> to vector<16xi32>
      %mul3A_622 = arith.constant 16 : i32
      %mul3A_623 = arith.muli %scan3A_616, %mul3A_622 : i32
      %get3A_624 = arith.index_cast %mul3A_623 : i32 to index
      %get3A_625 = tpu.vector_load %arg6[%get3A_624] {strides = array<i32>} : memref<20480xi32, #tpu.memory_space<vmem>>, vector<16xi32>,
      %get3A_626 = vector.shape_cast %get3A_625 : vector<16xi32> to vector<16xi32>
      %add3A_627 = arith.constant 128 : i32
      %add3A_628 = vector.broadcast %add3A_627 : i32 to vector<16xi32>
      %add3A_629 = arith.addi %get3A_626, %add3A_628 : vector<16xi32>
      %mul3A_630 = arith.constant 16 : i32
      %mul3A_631 = arith.muli %scan3A_616, %mul3A_630 : i32
      %swap3A_632 = arith.index_cast %mul3A_631 : i32 to index
      %swap3A_633 = tpu.vector_load %arg6[%swap3A_632] {strides = array<i32>} : memref<20480xi32, #tpu.memory_space<vmem>>, vector<16xi32>,
      %swap3A_634 = vector.shape_cast %swap3A_633 : vector<16xi32> to vector<16xi32>
      %swap3A_635 = vector.shape_cast %add3A_629 : vector<16xi32> to vector<16xi32>
      tpu.vector_store %arg6[%swap3A_632], %swap3A_635 {strides = array<i32>} : memref<20480xi32, #tpu.memory_space<vmem>>, vector<16xi32>,
      %scan3A_636 = arith.constant 4 : i32
      %scan3A_637 = arith.addi %scan3A_555, %scan3A_636 : i32
      %mul3A_638 = arith.constant 16 : i32
      %mul3A_639 = arith.muli %scan3A_637, %mul3A_638 : i32
      %get3A_640 = arith.index_cast %mul3A_639 : i32 to index
      %get3A_641 = tpu.vector_load %arg5[%get3A_640] {strides = array<i32>} : memref<20480xi32, #tpu.memory_space<vmem>>, vector<16xi32>,
      %get3A_642 = vector.shape_cast %get3A_641 : vector<16xi32> to vector<16xi32>
      %mul3A_643 = arith.constant 16 : i32
      %mul3A_644 = arith.muli %scan3A_637, %mul3A_643 : i32
      %get3A_645 = arith.index_cast %mul3A_644 : i32 to index
      %get3A_646 = tpu.vector_load %arg6[%get3A_645] {strides = array<i32>} : memref<20480xi32, #tpu.memory_space<vmem>>, vector<16xi32>,
      %get3A_647 = vector.shape_cast %get3A_646 : vector<16xi32> to vector<16xi32>
      %add3A_648 = arith.constant 128 : i32
      %add3A_649 = vector.broadcast %add3A_648 : i32 to vector<16xi32>
      %add3A_650 = arith.addi %get3A_647, %add3A_649 : vector<16xi32>
      %mul3A_651 = arith.constant 16 : i32
      %mul3A_652 = arith.muli %scan3A_637, %mul3A_651 : i32
      %swap3A_653 = arith.index_cast %mul3A_652 : i32 to index
      %swap3A_654 = tpu.vector_load %arg6[%swap3A_653] {strides = array<i32>} : memref<20480xi32, #tpu.memory_space<vmem>>, vector<16xi32>,
      %swap3A_655 = vector.shape_cast %swap3A_654 : vector<16xi32> to vector<16xi32>
      %swap3A_656 = vector.shape_cast %add3A_650 : vector<16xi32> to vector<16xi32>
      tpu.vector_store %arg6[%swap3A_653], %swap3A_656 {strides = array<i32>} : memref<20480xi32, #tpu.memory_space<vmem>>, vector<16xi32>,
      %scan3A_657 = arith.constant 5 : i32
      %scan3A_658 = arith.addi %scan3A_555, %scan3A_657 : i32
      %mul3A_659 = arith.constant 16 : i32
      %mul3A_660 = arith.muli %scan3A_658, %mul3A_659 : i32
      %get3A_661 = arith.index_cast %mul3A_660 : i32 to index
      %get3A_662 = tpu.vector_load %arg5[%get3A_661] {strides = array<i32>} : memref<20480xi32, #tpu.memory_space<vmem>>, vector<16xi32>,
      %get3A_663 = vector.shape_cast %get3A_662 : vector<16xi32> to vector<16xi32>
      %mul3A_664 = arith.constant 16 : i32
      %mul3A_665 = arith.muli %scan3A_658, %mul3A_664 : i32
      %get3A_666 = arith.index_cast %mul3A_665 : i32 to index
      %get3A_667 = tpu.vector_load %arg6[%get3A_666] {strides = array<i32>} : memref<20480xi32, #tpu.memory_space<vmem>>, vector<16xi32>,
      %get3A_668 = vector.shape_cast %get3A_667 : vector<16xi32> to vector<16xi32>
      %add3A_669 = arith.constant 128 : i32
      %add3A_670 = vector.broadcast %add3A_669 : i32 to vector<16xi32>
      %add3A_671 = arith.addi %get3A_668, %add3A_670 : vector<16xi32>
      %mul3A_672 = arith.constant 16 : i32
      %mul3A_673 = arith.muli %scan3A_658, %mul3A_672 : i32
      %swap3A_674 = arith.index_cast %mul3A_673 : i32 to index
      %swap3A_675 = tpu.vector_load %arg6[%swap3A_674] {strides = array<i32>} : memref<20480xi32, #tpu.memory_space<vmem>>, vector<16xi32>,
      %swap3A_676 = vector.shape_cast %swap3A_675 : vector<16xi32> to vector<16xi32>
      %swap3A_677 = vector.shape_cast %add3A_671 : vector<16xi32> to vector<16xi32>
      tpu.vector_store %arg6[%swap3A_674], %swap3A_677 {strides = array<i32>} : memref<20480xi32, #tpu.memory_space<vmem>>, vector<16xi32>,
      %scan3A_678 = arith.constant 6 : i32
      %scan3A_679 = arith.addi %scan3A_555, %scan3A_678 : i32
      %mul3A_680 = arith.constant 16 : i32
      %mul3A_681 = arith.muli %scan3A_679, %mul3A_680 : i32
      %get3A_682 = arith.index_cast %mul3A_681 : i32 to index
      %get3A_683 = tpu.vector_load %arg5[%get3A_682] {strides = array<i32>} : memref<20480xi32, #tpu.memory_space<vmem>>, vector<16xi32>,
      %get3A_684 = vector.shape_cast %get3A_683 : vector<16xi32> to vector<16xi32>
      %mul3A_685 = arith.constant 16 : i32
      %mul3A_686 = arith.muli %scan3A_679, %mul3A_685 : i32
      %get3A_687 = arith.index_cast %mul3A_686 : i32 to index
      %get3A_688 = tpu.vector_load %arg6[%get3A_687] {strides = array<i32>} : memref<20480xi32, #tpu.memory_space<vmem>>, vector<16xi32>,
      %get3A_689 = vector.shape_cast %get3A_688 : vector<16xi32> to vector<16xi32>
      %add3A_690 = arith.constant 128 : i32
      %add3A_691 = vector.broadcast %add3A_690 : i32 to vector<16xi32>
      %add3A_692 = arith.addi %get3A_689, %add3A_691 : vector<16xi32>
      %mul3A_693 = arith.constant 16 : i32
      %mul3A_694 = arith.muli %scan3A_679, %mul3A_693 : i32
      %swap3A_695 = arith.index_cast %mul3A_694 : i32 to index
      %swap3A_696 = tpu.vector_load %arg6[%swap3A_695] {strides = array<i32>} : memref<20480xi32, #tpu.memory_space<vmem>>, vector<16xi32>,
      %swap3A_697 = vector.shape_cast %swap3A_696 : vector<16xi32> to vector<16xi32>
      %swap3A_698 = vector.shape_cast %add3A_692 : vector<16xi32> to vector<16xi32>
      tpu.vector_store %arg6[%swap3A_695], %swap3A_698 {strides = array<i32>} : memref<20480xi32, #tpu.memory_space<vmem>>, vector<16xi32>,
      %scan3A_699 = arith.constant 7 : i32
      %scan3A_700 = arith.addi %scan3A_555, %scan3A_699 : i32
      %mul3A_701 = arith.constant 16 : i32
      %mul3A_702 = arith.muli %scan3A_700, %mul3A_701 : i32
      %get3A_703 = arith.index_cast %mul3A_702 : i32 to index
      %get3A_704 = tpu.vector_load %arg5[%get3A_703] {strides = array<i32>} : memref<20480xi32, #tpu.memory_space<vmem>>, vector<16xi32>,
      %get3A_705 = vector.shape_cast %get3A_704 : vector<16xi32> to vector<16xi32>
      %mul3A_706 = arith.constant 16 : i32
      %mul3A_707 = arith.muli %scan3A_700, %mul3A_706 : i32
      %get3A_708 = arith.index_cast %mul3A_707 : i32 to index
      %get3A_709 = tpu.vector_load %arg6[%get3A_708] {strides = array<i32>} : memref<20480xi32, #tpu.memory_space<vmem>>, vector<16xi32>,
      %get3A_710 = vector.shape_cast %get3A_709 : vector<16xi32> to vector<16xi32>
      %add3A_711 = arith.constant 128 : i32
      %add3A_712 = vector.broadcast %add3A_711 : i32 to vector<16xi32>
      %add3A_713 = arith.addi %get3A_710, %add3A_712 : vector<16xi32>
      %mul3A_714 = arith.constant 16 : i32
      %mul3A_715 = arith.muli %scan3A_700, %mul3A_714 : i32
      %swap3A_716 = arith.index_cast %mul3A_715 : i32 to index
      %swap3A_717 = tpu.vector_load %arg6[%swap3A_716] {strides = array<i32>} : memref<20480xi32, #tpu.memory_space<vmem>>, vector<16xi32>,
      %swap3A_718 = vector.shape_cast %swap3A_717 : vector<16xi32> to vector<16xi32>
      %swap3A_719 = vector.shape_cast %add3A_713 : vector<16xi32> to vector<16xi32>
      tpu.vector_store %arg6[%swap3A_716], %swap3A_719 {strides = array<i32>} : memref<20480xi32, #tpu.memory_space<vmem>>, vector<16xi32>,
    }
    %scan3A_495 = arith.constant 1280 : i32
    %mul3A_496 = arith.constant 8 : i32
    %mul3A_497 = arith.muli %arg0, %mul3A_496 : i32
    %add3A_498 = arith.constant 7 : i32
    %add3A_499 = arith.addi %mul3A_497, %add3A_498 : i32
    %mul3A_500 = arith.constant 327680 : i32
    %mul3A_501 = arith.muli %add3A_499, %mul3A_500 : i32
    %mul3A_502 = arith.constant 20480 : i32
    %mul3A_503 = arith.muli %arg1, %mul3A_502 : i32
    %add3A_504 = arith.addi %mul3A_501, %mul3A_503 : i32
    %dma_start3A_505 = arith.constant 0 : i32
    %dma_start3A_506 = tpu.memref_slice %arg6[%dma_start3A_505] : memref<20480xi32, #tpu.memory_space<vmem>> -> memref<4096xi32, #tpu.memory_space<vmem>>
    %dma_start3A_507 = arith.constant 0 : i32
    %dma_start3A_508 = tpu.memref_slice %arg2[%dma_start3A_507] : memref<16001024xf32, #tpu.memory_space<hbm>> -> memref<16001024xf32, #tpu.memory_space<hbm>>
    tpu.enqueue_indirect_dma source(%dma_start3A_508 : memref<16001024xf32, #tpu.memory_space<hbm>>) target(%arg7 : memref<4096xf32, #tpu.memory_space<vmem>>) offsets(%dma_start3A_506 : memref<4096xi32, #tpu.memory_space<vmem>>) semaphore(%arg9 : memref<!tpu.dma_semaphore, #tpu.memory_space<semaphore_mem>>)
    %dma_start3A_509 = arith.constant 4096 : i32
    %dma_start3A_510 = tpu.memref_slice %arg6[%dma_start3A_509] : memref<20480xi32, #tpu.memory_space<vmem>> -> memref<4096xi32, #tpu.memory_space<vmem>>
    %dma_start3A_511 = arith.constant 0 : i32
    %dma_start3A_512 = tpu.memref_slice %arg2[%dma_start3A_511] : memref<16001024xf32, #tpu.memory_space<hbm>> -> memref<16001024xf32, #tpu.memory_space<hbm>>
    tpu.enqueue_indirect_dma source(%dma_start3A_512 : memref<16001024xf32, #tpu.memory_space<hbm>>) target(%arg8 : memref<4096xf32, #tpu.memory_space<vmem>>) offsets(%dma_start3A_510 : memref<4096xi32, #tpu.memory_space<vmem>>) semaphore(%arg10 : memref<!tpu.dma_semaphore, #tpu.memory_space<semaphore_mem>>)
    %dma_wait3A_513 = arith.constant 0 : i32
    %dma_wait3A_514 = tpu.memref_slice %arg6[%dma_wait3A_513] : memref<20480xi32, #tpu.memory_space<vmem>> -> memref<4096xi32, #tpu.memory_space<vmem>>
    %dma_wait3A_515 = arith.constant 0 : i32
    %dma_wait3A_516 = tpu.memref_slice %arg2[%dma_wait3A_515] : memref<16001024xf32, #tpu.memory_space<hbm>> -> memref<16001024xf32, #tpu.memory_space<hbm>>
    tpu.wait_indirect_dma semaphore(%arg9 : memref<!tpu.dma_semaphore, #tpu.memory_space<semaphore_mem>>) src(%dma_wait3A_516 : memref<16001024xf32, #tpu.memory_space<hbm>>) dst(%arg7 : memref<4096xf32, #tpu.memory_space<vmem>>)
    %add3A_517 = arith.constant 0 : i32
    %add3A_518 = arith.addi %add3A_504, %add3A_517 : i32
    "tpu.region"() ({
      %run_scoped3A = tpu.sem_alloc : memref<!tpu.dma_semaphore, #tpu.memory_space<semaphore_mem>>
      %dma_start3A_555 = tpu.memref_slice %arg4[%add3A_518] : memref<5242880xf32, #tpu.memory_space<hbm>> -> memref<4096xf32, #tpu.memory_space<hbm>>
      %dma_start3A_556 = tpu.memref_slice %arg4[%add3A_518] : memref<5242880xf32, #tpu.memory_space<hbm>> -> memref<4096xf32, #tpu.memory_space<hbm>>
      tpu.enqueue_dma source(%arg7 : memref<4096xf32, #tpu.memory_space<vmem>>) target(%dma_start3A_556 : memref<4096xf32, #tpu.memory_space<hbm>>) target_semaphore(%run_scoped3A : memref<!tpu.dma_semaphore, #tpu.memory_space<semaphore_mem>>)
      %dma_wait3A_557 = tpu.memref_slice %arg4[%add3A_518] : memref<5242880xf32, #tpu.memory_space<hbm>> -> memref<4096xf32, #tpu.memory_space<hbm>>
      %dma_wait3A_558 = tpu.memref_slice %arg4[%add3A_518] : memref<5242880xf32, #tpu.memory_space<hbm>> -> memref<4096xf32, #tpu.memory_space<hbm>>
      tpu.wait_dma2 semaphore(%run_scoped3A : memref<!tpu.dma_semaphore, #tpu.memory_space<semaphore_mem>>) src(%arg7 : memref<4096xf32, #tpu.memory_space<vmem>>) dst(%dma_wait3A_558 : memref<4096xf32, #tpu.memory_space<hbm>>)
      tpu.yield
    }) : () -> ()
    %dma_start3A_519 = arith.constant 8192 : i32
    %dma_start3A_520 = tpu.memref_slice %arg6[%dma_start3A_519] : memref<20480xi32, #tpu.memory_space<vmem>> -> memref<4096xi32, #tpu.memory_space<vmem>>
    %dma_start3A_521 = arith.constant 0 : i32
    %dma_start3A_522 = tpu.memref_slice %arg2[%dma_start3A_521] : memref<16001024xf32, #tpu.memory_space<hbm>> -> memref<16001024xf32, #tpu.memory_space<hbm>>
    tpu.enqueue_indirect_dma source(%dma_start3A_522 : memref<16001024xf32, #tpu.memory_space<hbm>>) target(%arg7 : memref<4096xf32, #tpu.memory_space<vmem>>) offsets(%dma_start3A_520 : memref<4096xi32, #tpu.memory_space<vmem>>) semaphore(%arg9 : memref<!tpu.dma_semaphore, #tpu.memory_space<semaphore_mem>>)
    %dma_wait3A_523 = arith.constant 4096 : i32
    %dma_wait3A_524 = tpu.memref_slice %arg6[%dma_wait3A_523] : memref<20480xi32, #tpu.memory_space<vmem>> -> memref<4096xi32, #tpu.memory_space<vmem>>
    %dma_wait3A_525 = arith.constant 0 : i32
    %dma_wait3A_526 = tpu.memref_slice %arg2[%dma_wait3A_525] : memref<16001024xf32, #tpu.memory_space<hbm>> -> memref<16001024xf32, #tpu.memory_space<hbm>>
    tpu.wait_indirect_dma semaphore(%arg10 : memref<!tpu.dma_semaphore, #tpu.memory_space<semaphore_mem>>) src(%dma_wait3A_526 : memref<16001024xf32, #tpu.memory_space<hbm>>) dst(%arg8 : memref<4096xf32, #tpu.memory_space<vmem>>)
    %add3A_527 = arith.constant 4096 : i32
    %add3A_528 = arith.addi %add3A_504, %add3A_527 : i32
    "tpu.region"() ({
      %run_scoped3A = tpu.sem_alloc : memref<!tpu.dma_semaphore, #tpu.memory_space<semaphore_mem>>
      %dma_start3A_555 = tpu.memref_slice %arg4[%add3A_528] : memref<5242880xf32, #tpu.memory_space<hbm>> -> memref<4096xf32, #tpu.memory_space<hbm>>
      %dma_start3A_556 = tpu.memref_slice %arg4[%add3A_528] : memref<5242880xf32, #tpu.memory_space<hbm>> -> memref<4096xf32, #tpu.memory_space<hbm>>
      tpu.enqueue_dma source(%arg8 : memref<4096xf32, #tpu.memory_space<vmem>>) target(%dma_start3A_556 : memref<4096xf32, #tpu.memory_space<hbm>>) target_semaphore(%run_scoped3A : memref<!tpu.dma_semaphore, #tpu.memory_space<semaphore_mem>>)
      %dma_wait3A_557 = tpu.memref_slice %arg4[%add3A_528] : memref<5242880xf32, #tpu.memory_space<hbm>> -> memref<4096xf32, #tpu.memory_space<hbm>>
      %dma_wait3A_558 = tpu.memref_slice %arg4[%add3A_528] : memref<5242880xf32, #tpu.memory_space<hbm>> -> memref<4096xf32, #tpu.memory_space<hbm>>
      tpu.wait_dma2 semaphore(%run_scoped3A : memref<!tpu.dma_semaphore, #tpu.memory_space<semaphore_mem>>) src(%arg8 : memref<4096xf32, #tpu.memory_space<vmem>>) dst(%dma_wait3A_558 : memref<4096xf32, #tpu.memory_space<hbm>>)
      tpu.yield
    }) : () -> ()
    %dma_start3A_529 = arith.constant 12288 : i32
    %dma_start3A_530 = tpu.memref_slice %arg6[%dma_start3A_529] : memref<20480xi32, #tpu.memory_space<vmem>> -> memref<4096xi32, #tpu.memory_space<vmem>>
    %dma_start3A_531 = arith.constant 0 : i32
    %dma_start3A_532 = tpu.memref_slice %arg2[%dma_start3A_531] : memref<16001024xf32, #tpu.memory_space<hbm>> -> memref<16001024xf32, #tpu.memory_space<hbm>>
    tpu.enqueue_indirect_dma source(%dma_start3A_532 : memref<16001024xf32, #tpu.memory_space<hbm>>) target(%arg8 : memref<4096xf32, #tpu.memory_space<vmem>>) offsets(%dma_start3A_530 : memref<4096xi32, #tpu.memory_space<vmem>>) semaphore(%arg10 : memref<!tpu.dma_semaphore, #tpu.memory_space<semaphore_mem>>)
    %dma_wait3A_533 = arith.constant 8192 : i32
    %dma_wait3A_534 = tpu.memref_slice %arg6[%dma_wait3A_533] : memref<20480xi32, #tpu.memory_space<vmem>> -> memref<4096xi32, #tpu.memory_space<vmem>>
    %dma_wait3A_535 = arith.constant 0 : i32
    %dma_wait3A_536 = tpu.memref_slice %arg2[%dma_wait3A_535] : memref<16001024xf32, #tpu.memory_space<hbm>> -> memref<16001024xf32, #tpu.memory_space<hbm>>
    tpu.wait_indirect_dma semaphore(%arg9 : memref<!tpu.dma_semaphore, #tpu.memory_space<semaphore_mem>>) src(%dma_wait3A_536 : memref<16001024xf32, #tpu.memory_space<hbm>>) dst(%arg7 : memref<4096xf32, #tpu.memory_space<vmem>>)
    %add3A_537 = arith.constant 8192 : i32
    %add3A_538 = arith.addi %add3A_504, %add3A_537 : i32
    "tpu.region"() ({
      %run_scoped3A = tpu.sem_alloc : memref<!tpu.dma_semaphore, #tpu.memory_space<semaphore_mem>>
      %dma_start3A_555 = tpu.memref_slice %arg4[%add3A_538] : memref<5242880xf32, #tpu.memory_space<hbm>> -> memref<4096xf32, #tpu.memory_space<hbm>>
      %dma_start3A_556 = tpu.memref_slice %arg4[%add3A_538] : memref<5242880xf32, #tpu.memory_space<hbm>> -> memref<4096xf32, #tpu.memory_space<hbm>>
      tpu.enqueue_dma source(%arg7 : memref<4096xf32, #tpu.memory_space<vmem>>) target(%dma_start3A_556 : memref<4096xf32, #tpu.memory_space<hbm>>) target_semaphore(%run_scoped3A : memref<!tpu.dma_semaphore, #tpu.memory_space<semaphore_mem>>)
      %dma_wait3A_557 = tpu.memref_slice %arg4[%add3A_538] : memref<5242880xf32, #tpu.memory_space<hbm>> -> memref<4096xf32, #tpu.memory_space<hbm>>
      %dma_wait3A_558 = tpu.memref_slice %arg4[%add3A_538] : memref<5242880xf32, #tpu.memory_space<hbm>> -> memref<4096xf32, #tpu.memory_space<hbm>>
      tpu.wait_dma2 semaphore(%run_scoped3A : memref<!tpu.dma_semaphore, #tpu.memory_space<semaphore_mem>>) src(%arg7 : memref<4096xf32, #tpu.memory_space<vmem>>) dst(%dma_wait3A_558 : memref<4096xf32, #tpu.memory_space<hbm>>)
      tpu.yield
    }) : () -> ()
    %dma_start3A_539 = arith.constant 16384 : i32
    %dma_start3A_540 = tpu.memref_slice %arg6[%dma_start3A_539] : memref<20480xi32, #tpu.memory_space<vmem>> -> memref<4096xi32, #tpu.memory_space<vmem>>
    %dma_start3A_541 = arith.constant 0 : i32
    %dma_start3A_542 = tpu.memref_slice %arg2[%dma_start3A_541] : memref<16001024xf32, #tpu.memory_space<hbm>> -> memref<16001024xf32, #tpu.memory_space<hbm>>
    tpu.enqueue_indirect_dma source(%dma_start3A_542 : memref<16001024xf32, #tpu.memory_space<hbm>>) target(%arg7 : memref<4096xf32, #tpu.memory_space<vmem>>) offsets(%dma_start3A_540 : memref<4096xi32, #tpu.memory_space<vmem>>) semaphore(%arg9 : memref<!tpu.dma_semaphore, #tpu.memory_space<semaphore_mem>>)
    %dma_wait3A_543 = arith.constant 12288 : i32
    %dma_wait3A_544 = tpu.memref_slice %arg6[%dma_wait3A_543] : memref<20480xi32, #tpu.memory_space<vmem>> -> memref<4096xi32, #tpu.memory_space<vmem>>
    %dma_wait3A_545 = arith.constant 0 : i32
    %dma_wait3A_546 = tpu.memref_slice %arg2[%dma_wait3A_545] : memref<16001024xf32, #tpu.memory_space<hbm>> -> memref<16001024xf32, #tpu.memory_space<hbm>>
    tpu.wait_indirect_dma semaphore(%arg10 : memref<!tpu.dma_semaphore, #tpu.memory_space<semaphore_mem>>) src(%dma_wait3A_546 : memref<16001024xf32, #tpu.memory_space<hbm>>) dst(%arg8 : memref<4096xf32, #tpu.memory_space<vmem>>)
    %add3A_547 = arith.constant 12288 : i32
    %add3A_548 = arith.addi %add3A_504, %add3A_547 : i32
    "tpu.region"() ({
      %run_scoped3A = tpu.sem_alloc : memref<!tpu.dma_semaphore, #tpu.memory_space<semaphore_mem>>
      %dma_start3A_555 = tpu.memref_slice %arg4[%add3A_548] : memref<5242880xf32, #tpu.memory_space<hbm>> -> memref<4096xf32, #tpu.memory_space<hbm>>
      %dma_start3A_556 = tpu.memref_slice %arg4[%add3A_548] : memref<5242880xf32, #tpu.memory_space<hbm>> -> memref<4096xf32, #tpu.memory_space<hbm>>
      tpu.enqueue_dma source(%arg8 : memref<4096xf32, #tpu.memory_space<vmem>>) target(%dma_start3A_556 : memref<4096xf32, #tpu.memory_space<hbm>>) target_semaphore(%run_scoped3A : memref<!tpu.dma_semaphore, #tpu.memory_space<semaphore_mem>>)
      %dma_wait3A_557 = tpu.memref_slice %arg4[%add3A_548] : memref<5242880xf32, #tpu.memory_space<hbm>> -> memref<4096xf32, #tpu.memory_space<hbm>>
      %dma_wait3A_558 = tpu.memref_slice %arg4[%add3A_548] : memref<5242880xf32, #tpu.memory_space<hbm>> -> memref<4096xf32, #tpu.memory_space<hbm>>
      tpu.wait_dma2 semaphore(%run_scoped3A : memref<!tpu.dma_semaphore, #tpu.memory_space<semaphore_mem>>) src(%arg8 : memref<4096xf32, #tpu.memory_space<vmem>>) dst(%dma_wait3A_558 : memref<4096xf32, #tpu.memory_space<hbm>>)
      tpu.yield
    }) : () -> ()
    %dma_wait3A_549 = arith.constant 16384 : i32
    %dma_wait3A_550 = tpu.memref_slice %arg6[%dma_wait3A_549] : memref<20480xi32, #tpu.memory_space<vmem>> -> memref<4096xi32, #tpu.memory_space<vmem>>
    %dma_wait3A_551 = arith.constant 0 : i32
    %dma_wait3A_552 = tpu.memref_slice %arg2[%dma_wait3A_551] : memref<16001024xf32, #tpu.memory_space<hbm>> -> memref<16001024xf32, #tpu.memory_space<hbm>>
    tpu.wait_indirect_dma semaphore(%arg9 : memref<!tpu.dma_semaphore, #tpu.memory_space<semaphore_mem>>) src(%dma_wait3A_552 : memref<16001024xf32, #tpu.memory_space<hbm>>) dst(%arg7 : memref<4096xf32, #tpu.memory_space<vmem>>)
    %add3A_553 = arith.constant 16384 : i32
    %add3A_554 = arith.addi %add3A_504, %add3A_553 : i32
    "tpu.region"() ({
      %run_scoped3A = tpu.sem_alloc : memref<!tpu.dma_semaphore, #tpu.memory_space<semaphore_mem>>
      %dma_start3A_555 = tpu.memref_slice %arg4[%add3A_554] : memref<5242880xf32, #tpu.memory_space<hbm>> -> memref<4096xf32, #tpu.memory_space<hbm>>
      %dma_start3A_556 = tpu.memref_slice %arg4[%add3A_554] : memref<5242880xf32, #tpu.memory_space<hbm>> -> memref<4096xf32, #tpu.memory_space<hbm>>
      tpu.enqueue_dma source(%arg7 : memref<4096xf32, #tpu.memory_space<vmem>>) target(%dma_start3A_556 : memref<4096xf32, #tpu.memory_space<hbm>>) target_semaphore(%run_scoped3A : memref<!tpu.dma_semaphore, #tpu.memory_space<semaphore_mem>>)
      %dma_wait3A_557 = tpu.memref_slice %arg4[%add3A_554] : memref<5242880xf32, #tpu.memory_space<hbm>> -> memref<4096xf32, #tpu.memory_space<hbm>>
      %dma_wait3A_558 = tpu.memref_slice %arg4[%add3A_554] : memref<5242880xf32, #tpu.memory_space<hbm>> -> memref<4096xf32, #tpu.memory_space<hbm>>
      tpu.wait_dma2 semaphore(%run_scoped3A : memref<!tpu.dma_semaphore, #tpu.memory_space<semaphore_mem>>) src(%arg7 : memref<4096xf32, #tpu.memory_space<vmem>>) dst(%dma_wait3A_558 : memref<4096xf32, #tpu.memory_space<hbm>>)
      tpu.yield
    }) : () -> ()
    return
  }
}

module attributes {stable_mosaic.version = 14 : i64} {
  func.func @body(%arg0: i32, %arg1: memref<16x16384xf32, #tpu.memory_space<vmem>>, %arg2: memref<16x16384xf32, #tpu.memory_space<vmem>>, %arg3: memref<16x16384xf32, #tpu.memory_space<vmem>>, %arg4: memref<2x128x8x128xf32, #tpu.memory_space<vmem>>, %arg5: memref<1x1xf32, #tpu.memory_space<vmem>>) attributes {dimension_semantics = [#tpu.dimension_semantics<arbitrary>], iteration_bounds = array<i64: 62>, scalar_prefetch = 0 : i64, scratch_operands = 0 : i64, tpu.core_type = #tpu.core_type<tc>, window_params = [{transform_indices = @transform_0, window_bounds = array<i64: 16, 16384>}, {transform_indices = @transform_1, window_bounds = array<i64: 16, 16384>}, {transform_indices = @transform_2, window_bounds = array<i64: 16, 16384>}, {transform_indices = @transform_3, window_bounds = array<i64: 2, 128, 8, 128>}, {pipeline_mode = #tpu.pipeline_mode<synchronous>, transform_indices = @transform_4, window_bounds = array<i64: 1, 1>}]} {
    %get3A = arith.constant 0 : index
    %get3A_0 = arith.constant 0 : index
    %get3A_1 = vector.load %arg1[%get3A, %get3A_0] : memref<16x16384xf32, #tpu.memory_space<vmem>>, vector<16x16384xf32>
    %get3A_2 = arith.constant 0 : index
    %get3A_3 = arith.constant 0 : index
    %get3A_4 = vector.load %arg2[%get3A_2, %get3A_3] : memref<16x16384xf32, #tpu.memory_space<vmem>>, vector<16x16384xf32>
    %get3A_5 = arith.constant 0 : index
    %get3A_6 = arith.constant 0 : index
    %get3A_7 = vector.load %arg3[%get3A_5, %get3A_6] : memref<16x16384xf32, #tpu.memory_space<vmem>>, vector<16x16384xf32>
    %exp3A = math.exp %get3A_4 : vector<16x16384xf32>
    %mul3A = arith.mulf %exp3A, %get3A_7 : vector<16x16384xf32>
    %add3A = arith.addf %get3A_1, %mul3A : vector<16x16384xf32>
    %reshape3A = vector.shape_cast %add3A : vector<16x16384xf32> to vector<2x8x128x128xf32>
    %transpose3A = tpu.transpose %reshape3A, [0, 2, 1, 3] : vector<2x8x128x128xf32> -> vector<2x128x8x128xf32>
    %swap3A = arith.constant 0 : index
    %swap3A_8 = arith.constant 0 : index
    %swap3A_9 = arith.constant 0 : index
    %swap3A_10 = arith.constant 0 : index
    %swap3A_11 = vector.load %arg4[%swap3A, %swap3A_8, %swap3A_9, %swap3A_10] : memref<2x128x8x128xf32, #tpu.memory_space<vmem>>, vector<2x128x8x128xf32>
    tpu.vector_store %arg4[%swap3A, %swap3A_8, %swap3A_9, %swap3A_10], %transpose3A {strides = array<i32>} : memref<2x128x8x128xf32, #tpu.memory_space<vmem>>, vector<2x128x8x128xf32>,
    %mul3A_12 = arith.constant 16384 : i32
    %mul3A_13 = arith.muli %arg0, %mul3A_12 : i32
    %iota3A = tpu.iota {dimensions = array<i32: 1>} : vector<16x16384xi32>
    %add3A_14 = vector.broadcast %mul3A_13 : i32 to vector<16x16384xi32>
    %add3A_15 = arith.addi %add3A_14, %iota3A : vector<16x16384xi32>
    %lt3A = arith.constant 1000000 : i32
    %lt3A_16 = vector.broadcast %lt3A : i32 to vector<16x16384xi32>
    %lt3A_17 = arith.cmpi slt, %add3A_15, %lt3A_16 : vector<16x16384xi32>
    %mul3A_18 = arith.mulf %exp3A, %exp3A : vector<16x16384xf32>
    %mul3A_19 = arith.mulf %get3A_1, %get3A_1 : vector<16x16384xf32>
    %add3A_20 = arith.addf %mul3A_18, %mul3A_19 : vector<16x16384xf32>
    %sub3A = arith.constant 1.000000e+00 : f32
    %sub3A_21 = vector.broadcast %sub3A : f32 to vector<16x16384xf32>
    %sub3A_22 = arith.subf %add3A_20, %sub3A_21 : vector<16x16384xf32>
    %mul3A_23 = arith.constant 2.000000e+00 : f32
    %mul3A_24 = vector.broadcast %mul3A_23 : f32 to vector<16x16384xf32>
    %mul3A_25 = arith.mulf %mul3A_24, %get3A_4 : vector<16x16384xf32>
    %sub3A_26 = arith.subf %sub3A_22, %mul3A_25 : vector<16x16384xf32>
    %jit3A = arith.constant 0.000000e+00 : f32
    %broadcast_in_dim3A = vector.broadcast %jit3A : f32 to vector<16x16384xf32>
    %select_n3A = arith.select %lt3A_17, %sub3A_26, %broadcast_in_dim3A : vector<16x16384xi1>, vector<16x16384xf32>
    %eq3A = arith.constant 0 : i32
    %eq3A_27 = arith.cmpi eq, %arg0, %eq3A : i32
    %convert_element_type3A = arith.extui %eq3A_27 : i1 to i32
    %cond3A = arith.constant 0 : i32
    %cond3A_28 = arith.cmpi ne, %convert_element_type3A, %cond3A : i32
    scf.if %cond3A_28 {
      %broadcast_in_dim3A_41 = arith.constant 0.000000e+00 : f32
      %broadcast_in_dim3A_42 = vector.broadcast %broadcast_in_dim3A_41 : f32 to vector<1x1xf32>
      %swap3A_43 = arith.constant 0 : index
      %swap3A_44 = arith.constant 0 : index
      %swap3A_45 = vector.load %arg5[%swap3A_43, %swap3A_44] : memref<1x1xf32, #tpu.memory_space<vmem>>, vector<1x1xf32>
      tpu.vector_store %arg5[%swap3A_43, %swap3A_44], %broadcast_in_dim3A_42 {strides = array<i32>} : memref<1x1xf32, #tpu.memory_space<vmem>>, vector<1x1xf32>,
    } else {
    }
    %get3A_29 = arith.constant 0 : index
    %get3A_30 = arith.constant 0 : index
    %get3A_31 = vector.load %arg5[%get3A_29, %get3A_30] : memref<1x1xf32, #tpu.memory_space<vmem>>, vector<1x1xf32>
    %reduce_sum3A = vector.shape_cast %select_n3A : vector<16x16384xf32> to vector<1x16x16384xf32>
    %reduce_sum3A_32 = arith.constant dense<0.000000e+00> : vector<1xf32>
    %reduce_sum3A_33 = vector.multi_reduction <add>, %reduce_sum3A, %reduce_sum3A_32 [1, 2] : vector<1x16x16384xf32> to vector<1xf32>
    %reduce_sum3A_34 = vector.shape_cast %reduce_sum3A_33 : vector<1xf32> to vector<1x1x1xf32>
    %reduce_sum3A_35 = vector.extract %reduce_sum3A_34[0, 0, 0] : f32 from vector<1x1x1xf32>
    %reshape3A_36 = vector.broadcast %reduce_sum3A_35 : f32 to vector<1x1xf32>
    %add3A_37 = arith.addf %get3A_31, %reshape3A_36 : vector<1x1xf32>
    %swap3A_38 = arith.constant 0 : index
    %swap3A_39 = arith.constant 0 : index
    %swap3A_40 = vector.load %arg5[%swap3A_38, %swap3A_39] : memref<1x1xf32, #tpu.memory_space<vmem>>, vector<1x1xf32>
    tpu.vector_store %arg5[%swap3A_38, %swap3A_39], %add3A_37 {strides = array<i32>} : memref<1x1xf32, #tpu.memory_space<vmem>>, vector<1x1xf32>,
    return
  }
  func.func @transform_0(%arg0: i32) -> (i32, i32) {
    %c0_i32 = arith.constant 0 : i32
    %c0_i32_0 = arith.constant 0 : i32
    return %c0_i32, %arg0 : i32, i32
  }
  func.func @transform_1(%arg0: i32) -> (i32, i32) {
    %c0_i32 = arith.constant 0 : i32
    %c0_i32_0 = arith.constant 0 : i32
    return %c0_i32, %arg0 : i32, i32
  }
  func.func @transform_2(%arg0: i32) -> (i32, i32) {
    %c0_i32 = arith.constant 0 : i32
    %c0_i32_0 = arith.constant 0 : i32
    return %c0_i32, %arg0 : i32, i32
  }
  func.func @transform_3(%arg0: i32) -> (i32, i32, i32, i32) {
    %c0_i32 = arith.constant 0 : i32
    %c0_i32_0 = arith.constant 0 : i32
    %c0_i32_1 = arith.constant 0 : i32
    %c0_i32_2 = arith.constant 0 : i32
    return %c0_i32, %arg0, %c0_i32_0, %c0_i32_1 : i32, i32, i32, i32
  }
  func.func @transform_4(%arg0: i32) -> (i32, i32) {
    %c0_i32 = arith.constant 0 : i32
    %c0_i32_0 = arith.constant 0 : i32
    %c0_i32_1 = arith.constant 0 : i32
    return %c0_i32, %c0_i32_0 : i32, i32
  }
}

</mosaic_0001>

<sc_bundles>
// kernel: kernel.4.cloned.1.call-start
scs
__scs_entry_jumppad:
0x0: {  	(pc) =	sbr.rel $0x88, $3  }
0x1: {  	(tag) =	ssettag $0x0;
	lr =	simm.s32 $0x1  }
0x2: {  	[smem:$0x3F9D] =	sst lr;
	_ =	strace $0xD0000000  }
0x3: {  	_ = 	snop  }
0x4: {  	_ = 	snop  }
0x5: {  	_ = 	snop  }
0x6: {  	_ = 	snop  }
0x7: {  	_ = 	snop  }
__scs_overlays_trampoline_lowered:
0x8: {  	[smem:$0x3FAC] =	sst s0  }
0x9: {  	[smem:$0x3FAD] =	sst s1  }
0xa: {  	[smem:$0x3FAE] =	sst s2  }
0xb: {  	[smem:$0x3FAF] =	sst s3  }
0xc: {  	[smem:$0x3FB0] =	sst s4  }
0xd: {  	[smem:$0x3FB1] =	sst s5  }
0xe: {  	[smem:$0x3FB2] =	sst s6  }
0xf: {  	[smem:$0x3FB3] =	sst s7  }
0x10: {  	[smem:$0x3FB4] =	sst s8  }
0x11: {  	[smem:$0x3FB5] =	sst s9;
	s0 =	simm.s32 @!p0 $0x0  }
0x12: {  	s1 =	sld [smem:$0x3F9B];
	s0 =	simm.s32 @p0 $0x1  }
0x13: {  	[smem:$0x3FB6] =	sst s0;
	s0 =	simm.s32 @!p1 $0x0  }
0x14: {  	s2 =	sld [smem:$0x3F9A];
	s0 =	simm.s32 @p1 $0x1  }
0x15: {  	[smem:$0x3FB7] =	sst s0;
	s0 =	simm.s32 @!p2 $0x0  }
0x16: {  	s3 =	sld [smem:$0x3FDB];
	s0 =	simm.s32 @p2 $0x1  }
0x17: {  	s4 =	simm.s32 $0x1BF5;
	[smem:$0x3FB9] =	sst s0  }
0x18: {  	s0 =	sld [smem:$0x3F9C];
	_ =	swait.ge [sflag:s4], $0x0  }
0x19: {  	s7 =	sld [smem:$0x3F9D]  }
0x1a: {  	s8 =	sadd.s32 $0xFFFFE003, lr  }
0x1b: {  	s9 =	sadd.s32 $0xFFFFFEF7, lr;
	s5 =	simm.s32 $0xFFFFFFFF;
	p2 =	slt.u32 s8, $0xFFFFF086  }
0x1c: {  	p1 =	slt.u32 s9, $0xF7A;
	s5 =	simm.s32 @!p2 $0x0  }
0x1d: {  	s5 =	simm.s32 @p1 $0x1;
	p0 =	seq.s32 s7, s2  }
0x1e: {  	s7 =	smul.u32 @!p0 $0xF7A, s2;
	p2 =	seq.s32 @!p0 s5, $0x0  }
0x1f: {  	s9 =	smul.u32 $0xF7A, s1;
	s8 =	simm.s32 @!p0 $0x1BF5;
	p2 =	por !p2, p0  }
0x20: {  	[sflag:s8] =	ssyncset.s32 @!p0 $0xFFFFF086;
	s6 =	sadd.s32 @!p0 s3, s7;
	s7 =	simm.s32 @!p0 $0x108  }
0x21: {  	s3 =	sadd.s32 s3, s9;
	s6 =	sadd.s32 @!p0 $0x88, s6;
	s7 =	simm.s32 @p2 $0x1082  }
0x22: {  	[simem:s7], [sflag:s8] =	dma.local @!p0 [hbm:s6], $0xF7A  }
0x23: {  	s9 =	sor.u32 $0xD0000000, s2;
	s6 =	simm.s32 $0x108;
	_ =	swait.ge @!p0 [sflag:s8], $0x0  }
0x24: {  	s3 =	sadd.s32 $0x88, s3;
	s6 =	simm.s32 @!p1 $0x1082;
	[sflag:s4] =	ssyncset.s32 $0xFFFFF086  }
0x25: {  	[simem:s6], [sflag:s4] =	dma.local [hbm:s3], $0xF7A  }
0x26: {  	[smem:$0x3F9D] =	sst s1;
	(tag) =	ssettag s2;
	_ =	strace s9  }
0x27: {  	s1 =	sld [smem:$0x3FAD]  }
0x28: {  	s2 =	sld [smem:$0x3FAE]  }
0x29: {  	s4 =	sld [smem:$0x3FB0]  }
0x2a: {  	p0 =	seq.s32 s5, $0x0;
	s5 =	sld [smem:$0x3FB1]  }
0x2b: {  	s6 =	sld [smem:$0x3FB2]  }
0x2c: {  	s7 =	sld [smem:$0x3FB3]  }
0x2d: {  	s3 =	simm.s32 $0x108;
	s8 =	sld [smem:$0x3FB4]  }
0x2e: {  	s3 =	simm.s32 @!p0 $0x1082;
	s9 =	sld [smem:$0x3FB5]  }
0x2f: {  	lr =	sadd.s32 s0, s3;
	s0 =	sld [smem:$0x3FAC]  }
0x30: {  	s3 =	sld [smem:$0x3FAF]  }
0x31: {  	[smem:$0x3FB8] =	sst s10  }
0x32: {  	s10 =	sld [smem:$0x3FB6];
	_ =	sdelay $0x3  }
0x33: {  	p0 =	seq.s32 s10, $0x1;
	s10 =	sld [smem:$0x3FB8];
	_ =	sdelay $0x3  }
0x34: {  	[smem:$0x3FB8] =	sst s10  }
0x35: {  	s10 =	sld [smem:$0x3FB7];
	_ =	sdelay $0x3  }
0x36: {  	p1 =	seq.s32 s10, $0x1;
	s10 =	sld [smem:$0x3FB8];
	_ =	sdelay $0x3  }
0x37: {  	[smem:$0x3FB8] =	sst s10  }
0x38: {  	s10 =	sld [smem:$0x3FB9]  }
0x39: {  	_ = 	snop;
	(pc) =	sbr.ind lr, $3  }
0x3a: {  	_ = 	snop  }
0x3b: {  	_ = 	snop  }
0x3c: {  	p2 =	seq.s32 s10, $0x1;
	s10 =	sld [smem:$0x3FB8]  }
0x3d: {  	_ =	shalt  }
0x3e: {  	_ =	shalt  }
0x3f: {  	_ =	shalt  }
0x40: {  	_ =	shalt  }
0x41: {  	_ =	shalt  }
0x42: {  	_ =	shalt  }
0x43: {  	_ =	shalt  }
0x44: {  	_ =	shalt  }
0x45: {  	_ =	shalt  }
0x46: {  	_ =	shalt  }
0x47: {  	_ =	shalt  }
0x48: {  	_ =	shalt  }
0x49: {  	_ =	shalt  }
0x4a: {  	_ =	shalt  }
0x4b: {  	_ =	shalt  }
0x4c: {  	_ =	shalt  }
0x4d: {  	_ =	shalt  }
0x4e: {  	_ =	shalt  }
0x4f: {  	_ =	shalt  }
0x50: {  	_ =	shalt  }
0x51: {  	_ =	shalt  }
0x52: {  	_ =	shalt  }
0x53: {  	_ =	shalt  }
0x54: {  	_ =	shalt  }
0x55: {  	_ =	shalt  }
0x56: {  	_ =	shalt  }
0x57: {  	_ =	shalt  }
0x58: {  	_ =	shalt  }
0x59: {  	_ =	shalt  }
0x5a: {  	_ =	shalt  }
0x5b: {  	_ =	shalt  }
0x5c: {  	_ =	shalt  }
0x5d: {  	_ =	shalt  }
0x5e: {  	_ =	shalt  }
0x5f: {  	_ =	shalt  }
0x60: {  	_ =	shalt  }
0x61: {  	_ =	shalt  }
0x62: {  	_ =	shalt  }
0x63: {  	_ =	shalt  }
0x64: {  	_ =	shalt  }
0x65: {  	_ =	shalt  }
0x66: {  	_ =	shalt  }
0x67: {  	_ =	shalt  }
0x68: {  	_ =	shalt  }
0x69: {  	_ =	shalt  }
0x6a: {  	_ =	shalt  }
0x6b: {  	_ =	shalt  }
0x6c: {  	_ =	shalt  }
0x6d: {  	_ =	shalt  }
0x6e: {  	_ =	shalt  }
0x6f: {  	_ =	shalt  }
0x70: {  	_ =	shalt  }
0x71: {  	_ =	shalt  }
0x72: {  	_ =	shalt  }
0x73: {  	_ =	shalt  }
0x74: {  	_ =	shalt  }
0x75: {  	_ =	shalt  }
0x76: {  	_ =	shalt  }
0x77: {  	_ =	shalt  }
0x78: {  	_ =	shalt  }
0x79: {  	_ =	shalt  }
0x7a: {  	_ =	shalt  }
0x7b: {  	_ =	shalt  }
0x7c: {  	_ =	shalt  }
0x7d: {  	_ =	shalt  }
0x7e: {  	_ =	shalt  }
0x7f: {  	_ =	shalt  }
0x80: {  	_ =	shalt  }
0x81: {  	_ =	shalt  }
0x82: {  	_ =	shalt  }
0x83: {  	_ =	shalt  }
0x84: {  	_ =	shalt  }
0x85: {  	_ =	shalt  }
0x86: {  	_ =	shalt  }
0x87: {  	_ =	shalt  }
.Lfunc_end0:
.L_simem_size_0:
called_computation_lowered:
.L_overlay_start_0:
0x88: {  	s2 =	sld [smem:$0x3FD9]  }
0x89: {  	s3 =	sld [smem:$0x3FFE];
	_ =	sdelay $0x1  }
0x8a: {  	s1 =	srdreg.scid  }
0x8b: {  	s0 =	sand.u32 $0x1, s1  }
0x8c: {  	s14 =	sshll.u32 s0, $0xA;
	s2 =	sadd.s32 s3, s2  }
0x8d: {  	s2 =	sadd.s32 s2, s14  }
0x8e: {  	[smem:$0x3FC4] =	sst s2  }
0x8f: {  	_ = 	snop  }
0x90: {  	s2 =	sld [smem:$0x3FD0];
	_ =	sdelay $0x2  }
0x91: {  	s15 =	simm.s32 $0xA;
	s4 =	simm.s32 $0x10  }
0x92: {  	[smem:s4], [sflag:s15] =	dma.local [hbm:s2], $0x1  }
0x93: {  	_ =	swait.eq [sflag:s15], $0x1  }
0x94: {  	[sflag:s15] =	ssyncset.done $0x0  }
0x95: {  	[sflag:s15] =	ssyncadd.s32 $0xFFFFFFFF  }
0x96: {  	s16 =	sld [smem:$0x10];
	(tm) =	ssettm $0x1  }
0x97: {  	s17 =	sld [smem:$0x3FFB];
	_ =	sdelay $0x3  }
0x98: {  	_ =	strace s17  }
0x99: {  	s3 =	sld [smem:$0x3FFC];
	_ =	sdelay $0x3  }
0x9a: {  	_ =	strace s3  }
0x9b: {  	s3 =	sld [smem:$0x3FFD];
	_ =	sdelay $0x3  }
0x9c: {  	_ =	strace s3  }
0x9d: {  	_ =	strace $0x8FFFFFFF  }
0x9e: {  	s18 =	sld [smem:$0x3FDB];
	_ =	sdelay $0x1  }
0x9f: {  	s19 =	simm.s32 $_scs_section_size  }
0xa0: {  	s5 =	simm.s32 $_size__tile_overlayer_lowered;
	s6 =	simm.s32 $_tile_overlayer_lowered  }
0xa1: {  	s22 =	simm.s32 $0x1BFF;
	s21 =	sshll.u32 s6, $0x1;
	s3 =	sadd.s32 s19, s18  }
0xa2: {  	s7 =	simm.s32 $0x0;
	s20 =	sshll.u32 s5, $0x1;
	s5 =	sadd.s32 s21, s3  }
0xa3: {  	[timem:s7], [sflag:s22] =	dma.local [hbm:s5], s20  }
0xa4: {  	_ =	swait.ge [sflag:s22], s20  }
0xa5: {  	s4 =	ssub.s32 $0x0, s20;
	[sflag:s22] =	ssyncset.done $0x0  }
0xa6: {  	[sflag:s22] =	ssyncadd.s32 s4;
	_ =	sdelay $0x1  }
0xa7: {  	s23 =	simm.s32 $0x1B8B  }
0xa8: {  	_ =	swait.ge [sflag:s23], $0x1  }
0xa9: {  	[sflag:s23] =	ssyncset.done $0x0  }
0xaa: {  	s25 =	simm.s32 $0x1B8E;
	s24 =	sld [smem:$0x3FFE];
	[sflag:s23] =	ssyncadd.s32 $0xFFFFFFFF  }
0xab: {  	s26 =	simm.s32 $execute0_lowered;
	[smem:$0x3FD2] =	sst s25  }
0xac: {  	s5 =	sshll.u32 s26, $0x1;
	_ =	strace $0x80000046;
	[dreg:$0x1] =	wrdreg $0xFFFFFFFF  }
0xad: {  	s28 =	simm.s32 $_size_execute0_lowered;
	s3 =	sadd.s32 s3, s5;
	[dreg:$0x0] =	wrdreg $0x0  }
0xae: {  	s5 =	sshll.u32 s28, $0x1;
	[dreg:$0x2] =	wrdreg s3  }
0xaf: {  	[dreg:$0x3] =	wrdreg s5  }
0xb0: {  	[dreg:$0x4] =	wrdreg $0xC0  }
0xb1: {  	_ =	task [dreg:s7], $0x5FFFF  }
0xb2: {  	[dreg:$0x1] =	wrdreg $0xFFFFFFFF  }
0xb3: {  	[dreg:$0x0] =	wrdreg $0x60  }
0xb4: {  	[dreg:$0x2] =	wrdreg s24  }
0xb5: {  	[dreg:$0x3] =	wrdreg s16  }
0xb6: {  	[dreg:$0x4] =	wrdreg $0x9  }
0xb7: {  	_ =	task.clear_ibuf [dreg:s7], $0x5FFFF;
	_ =	strace $0x90000046  }
0xb8: {  	s29 =	simm.s32 $0x9;
	_ =	strace $0x80000048  }
0xb9: {  	_ =	swait.ge [sflag:s29], $0x1  }
0xba: {  	[sflag:s29] =	ssyncadd.s32 $0xFFFFFFFF  }
0xbb: {  	_ =	strace $0x90000048  }
0xbc: {  	_ =	sfence  }
0xbd: {  	s30 =	sld [smem:$0x0];
	_ =	sdelay $0x2  }
0xbe: {  	s31 =	sshll.u32 s1, $0xD;
	s1 =	sshrl.u32 s1, $0x2  }
0xbf: {  	s3 =	sand.u32 $0x4000, s31;
	s1 =	sadd.s32 s1, s30  }
0xc0: {  	s0 =	sor.u32 s3, s0;
	s1 =	sshll.u32 s1, $0x11  }
0xc1: {  	s0 =	sor.u32 s1, s0  }
0xc2: {  	s0 =	sadd.s32 $0x8F2B, s0  }
0xc3: {  	[sflag:s0] =	ssyncadd.remote.s32 $0x1  }
0xc4: {  	_ =	sfence.sel $0xFFFF  }
0xc5: {  	[dreg:$0x0] =	wrdreg $0xFFFFFFFF;
	(pc) =	sbr.abs _section_cstart, $3  }
0xc6: {  	[dreg:$0x1] =	wrdreg $0xFFFFFFFF  }
0xc7: {  	_ =	task.clear_ibuf [dreg:s7], $0x2FFFF;
	_ =	strace $0x9FFFFFFF  }
0xc8: {  	(tm) =	ssettm $0x7FFFFFFF  }
0xc9: {  	_ =	shalt  }
tec
execute0_lowered:
.L_overlay_start_1:
0x0: {  	(tag) =	ssettag $0x1  }
0x1: {  	s0 =	rddreg [dreg:$0x0]  }
0x2: {  	s1 =	rddreg [dreg:$0x1]  }
0x3: {  	s4 =	stileid.u32;
	s3 =	srdreg.scid  }
0x4: {  	s2 =	simm.s32 $0x0;
	s4 =	smul.u32 $0x5000, s4;
	s6 =	sand.u32 $0x1, s3  }
0x5: {  	[smem:$0x7FF] =	sst s2;
	s3 =	sadd.s32 $0xA600, s0;
	s5 =	smul.u32 $0x280000, s6  }
0x6: {  	_ =	strace $0x80000047;
	s7 =	ssub.s32 $0x2, s6;
	s8 =	sshrl.u32 s4, $0x3  }
0x7: {  	s9 =	sshrl.u32 s7, $0x1;
	s4 =	sor.u32 s4, s5;
	s0 =	sadd.s32 s8, s0  }
0x8: {  	s7 =	ssub.s32 s7, s9;
	s5 =	sshrl.u32 s4, $0x3;
	s0 =	sadd.s32 $0x600, s0  }
0x9: {  	s15 =	smax.u32 s7, $0x1;
	[dreg:$0x3] =	wrdreg s0;
	s5 =	sadd.s32 s1, s5  }
0xa: {  	[dreg:$0x15] =	wrdreg s15;
	s18 =	sadd.s32 $0x200, s5  }
0xb: {  	s19 =	sadd.s32 $0x400, s5;
	[dreg:$0x4] =	wrdreg s18  }
0xc: {  	s20 =	sadd.s32 $0x600, s5;
	[dreg:$0x5] =	wrdreg s19  }
0xd: {  	s17 =	sadd.s32 $0x50000, s4;
	s21 =	sadd.s32 $0x800, s5;
	[dreg:$0x6] =	wrdreg s20  }
0xe: {  	s0 =	sshrl.u32 s17, $0x3;
	s26 =	sadd.s32 $0x14000, s5;
	[dreg:$0x7] =	wrdreg s21  }
0xf: {  	s9 =	sadd.s32 s1, s0;
	s1 =	sadd.s32 $0x14200, s5;
	[dreg:$0xc] =	wrdreg s26  }
0x10: {  	s4 =	smul.u32 $0x7A1400, s6;
	s6 =	sadd.s32 $0x14400, s5;
	[dreg:$0xd] =	wrdreg s1  }
0x11: {  	s8 =	sadd.s32 $0x14600, s5;
	[dreg:$0xe] =	wrdreg s6  }
0x12: {  	s10 =	sadd.s32 $0x14800, s5;
	[dreg:$0xf] =	wrdreg s8  }
0x13: {  	s11 =	sadd.s32 $0x1E000, s5;
	[dreg:$0x10] =	wrdreg s10  }
0x14: {  	s12 =	sadd.s32 $0x1E200, s5;
	[dreg:$0x11] =	wrdreg s11  }
0x15: {  	s28 =	simm.s32 $0x2;
	s13 =	sadd.s32 $0x1E400, s5;
	[dreg:$0x12] =	wrdreg s12  }
0x16: {  	s29 =	simm.s32 $0x8000;
	s14 =	sadd.s32 $0x1E600, s5;
	[dreg:$0x13] =	wrdreg s13  }
0x17: {  	s30 =	simm.s32 $0x9000;
	s16 =	sadd.s32 $0x1E800, s5;
	[dreg:$0x14] =	wrdreg s14  }
0x18: {  	s31 =	simm.s32 $0x0;
	s17 =	sadd.s32 $0x28000, s5;
	[dreg:$0x16] =	wrdreg s16  }
0x19: {  	s15 =	sadd.s32 $0x46200, s5;
	s22 =	sadd.s32 $0x200, s9;
	[dreg:$0x17] =	wrdreg s17  }
0x1a: {  	s23 =	sadd.s32 $0x400, s9;
	s24 =	sadd.s32 $0x600, s9;
	[dreg:$0x8] =	wrdreg s22  }
0x1b: {  	s25 =	sadd.s32 $0x800, s9;
	s18 =	sadd.s32 $0x28200, s5;
	[dreg:$0x9] =	wrdreg s23  }
0x1c: {  	s19 =	sadd.s32 $0x28400, s5;
	s20 =	sadd.s32 $0x28600, s5;
	[dreg:$0xa] =	wrdreg s24  }
0x1d: {  	s21 =	sadd.s32 $0x28800, s5;
	s26 =	sadd.s32 $0x32800, s5;
	[dreg:$0xb] =	wrdreg s25  }
0x1e: {  	s8 =	sadd.s32 $0x3C000, s5;
	s10 =	sadd.s32 $0x3C200, s5;
	[dreg:$0x18] =	wrdreg s18  }
0x1f: {  	s11 =	sadd.s32 $0x3C400, s5;
	s12 =	sadd.s32 $0x3C600, s5;
	[dreg:$0x19] =	wrdreg s19  }
0x20: {  	s13 =	sadd.s32 $0x3C800, s5;
	s14 =	sadd.s32 $0x46000, s5;
	[dreg:$0x1a] =	wrdreg s20  }
0x21: {  	s16 =	sadd.s32 $0x46400, s5;
	s17 =	sadd.s32 $0x46600, s5;
	[dreg:$0x1b] =	wrdreg s21  }
0x22: {  	s22 =	sadd.s32 $0x32000, s5;
	s23 =	sadd.s32 $0x32200, s5;
	[smem:$0x7FD] =	sst s26  }
0x23: {  	s24 =	sadd.s32 $0x32400, s5;
	s25 =	sadd.s32 $0x32600, s5;
	[dreg:$0x1c] =	wrdreg s22  }
0x24: {  	s18 =	sadd.s32 $0x46800, s5;
	s19 =	simm.s32 $0x3;
	[dreg:$0x1d] =	wrdreg s23  }
0x25: {  	s20 =	simm.s32 $0x1000;
	s21 =	simm.s32 $0x5000;
	[dreg:$0x1e] =	wrdreg s24  }
0x26: {  	s26 =	simm.s32 $0x7000;
	[dreg:$0x1f] =	wrdreg s25;
	s22 =	simm.s32 $0xA000  }
0x27: {  	v0 =	vmov s4;
	s23 =	simm.s32 $0x6000;
	s24 =	simm.s32 $0xB000;
	s25 =	simm.s32 $0x1  }
.LBB2_1:
0x28: {  	s0 =	rddreg [dreg:$0x3]  }
0x29: {  	[tilespmem:s2], [sflag:$0x3] =	stream.linear.gather [hbm4b:s0+s2], $0x5000, $0x38;
	[tilespmem:$0xC000] =	vst v63  }
0x2a: {  	_ =	swait.ge [sflag:s19], $0x5000  }
0x2b: {  	[sflag:s19] =	ssyncset.done $0x0  }
0x2c: {  	s1 =	simm.s32 $0x40;
	[sflag:s19] =	ssyncadd.s32 $0xFFFFB000  }
0x2d: {  	v1 =	vld [tilespmem:s1+$0xFFFFFFC0]  }
0x2e: {  	v3 =	vld [tilespmem:s1+$0xFFFFFFD0]  }
0x2f: {  	v4 =	vld [tilespmem:s1+$0xFFFFFFE0];
	_ =	sdelay $0x2  }
0x30: {  	v7 =	vld [tilespmem:s1+$0x0]  }
0x31: {  	v2 =	vld [tilespmem:s1+$0x10];
	v5 =	vshll.u32 v1, $0x3;
	v6 =	vand.u32 $0x7F, v1  }
0x32: {  	v8 =	vshll.u32 v3, $0x3;
	v3 =	vand.u32 $0x7F, v3;
	v9 =	vshll.u32 v4, $0x3  }
0x33: {  	v10 =	vand.u32 $0x7F, v4;
	v4 =	vld [tilespmem:s1+$0x20];
	v5 =	vand.u32 $0xFFFFFC00, v5;
	v8 =	vand.u32 $0xFFFFFC00, v8  }
0x34: {  	v9 =	vand.u32 $0xFFFFFC00, v9;
	v11 =	vor.u32 v6, v5;
	v6 =	vor.u32 v3, v8;
	v3 =	vld [tilespmem:s1+$0x30]  }
0x35: {  	v5 =	vor.u32 v10, v9  }
0x36: {  	s6 =	simm.s32 $0x0;
	s7 =	simm.s32 $0xC0;
	s4 =	simm.s32 $0x40;
	v1 =	vld [tilespmem:s1+$0xFFFFFFF0];
	v8 =	vshll.u32 v7, $0x3;
	v7 =	vand.u32 $0x7F, v7;
	v9 =	vshll.u32 v2, $0x3;
	[tilespmem:s1+$0xFFFFFFC0] =	vst v11  }
.LBB2_2:
0x37: {  	v10 =	vld [tilespmem:s7+$0xFFFFFFC0];
	[tilespmem:s4+$0xFFFFFFD0] =	vst v6;
	v6 =	vand.u32 $0xFFFFFC00, v8;
	v8 =	vand.u32 $0xFFFFFC00, v9;
	v2 =	vand.u32 $0x7F, v2  }
0x38: {  	v9 =	vld [tilespmem:s7+$0xFFFFFFD0];
	[tilespmem:s4+$0xFFFFFFE0] =	vst v5;
	v5 =	vor.u32 v7, v6;
	v2 =	vor.u32 v2, v8;
	v6 =	vshll.u32 v4, $0x3  }
0x39: {  	v4 =	vand.u32 $0x7F, v4;
	v7 =	vld [tilespmem:s7+$0xFFFFFFE0];
	[tilespmem:s4+$0x0] =	vst v5;
	v5 =	vand.u32 $0xFFFFFC00, v6;
	v6 =	vshll.u32 v3, $0x3  }
0x3a: {  	v3 =	vand.u32 $0x7F, v3;
	v8 =	vld [tilespmem:s7+$0xFFFFFFF0];
	[tilespmem:s4+$0x10] =	vst v2;
	v2 =	vor.u32 v4, v5;
	v4 =	vand.u32 $0xFFFFFC00, v6  }
0x3b: {  	s6 =	sadd.s32 $0x8, s6;
	v5 =	vshll.u32 v1, $0x3;
	v1 =	vand.u32 $0x7F, v1;
	v11 =	vld [tilespmem:s7+$0x0];
	[tilespmem:s4+$0x20] =	vst v2;
	v3 =	vor.u32 v3, v4  }
0x3c: {  	s0 =	simm.s32 $0x5040;
	p0 =	slt.u32 s6, $0x4F8;
	v5 =	vand.u32 $0xFFFFFC00, v5;
	v4 =	vshll.u32 v10, $0x3;
	v2 =	vld [tilespmem:s7+$0x10];
	[tilespmem:s4+$0x30] =	vst v3  }
.Ltmp0:
0x3d: {  	v10 =	vand.u32 $0x7F, v10;
	v13 =	vor.u32 v1, v5;
	v6 =	vand.u32 $0xFFFFFC00, v4;
	(pc) =	sbr.rel @p0 .LBB2_2-.Ltmp0, $4  }
0x3e: {  	v3 =	vshll.u32 v9, $0x3;
	v5 =	vand.u32 $0x7F, v9;
	v9 =	vshll.u32 v7, $0x3;
	v4 =	vld [tilespmem:s7+$0x20];
	[tilespmem:s4+$0xFFFFFFF0] =	vst v13;
	s4 =	smov.u32 s7  }
0x3f: {  	v12 =	vand.u32 $0xFFFFFC00, v3;
	v7 =	vand.u32 $0x7F, v7;
	v9 =	vand.u32 $0xFFFFFC00, v9;
	v3 =	vld [tilespmem:s7+$0x30];
	v1 =	vmovc v8  }
0x40: {  	v8 =	vor.u32 v10, v6;
	v6 =	vor.u32 v5, v12;
	v5 =	vor.u32 v7, v9  }
0x41: {  	s7 =	sadd.s32 $0x80, s7;
	v7 =	vand.u32 $0x7F, v11;
	[tilespmem:s4+$0xFFFFFFC0] =	vst v8;
	v8 =	vshll.u32 v11, $0x3;
	v9 =	vshll.u32 v2, $0x3  }
0x42: {  	v8 =	vand.u32 $0xFFFFFC00, v8  }
0x43: {  	[tilespmem:s4+$0xFFFFFFD0] =	vst v6;
	v57 =	vand.u32 $0xFFFFFC00, v9;
	v2 =	vand.u32 $0x7F, v2;
	v63 =	vshll.u32 v1, $0x3  }
0x44: {  	[tilespmem:s4+$0xFFFFFFE0] =	vst v5;
	v58 =	vshll.u32 v4, $0x3;
	v59 =	vor.u32 v7, v8;
	v61 =	vand.u32 $0x7F, v4  }
0x45: {  	v2 =	vor.u32 v2, v57;
	v60 =	vand.u32 $0xFFFFFC00, v58;
	[tilespmem:s4+$0x0] =	vst v59;
	v62 =	vshll.u32 v3, $0x3  }
0x46: {  	[tilespmem:s4+$0x10] =	vst v2;
	v3 =	vand.u32 $0x7F, v3;
	v4 =	vor.u32 v61, v60;
	v2 =	vand.u32 $0xFFFFFC00, v62  }
0x47: {  	v1 =	vand.u32 $0x7F, v1;
	[tilespmem:s4+$0x20] =	vst v4;
	v2 =	vor.u32 v3, v2;
	v3 =	vand.u32 $0xFFFFFC00, v63  }
0x48: {  	[tilespmem:s4+$0x30] =	vst v2;
	v1 =	vor.u32 v1, v3  }
0x49: {  	[tilespmem:s4+$0xFFFFFFF0] =	vst v1  }
0x4a: {  	v1 =	vld [tilespmem:s1+$0xFFFFFFC0];
	_ =	sdelay $0x4  }
0x4b: {  	v1 =	vadd.s32 v0, v1  }
0x4c: {  	[tilespmem:s0+$0xFFFFFFC0] =	vst v1  }
0x4d: {  	v1 =	vld [tilespmem:s1+$0xFFFFFFD0];
	_ =	sdelay $0x4  }
0x4e: {  	v1 =	vadd.s32 v0, v1  }
0x4f: {  	[tilespmem:s0+$0xFFFFFFD0] =	vst v1  }
0x50: {  	v1 =	vld [tilespmem:s1+$0xFFFFFFE0];
	_ =	sdelay $0x4  }
0x51: {  	v1 =	vadd.s32 v0, v1  }
0x52: {  	[tilespmem:s0+$0xFFFFFFE0] =	vst v1  }
0x53: {  	v1 =	vld [tilespmem:s1+$0xFFFFFFF0];
	_ =	sdelay $0x4  }
0x54: {  	v1 =	vadd.s32 v0, v1  }
0x55: {  	[tilespmem:s0+$0xFFFFFFF0] =	vst v1  }
0x56: {  	v1 =	vld [tilespmem:s1+$0x0];
	_ =	sdelay $0x4  }
0x57: {  	v1 =	vadd.s32 v0, v1  }
0x58: {  	[tilespmem:s0+$0x0] =	vst v1  }
0x59: {  	v1 =	vld [tilespmem:s1+$0x10];
	_ =	sdelay $0x4  }
0x5a: {  	v1 =	vadd.s32 v0, v1  }
0x5b: {  	[tilespmem:s0+$0x10] =	vst v1  }
0x5c: {  	v1 =	vld [tilespmem:s1+$0x20];
	_ =	sdelay $0x4  }
0x5d: {  	v1 =	vadd.s32 v0, v1  }
0x5e: {  	[tilespmem:s0+$0x20] =	vst v1  }
0x5f: {  	v1 =	vld [tilespmem:s1+$0x30];
	_ =	sdelay $0x4  }
0x60: {  	v1 =	vadd.s32 v0, v1  }
0x61: {  	s4 =	simm.s32 $0xC0;
	s1 =	simm.s32 $0x0;
	[tilespmem:s0+$0x30] =	vst v1  }
.LBB2_4:
0x62: {  	v1 =	vld [tilespmem:s4+$0xFFFFFFC0];
	s1 =	sadd.s32 $0x8, s1  }
0x63: {  	p0 =	slt.u32 s1, $0x4F8;
	_ =	sdelay $0x3  }
0x64: {  	s0 =	sadd.s32 $0x80, s0;
	v1 =	vadd.s32 v0, v1  }
0x65: {  	[tilespmem:s0+$0xFFFFFFC0] =	vst v1  }
0x66: {  	v1 =	vld [tilespmem:s4+$0xFFFFFFD0];
	_ =	sdelay $0x4  }
0x67: {  	v1 =	vadd.s32 v0, v1  }
0x68: {  	[tilespmem:s0+$0xFFFFFFD0] =	vst v1  }
0x69: {  	v1 =	vld [tilespmem:s4+$0xFFFFFFE0];
	_ =	sdelay $0x4  }
0x6a: {  	v1 =	vadd.s32 v0, v1  }
0x6b: {  	[tilespmem:s0+$0xFFFFFFE0] =	vst v1  }
0x6c: {  	v1 =	vld [tilespmem:s4+$0xFFFFFFF0];
	_ =	sdelay $0x4  }
0x6d: {  	v1 =	vadd.s32 v0, v1  }
0x6e: {  	[tilespmem:s0+$0xFFFFFFF0] =	vst v1  }
0x6f: {  	v1 =	vld [tilespmem:s4+$0x0];
	_ =	sdelay $0x4  }
0x70: {  	v1 =	vadd.s32 v0, v1  }
0x71: {  	[tilespmem:s0+$0x0] =	vst v1  }
0x72: {  	v1 =	vld [tilespmem:s4+$0x10];
	_ =	sdelay $0x4  }
0x73: {  	v1 =	vadd.s32 v0, v1  }
0x74: {  	[tilespmem:s0+$0x10] =	vst v1  }
0x75: {  	v1 =	vld [tilespmem:s4+$0x20];
	_ =	sdelay $0x4  }
0x76: {  	v1 =	vadd.s32 v0, v1  }
0x77: {  	[tilespmem:s0+$0x20] =	vst v1  }
0x78: {  	v1 =	vld [tilespmem:s4+$0x30];
	_ =	sdelay $0x1  }
.Ltmp1:
0x79: {  	(pc) =	sbr.rel @p0 .LBB2_4-.Ltmp1, $3  }
0x7a: {  	_ =	sdelay $0x1  }
0x7b: {  	v1 =	vadd.s32 v0, v1  }
0x7c: {  	s4 =	sadd.s32 $0x80, s4;
	[tilespmem:s0+$0x30] =	vst v1  }
0x7d: {  	[tilespmem:s22], [sflag:$0x1] =	stream.indirect.gather [hbm4b:s3+s20], $0x1, s21, s20, $0xb8;
	[tilespmem:$0xC000] =	vst v63  }
0x7e: {  	_ = 	snop  }
0x7f: {  	[tilespmem:s24], [sflag:$0x2] =	stream.indirect.gather [hbm4b:s3+s20], $0x1, s23, s20, $0xb8;
	[tilespmem:$0xC000] =	vst v63  }
0x80: {  	_ =	swait.ge [sflag:s25], $0x1000  }
0x81: {  	[sflag:s25] =	ssyncset.done $0x0  }
0x82: {  	[sflag:s25] =	ssyncadd.s32 $0xFFFFF000  }
0x83: {  	[hbm4b:s5+s2] =	stream.linear.scatter [tilespmem:s22], [sflag:$0x3], $0x1000, $0x38;
	[tilespmem:$0xC000] =	vst v63  }
0x84: {  	_ =	swait.ge [sflag:s19], $0x1000  }
0x85: {  	[sflag:s19] =	ssyncset.done $0x0  }
0x86: {  	[sflag:s19] =	ssyncadd.s32 $0xFFFFF000  }
0x87: {  	[tilespmem:s22], [sflag:$0x1] =	stream.indirect.gather [hbm4b:s3+s20], $0x1, s26, s20, $0xb8;
	[tilespmem:$0xC000] =	vst v63  }
0x88: {  	_ =	swait.ge [sflag:s28], $0x1000  }
0x89: {  	[sflag:s28] =	ssyncset.done $0x0  }
0x8a: {  	s0 =	rddreg [dreg:$0x4];
	[sflag:s28] =	ssyncadd.s32 $0xFFFFF000  }
0x8b: {  	[hbm4b:s0+s2] =	stream.linear.scatter [tilespmem:s24], [sflag:$0x3], $0x1000, $0x38;
	[tilespmem:$0xC000] =	vst v63  }
0x8c: {  	_ =	swait.ge [sflag:s19], $0x1000  }
0x8d: {  	[sflag:s19] =	ssyncset.done $0x0  }
0x8e: {  	[sflag:s19] =	ssyncadd.s32 $0xFFFFF000  }
0x8f: {  	[tilespmem:s24], [sflag:$0x2] =	stream.indirect.gather [hbm4b:s3+s20], $0x1, s29, s20, $0xb8;
	[tilespmem:$0xC000] =	vst v63  }
0x90: {  	_ =	swait.ge [sflag:s25], $0x1000  }
0x91: {  	[sflag:s25] =	ssyncset.done $0x0  }
0x92: {  	s4 =	rddreg [dreg:$0x5];
	[sflag:s25] =	ssyncadd.s32 $0xFFFFF000  }
0x93: {  	[hbm4b:s4+s2] =	stream.linear.scatter [tilespmem:s22], [sflag:$0x3], $0x1000, $0x38;
	[tilespmem:$0xC000] =	vst v63  }
0x94: {  	_ =	swait.ge [sflag:s19], $0x1000  }
0x95: {  	[sflag:s19] =	ssyncset.done $0x0  }
0x96: {  	[sflag:s19] =	ssyncadd.s32 $0xFFFFF000  }
0x97: {  	[tilespmem:s22], [sflag:$0x1] =	stream.indirect.gather [hbm4b:s3+s20], $0x1, s30, s20, $0xb8;
	[tilespmem:$0xC000] =	vst v63  }
0x98: {  	_ =	swait.ge [sflag:s28], $0x1000  }
0x99: {  	[sflag:s28] =	ssyncset.done $0x0  }
0x9a: {  	s6 =	rddreg [dreg:$0x6];
	[sflag:s28] =	ssyncadd.s32 $0xFFFFF000  }
0x9b: {  	[hbm4b:s6+s2] =	stream.linear.scatter [tilespmem:s24], [sflag:$0x3], $0x1000, $0x38;
	[tilespmem:$0xC000] =	vst v63  }
0x9c: {  	_ =	swait.ge [sflag:s19], $0x1000  }
0x9d: {  	[sflag:s19] =	ssyncset.done $0x0  }
0x9e: {  	[sflag:s19] =	ssyncadd.s32 $0xFFFFF000  }
0x9f: {  	_ =	swait.ge [sflag:s25], $0x1000  }
0xa0: {  	[sflag:s25] =	ssyncset.done $0x0  }
0xa1: {  	s7 =	rddreg [dreg:$0x7];
	[sflag:s25] =	ssyncadd.s32 $0xFFFFF000  }
0xa2: {  	[hbm4b:s7+s2] =	stream.linear.scatter [tilespmem:s22], [sflag:$0x3], $0x1000, $0x38;
	[tilespmem:$0xC000] =	vst v63  }
0xa3: {  	_ =	swait.ge [sflag:s19], $0x1000  }
0xa4: {  	[sflag:s19] =	ssyncset.done $0x0  }
0xa5: {  	s0 =	simm.s32 $0x5040;
	[sflag:s19] =	ssyncadd.s32 $0xFFFFF000  }
0xa6: {  	v3 =	vld [tilespmem:s0+$0xFFFFFFC0]  }
0xa7: {  	v4 =	vld [tilespmem:s0+$0xFFFFFFD0]  }
0xa8: {  	v5 =	vld [tilespmem:s0+$0xFFFFFFE0]  }
0xa9: {  	v2 =	vld [tilespmem:s0+$0x0]  }
0xaa: {  	v1 =	vld [tilespmem:s0+$0x10]  }
0xab: {  	v6 =	vadd.s32 $0x80, v3;
	v3 =	vld [tilespmem:s0+$0x20]  }
0xac: {  	[tilespmem:s0+$0xFFFFFFC0] =	vst v6;
	v6 =	vadd.s32 $0x80, v4;
	v4 =	vld [tilespmem:s0+$0x30]  }
0xad: {  	s1 =	simm.s32 $0x0;
	s4 =	simm.s32 $0x50C0;
	[tilespmem:s0+$0xFFFFFFD0] =	vst v6;
	v6 =	vadd.s32 $0x80, v5;
	v5 =	vld [tilespmem:s0+$0xFFFFFFF0]  }
.LBB2_6:
0xae: {  	v7 =	vld [tilespmem:s4+$0xFFFFFFC0];
	[tilespmem:s0+$0xFFFFFFE0] =	vst v6;
	v2 =	vadd.s32 $0x80, v2  }
0xaf: {  	s1 =	sadd.s32 $0x8, s1;
	v6 =	vld [tilespmem:s4+$0xFFFFFFD0];
	[tilespmem:s0+$0x0] =	vst v2;
	v1 =	vadd.s32 $0x80, v1  }
0xb0: {  	p0 =	slt.u32 s1, $0x4F8;
	v8 =	vld [tilespmem:s4+$0xFFFFFFE0];
	[tilespmem:s0+$0x10] =	vst v1;
	v1 =	vadd.s32 $0x80, v3  }
.Ltmp2:
0xb1: {  	v2 =	vld [tilespmem:s4+$0x0];
	[tilespmem:s0+$0x20] =	vst v1;
	v3 =	vadd.s32 $0x80, v4;
	(pc) =	sbr.rel @p0 .LBB2_6-.Ltmp2, $4  }
0xb2: {  	v1 =	vld [tilespmem:s4+$0x10];
	v4 =	vadd.s32 $0x80, v5;
	[tilespmem:s0+$0x30] =	vst v3  }
0xb3: {  	v5 =	vadd.s32 $0x80, v7;
	v3 =	vld [tilespmem:s4+$0x20];
	[tilespmem:s0+$0xFFFFFFF0] =	vst v4;
	s0 =	smov.u32 s4  }
0xb4: {  	[tilespmem:s4+$0xFFFFFFC0] =	vst v5;
	v5 =	vadd.s32 $0x80, v6;
	v4 =	vld [tilespmem:s4+$0x30]  }
0xb5: {  	s4 =	sadd.s32 $0x80, s4;
	[tilespmem:s0+$0xFFFFFFD0] =	vst v5;
	v6 =	vadd.s32 $0x80, v8;
	v5 =	vld [tilespmem:s0+$0xFFFFFFF0]  }
0xb6: {  	[tilespmem:s0+$0xFFFFFFE0] =	vst v6;
	v2 =	vadd.s32 $0x80, v2  }
0xb7: {  	[tilespmem:s0+$0x0] =	vst v2;
	v1 =	vadd.s32 $0x80, v1  }
0xb8: {  	[tilespmem:s0+$0x10] =	vst v1;
	v1 =	vadd.s32 $0x80, v3  }
0xb9: {  	[tilespmem:s0+$0x20] =	vst v1;
	v1 =	vadd.s32 $0x80, v4  }
0xba: {  	v2 =	vadd.s32 $0x80, v5;
	[tilespmem:s0+$0x30] =	vst v1  }
0xbb: {  	[tilespmem:s0+$0xFFFFFFF0] =	vst v2  }
0xbc: {  	[tilespmem:s22], [sflag:$0x1] =	stream.indirect.gather [hbm4b:s3+s20], $0x1, s21, s20, $0xb8;
	[tilespmem:$0xC000] =	vst v63  }
0xbd: {  	_ = 	snop  }
0xbe: {  	[tilespmem:s24], [sflag:$0x2] =	stream.indirect.gather [hbm4b:s3+s20], $0x1, s23, s20, $0xb8;
	[tilespmem:$0xC000] =	vst v63  }
0xbf: {  	_ =	swait.ge [sflag:s25], $0x1000  }
0xc0: {  	[sflag:s25] =	ssyncset.done $0x0  }
0xc1: {  	[sflag:s25] =	ssyncadd.s32 $0xFFFFF000  }
0xc2: {  	[hbm4b:s9+s2] =	stream.linear.scatter [tilespmem:s22], [sflag:$0x3], $0x1000, $0x38;
	[tilespmem:$0xC000] =	vst v63  }
0xc3: {  	_ =	swait.ge [sflag:s19], $0x1000  }
0xc4: {  	[sflag:s19] =	ssyncset.done $0x0  }
0xc5: {  	[sflag:s19] =	ssyncadd.s32 $0xFFFFF000  }
0xc6: {  	[tilespmem:s22], [sflag:$0x1] =	stream.indirect.gather [hbm4b:s3+s20], $0x1, s26, s20, $0xb8;
	[tilespmem:$0xC000] =	vst v63  }
0xc7: {  	_ =	swait.ge [sflag:s28], $0x1000  }
0xc8: {  	[sflag:s28] =	ssyncset.done $0x0  }
0xc9: {  	s1 =	rddreg [dreg:$0x8];
	[sflag:s28] =	ssyncadd.s32 $0xFFFFF000  }
0xca: {  	[hbm4b:s1+s2] =	stream.linear.scatter [tilespmem:s24], [sflag:$0x3], $0x1000, $0x38;
	[tilespmem:$0xC000] =	vst v63  }
0xcb: {  	_ =	swait.ge [sflag:s19], $0x1000  }
0xcc: {  	[sflag:s19] =	ssyncset.done $0x0  }
0xcd: {  	[sflag:s19] =	ssyncadd.s32 $0xFFFFF000  }
0xce: {  	[tilespmem:s24], [sflag:$0x2] =	stream.indirect.gather [hbm4b:s3+s20], $0x1, s29, s20, $0xb8;
	[tilespmem:$0xC000] =	vst v63  }
0xcf: {  	_ =	swait.ge [sflag:s25], $0x1000  }
0xd0: {  	[sflag:s25] =	ssyncset.done $0x0  }
0xd1: {  	s4 =	rddreg [dreg:$0x9];
	[sflag:s25] =	ssyncadd.s32 $0xFFFFF000  }
0xd2: {  	[hbm4b:s4+s2] =	stream.linear.scatter [tilespmem:s22], [sflag:$0x3], $0x1000, $0x38;
	[tilespmem:$0xC000] =	vst v63  }
0xd3: {  	_ =	swait.ge [sflag:s19], $0x1000  }
0xd4: {  	[sflag:s19] =	ssyncset.done $0x0  }
0xd5: {  	[sflag:s19] =	ssyncadd.s32 $0xFFFFF000  }
0xd6: {  	[tilespmem:s22], [sflag:$0x1] =	stream.indirect.gather [hbm4b:s3+s20], $0x1, s30, s20, $0xb8;
	[tilespmem:$0xC000] =	vst v63  }
0xd7: {  	_ =	swait.ge [sflag:s28], $0x1000  }
0xd8: {  	[sflag:s28] =	ssyncset.done $0x0  }
0xd9: {  	s6 =	rddreg [dreg:$0xa];
	[sflag:s28] =	ssyncadd.s32 $0xFFFFF000  }
0xda: {  	[hbm4b:s6+s2] =	stream.linear.scatter [tilespmem:s24], [sflag:$0x3], $0x1000, $0x38;
	[tilespmem:$0xC000] =	vst v63  }
0xdb: {  	_ =	swait.ge [sflag:s19], $0x1000  }
0xdc: {  	[sflag:s19] =	ssyncset.done $0x0  }
0xdd: {  	[sflag:s19] =	ssyncadd.s32 $0xFFFFF000  }
0xde: {  	_ =	swait.ge [sflag:s25], $0x1000  }
0xdf: {  	[sflag:s25] =	ssyncset.done $0x0  }
0xe0: {  	s7 =	rddreg [dreg:$0xb];
	[sflag:s25] =	ssyncadd.s32 $0xFFFFF000  }
0xe1: {  	[hbm4b:s7+s2] =	stream.linear.scatter [tilespmem:s22], [sflag:$0x3], $0x1000, $0x38;
	[tilespmem:$0xC000] =	vst v63  }
0xe2: {  	_ =	swait.ge [sflag:s19], $0x1000  }
0xe3: {  	[sflag:s19] =	ssyncset.done $0x0  }
0xe4: {  	s0 =	simm.s32 $0x5040;
	[sflag:s19] =	ssyncadd.s32 $0xFFFFF000  }
0xe5: {  	v3 =	vld [tilespmem:s0+$0xFFFFFFC0]  }
0xe6: {  	v4 =	vld [tilespmem:s0+$0xFFFFFFD0]  }
0xe7: {  	v5 =	vld [tilespmem:s0+$0xFFFFFFE0]  }
0xe8: {  	v2 =	vld [tilespmem:s0+$0x0]  }
0xe9: {  	v1 =	vld [tilespmem:s0+$0x10]  }
0xea: {  	v6 =	vadd.s32 $0x80, v3;
	v3 =	vld [tilespmem:s0+$0x20]  }
0xeb: {  	[tilespmem:s0+$0xFFFFFFC0] =	vst v6;
	v6 =	vadd.s32 $0x80, v4;
	v4 =	vld [tilespmem:s0+$0x30]  }
0xec: {  	s1 =	simm.s32 $0x0;
	s4 =	simm.s32 $0x50C0;
	[tilespmem:s0+$0xFFFFFFD0] =	vst v6;
	v6 =	vadd.s32 $0x80, v5;
	v5 =	vld [tilespmem:s0+$0xFFFFFFF0]  }
.LBB2_8:
0xed: {  	v7 =	vld [tilespmem:s4+$0xFFFFFFC0];
	[tilespmem:s0+$0xFFFFFFE0] =	vst v6;
	v2 =	vadd.s32 $0x80, v2  }
0xee: {  	s1 =	sadd.s32 $0x8, s1;
	v6 =	vld [tilespmem:s4+$0xFFFFFFD0];
	[tilespmem:s0+$0x0] =	vst v2;
	v1 =	vadd.s32 $0x80, v1  }
0xef: {  	p0 =	slt.u32 s1, $0x4F8;
	v8 =	vld [tilespmem:s4+$0xFFFFFFE0];
	[tilespmem:s0+$0x10] =	vst v1;
	v1 =	vadd.s32 $0x80, v3  }
.Ltmp3:
0xf0: {  	v2 =	vld [tilespmem:s4+$0x0];
	[tilespmem:s0+$0x20] =	vst v1;
	v3 =	vadd.s32 $0x80, v4;
	(pc) =	sbr.rel @p0 .LBB2_8-.Ltmp3, $4  }
0xf1: {  	v1 =	vld [tilespmem:s4+$0x10];
	v4 =	vadd.s32 $0x80, v5;
	[tilespmem:s0+$0x30] =	vst v3  }
0xf2: {  	v5 =	vadd.s32 $0x80, v7;
	v3 =	vld [tilespmem:s4+$0x20];
	[tilespmem:s0+$0xFFFFFFF0] =	vst v4;
	s0 =	smov.u32 s4  }
0xf3: {  	[tilespmem:s4+$0xFFFFFFC0] =	vst v5;
	v5 =	vadd.s32 $0x80, v6;
	v4 =	vld [tilespmem:s4+$0x30]  }
0xf4: {  	s4 =	sadd.s32 $0x80, s4;
	[tilespmem:s0+$0xFFFFFFD0] =	vst v5;
	v6 =	vadd.s32 $0x80, v8;
	v5 =	vld [tilespmem:s0+$0xFFFFFFF0]  }
0xf5: {  	[tilespmem:s0+$0xFFFFFFE0] =	vst v6;
	v2 =	vadd.s32 $0x80, v2  }
0xf6: {  	[tilespmem:s0+$0x0] =	vst v2;
	v1 =	vadd.s32 $0x80, v1  }
0xf7: {  	[tilespmem:s0+$0x10] =	vst v1;
	v1 =	vadd.s32 $0x80, v3  }
0xf8: {  	[tilespmem:s0+$0x20] =	vst v1;
	v1 =	vadd.s32 $0x80, v4  }
0xf9: {  	v2 =	vadd.s32 $0x80, v5;
	[tilespmem:s0+$0x30] =	vst v1  }
0xfa: {  	[tilespmem:s0+$0xFFFFFFF0] =	vst v2  }
0xfb: {  	[tilespmem:s22], [sflag:$0x1] =	stream.indirect.gather [hbm4b:s3+s20], $0x1, s21, s20, $0xb8;
	[tilespmem:$0xC000] =	vst v63  }
0xfc: {  	_ = 	snop  }
0xfd: {  	[tilespmem:s24], [sflag:$0x2] =	stream.indirect.gather [hbm4b:s3+s20], $0x1, s23, s20, $0xb8;
	[tilespmem:$0xC000] =	vst v63  }
0xfe: {  	_ =	swait.ge [sflag:s25], $0x1000  }
0xff: {  	[sflag:s25] =	ssyncset.done $0x0  }
0x100: {  	s7 =	rddreg [dreg:$0xc];
	[sflag:s25] =	ssyncadd.s32 $0xFFFFF000  }
0x101: {  	[hbm4b:s7+s2] =	stream.linear.scatter [tilespmem:s22], [sflag:$0x3], $0x1000, $0x38;
	[tilespmem:$0xC000] =	vst v63  }
0x102: {  	_ =	swait.ge [sflag:s19], $0x1000  }
0x103: {  	[sflag:s19] =	ssyncset.done $0x0  }
0x104: {  	[sflag:s19] =	ssyncadd.s32 $0xFFFFF000  }
0x105: {  	[tilespmem:s22], [sflag:$0x1] =	stream.indirect.gather [hbm4b:s3+s20], $0x1, s26, s20, $0xb8;
	[tilespmem:$0xC000] =	vst v63  }
0x106: {  	_ =	swait.ge [sflag:s28], $0x1000  }
0x107: {  	[sflag:s28] =	ssyncset.done $0x0  }
0x108: {  	s1 =	rddreg [dreg:$0xd];
	[sflag:s28] =	ssyncadd.s32 $0xFFFFF000  }
0x109: {  	[hbm4b:s1+s2] =	stream.linear.scatter [tilespmem:s24], [sflag:$0x3], $0x1000, $0x38;
	[tilespmem:$0xC000] =	vst v63  }
0x10a: {  	_ =	swait.ge [sflag:s19], $0x1000  }
0x10b: {  	[sflag:s19] =	ssyncset.done $0x0  }
0x10c: {  	[sflag:s19] =	ssyncadd.s32 $0xFFFFF000  }
0x10d: {  	[tilespmem:s24], [sflag:$0x2] =	stream.indirect.gather [hbm4b:s3+s20], $0x1, s29, s20, $0xb8;
	[tilespmem:$0xC000] =	vst v63  }
0x10e: {  	_ =	swait.ge [sflag:s25], $0x1000  }
0x10f: {  	[sflag:s25] =	ssyncset.done $0x0  }
0x110: {  	s4 =	rddreg [dreg:$0xe];
	[sflag:s25] =	ssyncadd.s32 $0xFFFFF000  }
0x111: {  	[hbm4b:s4+s2] =	stream.linear.scatter [tilespmem:s22], [sflag:$0x3], $0x1000, $0x38;
	[tilespmem:$0xC000] =	vst v63  }
0x112: {  	_ =	swait.ge [sflag:s19], $0x1000  }
0x113: {  	[sflag:s19] =	ssyncset.done $0x0  }
0x114: {  	[sflag:s19] =	ssyncadd.s32 $0xFFFFF000  }
0x115: {  	[tilespmem:s22], [sflag:$0x1] =	stream.indirect.gather [hbm4b:s3+s20], $0x1, s30, s20, $0xb8;
	[tilespmem:$0xC000] =	vst v63  }
0x116: {  	_ =	swait.ge [sflag:s28], $0x1000  }
0x117: {  	[sflag:s28] =	ssyncset.done $0x0  }
0x118: {  	s6 =	rddreg [dreg:$0xf];
	[sflag:s28] =	ssyncadd.s32 $0xFFFFF000  }
0x119: {  	[hbm4b:s6+s2] =	stream.linear.scatter [tilespmem:s24], [sflag:$0x3], $0x1000, $0x38;
	[tilespmem:$0xC000] =	vst v63  }
0x11a: {  	_ =	swait.ge [sflag:s19], $0x1000  }
0x11b: {  	[sflag:s19] =	ssyncset.done $0x0  }
0x11c: {  	[sflag:s19] =	ssyncadd.s32 $0xFFFFF000  }
0x11d: {  	_ =	swait.ge [sflag:s25], $0x1000  }
0x11e: {  	[sflag:s25] =	ssyncset.done $0x0  }
0x11f: {  	s7 =	rddreg [dreg:$0x10];
	[sflag:s25] =	ssyncadd.s32 $0xFFFFF000  }
0x120: {  	[hbm4b:s7+s2] =	stream.linear.scatter [tilespmem:s22], [sflag:$0x3], $0x1000, $0x38;
	[tilespmem:$0xC000] =	vst v63  }
0x121: {  	_ =	swait.ge [sflag:s19], $0x1000  }
0x122: {  	[sflag:s19] =	ssyncset.done $0x0  }
0x123: {  	s0 =	simm.s32 $0x5040;
	[sflag:s19] =	ssyncadd.s32 $0xFFFFF000  }
0x124: {  	v3 =	vld [tilespmem:s0+$0xFFFFFFC0]  }
0x125: {  	v4 =	vld [tilespmem:s0+$0xFFFFFFD0]  }
0x126: {  	v5 =	vld [tilespmem:s0+$0xFFFFFFE0]  }
0x127: {  	v2 =	vld [tilespmem:s0+$0x0]  }
0x128: {  	v1 =	vld [tilespmem:s0+$0x10]  }
0x129: {  	v6 =	vadd.s32 $0x80, v3;
	v3 =	vld [tilespmem:s0+$0x20]  }
0x12a: {  	[tilespmem:s0+$0xFFFFFFC0] =	vst v6;
	v6 =	vadd.s32 $0x80, v4;
	v4 =	vld [tilespmem:s0+$0x30]  }
0x12b: {  	s1 =	simm.s32 $0x0;
	s4 =	simm.s32 $0x50C0;
	[tilespmem:s0+$0xFFFFFFD0] =	vst v6;
	v6 =	vadd.s32 $0x80, v5;
	v5 =	vld [tilespmem:s0+$0xFFFFFFF0]  }
.LBB2_10:
0x12c: {  	v7 =	vld [tilespmem:s4+$0xFFFFFFC0];
	[tilespmem:s0+$0xFFFFFFE0] =	vst v6;
	v2 =	vadd.s32 $0x80, v2  }
0x12d: {  	s1 =	sadd.s32 $0x8, s1;
	v6 =	vld [tilespmem:s4+$0xFFFFFFD0];
	[tilespmem:s0+$0x0] =	vst v2;
	v1 =	vadd.s32 $0x80, v1  }
0x12e: {  	p0 =	slt.u32 s1, $0x4F8;
	v8 =	vld [tilespmem:s4+$0xFFFFFFE0];
	[tilespmem:s0+$0x10] =	vst v1;
	v1 =	vadd.s32 $0x80, v3  }
.Ltmp4:
0x12f: {  	v2 =	vld [tilespmem:s4+$0x0];
	[tilespmem:s0+$0x20] =	vst v1;
	v3 =	vadd.s32 $0x80, v4;
	(pc) =	sbr.rel @p0 .LBB2_10-.Ltmp4, $4  }
0x130: {  	v1 =	vld [tilespmem:s4+$0x10];
	v4 =	vadd.s32 $0x80, v5;
	[tilespmem:s0+$0x30] =	vst v3  }
0x131: {  	v5 =	vadd.s32 $0x80, v7;
	v3 =	vld [tilespmem:s4+$0x20];
	[tilespmem:s0+$0xFFFFFFF0] =	vst v4;
	s0 =	smov.u32 s4  }
0x132: {  	[tilespmem:s4+$0xFFFFFFC0] =	vst v5;
	v5 =	vadd.s32 $0x80, v6;
	v4 =	vld [tilespmem:s4+$0x30]  }
0x133: {  	s4 =	sadd.s32 $0x80, s4;
	[tilespmem:s0+$0xFFFFFFD0] =	vst v5;
	v6 =	vadd.s32 $0x80, v8;
	v5 =	vld [tilespmem:s0+$0xFFFFFFF0]  }
0x134: {  	[tilespmem:s0+$0xFFFFFFE0] =	vst v6;
	v2 =	vadd.s32 $0x80, v2  }
0x135: {  	[tilespmem:s0+$0x0] =	vst v2;
	v1 =	vadd.s32 $0x80, v1  }
0x136: {  	[tilespmem:s0+$0x10] =	vst v1;
	v1 =	vadd.s32 $0x80, v3  }
0x137: {  	[tilespmem:s0+$0x20] =	vst v1;
	v1 =	vadd.s32 $0x80, v4  }
0x138: {  	v2 =	vadd.s32 $0x80, v5;
	[tilespmem:s0+$0x30] =	vst v1  }
0x139: {  	[tilespmem:s0+$0xFFFFFFF0] =	vst v2  }
0x13a: {  	[tilespmem:s22], [sflag:$0x1] =	stream.indirect.gather [hbm4b:s3+s20], $0x1, s21, s20, $0xb8;
	[tilespmem:$0xC000] =	vst v63  }
0x13b: {  	_ = 	snop  }
0x13c: {  	[tilespmem:s24], [sflag:$0x2] =	stream.indirect.gather [hbm4b:s3+s20], $0x1, s23, s20, $0xb8;
	[tilespmem:$0xC000] =	vst v63  }
0x13d: {  	_ =	swait.ge [sflag:s25], $0x1000  }
0x13e: {  	[sflag:s25] =	ssyncset.done $0x0  }
0x13f: {  	s7 =	rddreg [dreg:$0x11];
	[sflag:s25] =	ssyncadd.s32 $0xFFFFF000  }
0x140: {  	[hbm4b:s7+s2] =	stream.linear.scatter [tilespmem:s22], [sflag:$0x3], $0x1000, $0x38;
	[tilespmem:$0xC000] =	vst v63  }
0x141: {  	_ =	swait.ge [sflag:s19], $0x1000  }
0x142: {  	[sflag:s19] =	ssyncset.done $0x0  }
0x143: {  	[sflag:s19] =	ssyncadd.s32 $0xFFFFF000  }
0x144: {  	[tilespmem:s22], [sflag:$0x1] =	stream.indirect.gather [hbm4b:s3+s20], $0x1, s26, s20, $0xb8;
	[tilespmem:$0xC000] =	vst v63  }
0x145: {  	_ =	swait.ge [sflag:s28], $0x1000  }
0x146: {  	[sflag:s28] =	ssyncset.done $0x0  }
0x147: {  	s1 =	rddreg [dreg:$0x12];
	[sflag:s28] =	ssyncadd.s32 $0xFFFFF000  }
0x148: {  	[hbm4b:s1+s2] =	stream.linear.scatter [tilespmem:s24], [sflag:$0x3], $0x1000, $0x38;
	[tilespmem:$0xC000] =	vst v63  }
0x149: {  	_ =	swait.ge [sflag:s19], $0x1000  }
0x14a: {  	[sflag:s19] =	ssyncset.done $0x0  }
0x14b: {  	[sflag:s19] =	ssyncadd.s32 $0xFFFFF000  }
0x14c: {  	[tilespmem:s24], [sflag:$0x2] =	stream.indirect.gather [hbm4b:s3+s20], $0x1, s29, s20, $0xb8;
	[tilespmem:$0xC000] =	vst v63  }
0x14d: {  	_ =	swait.ge [sflag:s25], $0x1000  }
0x14e: {  	[sflag:s25] =	ssyncset.done $0x0  }
0x14f: {  	s4 =	rddreg [dreg:$0x13];
	[sflag:s25] =	ssyncadd.s32 $0xFFFFF000  }
0x150: {  	[hbm4b:s4+s2] =	stream.linear.scatter [tilespmem:s22], [sflag:$0x3], $0x1000, $0x38;
	[tilespmem:$0xC000] =	vst v63  }
0x151: {  	_ =	swait.ge [sflag:s19], $0x1000  }
0x152: {  	[sflag:s19] =	ssyncset.done $0x0  }
0x153: {  	[sflag:s19] =	ssyncadd.s32 $0xFFFFF000  }
0x154: {  	[tilespmem:s22], [sflag:$0x1] =	stream.indirect.gather [hbm4b:s3+s20], $0x1, s30, s20, $0xb8;
	[tilespmem:$0xC000] =	vst v63  }
0x155: {  	_ =	swait.ge [sflag:s28], $0x1000  }
0x156: {  	[sflag:s28] =	ssyncset.done $0x0  }
0x157: {  	s6 =	rddreg [dreg:$0x14];
	[sflag:s28] =	ssyncadd.s32 $0xFFFFF000  }
0x158: {  	[hbm4b:s6+s2] =	stream.linear.scatter [tilespmem:s24], [sflag:$0x3], $0x1000, $0x38;
	[tilespmem:$0xC000] =	vst v63  }
0x159: {  	_ =	swait.ge [sflag:s19], $0x1000  }
0x15a: {  	[sflag:s19] =	ssyncset.done $0x0  }
0x15b: {  	[sflag:s19] =	ssyncadd.s32 $0xFFFFF000  }
0x15c: {  	_ =	swait.ge [sflag:s25], $0x1000  }
0x15d: {  	[sflag:s25] =	ssyncset.done $0x0  }
0x15e: {  	s7 =	rddreg [dreg:$0x16];
	[sflag:s25] =	ssyncadd.s32 $0xFFFFF000  }
0x15f: {  	[hbm4b:s7+s2] =	stream.linear.scatter [tilespmem:s22], [sflag:$0x3], $0x1000, $0x38;
	[tilespmem:$0xC000] =	vst v63  }
0x160: {  	_ =	swait.ge [sflag:s19], $0x1000  }
0x161: {  	[sflag:s19] =	ssyncset.done $0x0  }
0x162: {  	s0 =	simm.s32 $0x5040;
	[sflag:s19] =	ssyncadd.s32 $0xFFFFF000  }
0x163: {  	v3 =	vld [tilespmem:s0+$0xFFFFFFC0]  }
0x164: {  	v4 =	vld [tilespmem:s0+$0xFFFFFFD0]  }
0x165: {  	v5 =	vld [tilespmem:s0+$0xFFFFFFE0]  }
0x166: {  	v2 =	vld [tilespmem:s0+$0x0]  }
0x167: {  	v1 =	vld [tilespmem:s0+$0x10]  }
0x168: {  	v6 =	vadd.s32 $0x80, v3;
	v3 =	vld [tilespmem:s0+$0x20]  }
0x169: {  	[tilespmem:s0+$0xFFFFFFC0] =	vst v6;
	v6 =	vadd.s32 $0x80, v4;
	v4 =	vld [tilespmem:s0+$0x30]  }
0x16a: {  	s1 =	simm.s32 $0x0;
	s4 =	simm.s32 $0x50C0;
	[tilespmem:s0+$0xFFFFFFD0] =	vst v6;
	v6 =	vadd.s32 $0x80, v5;
	v5 =	vld [tilespmem:s0+$0xFFFFFFF0]  }
.LBB2_12:
0x16b: {  	v7 =	vld [tilespmem:s4+$0xFFFFFFC0];
	[tilespmem:s0+$0xFFFFFFE0] =	vst v6;
	v2 =	vadd.s32 $0x80, v2  }
0x16c: {  	s1 =	sadd.s32 $0x8, s1;
	v6 =	vld [tilespmem:s4+$0xFFFFFFD0];
	[tilespmem:s0+$0x0] =	vst v2;
	v1 =	vadd.s32 $0x80, v1  }
0x16d: {  	p0 =	slt.u32 s1, $0x4F8;
	v8 =	vld [tilespmem:s4+$0xFFFFFFE0];
	[tilespmem:s0+$0x10] =	vst v1;
	v1 =	vadd.s32 $0x80, v3  }
.Ltmp5:
0x16e: {  	v2 =	vld [tilespmem:s4+$0x0];
	[tilespmem:s0+$0x20] =	vst v1;
	v3 =	vadd.s32 $0x80, v4;
	(pc) =	sbr.rel @p0 .LBB2_12-.Ltmp5, $4  }
0x16f: {  	v1 =	vld [tilespmem:s4+$0x10];
	v4 =	vadd.s32 $0x80, v5;
	[tilespmem:s0+$0x30] =	vst v3  }
0x170: {  	v5 =	vadd.s32 $0x80, v7;
	v3 =	vld [tilespmem:s4+$0x20];
	[tilespmem:s0+$0xFFFFFFF0] =	vst v4;
	s0 =	smov.u32 s4  }
0x171: {  	[tilespmem:s4+$0xFFFFFFC0] =	vst v5;
	v5 =	vadd.s32 $0x80, v6;
	v4 =	vld [tilespmem:s4+$0x30]  }
0x172: {  	s4 =	sadd.s32 $0x80, s4;
	[tilespmem:s0+$0xFFFFFFD0] =	vst v5;
	v6 =	vadd.s32 $0x80, v8;
	v5 =	vld [tilespmem:s0+$0xFFFFFFF0]  }
0x173: {  	[tilespmem:s0+$0xFFFFFFE0] =	vst v6;
	v2 =	vadd.s32 $0x80, v2  }
0x174: {  	[tilespmem:s0+$0x0] =	vst v2;
	v1 =	vadd.s32 $0x80, v1  }
0x175: {  	[tilespmem:s0+$0x10] =	vst v1;
	v1 =	vadd.s32 $0x80, v3  }
0x176: {  	[tilespmem:s0+$0x20] =	vst v1;
	v1 =	vadd.s32 $0x80, v4  }
0x177: {  	v2 =	vadd.s32 $0x80, v5;
	[tilespmem:s0+$0x30] =	vst v1  }
0x178: {  	[tilespmem:s0+$0xFFFFFFF0] =	vst v2  }
0x179: {  	[tilespmem:s22], [sflag:$0x1] =	stream.indirect.gather [hbm4b:s3+s20], $0x1, s21, s20, $0xb8;
	[tilespmem:$0xC000] =	vst v63  }
0x17a: {  	_ = 	snop  }
0x17b: {  	[tilespmem:s24], [sflag:$0x2] =	stream.indirect.gather [hbm4b:s3+s20], $0x1, s23, s20, $0xb8;
	[tilespmem:$0xC000] =	vst v63  }
0x17c: {  	_ =	swait.ge [sflag:s25], $0x1000  }
0x17d: {  	[sflag:s25] =	ssyncset.done $0x0  }
0x17e: {  	s7 =	rddreg [dreg:$0x17];
	[sflag:s25] =	ssyncadd.s32 $0xFFFFF000  }
0x17f: {  	[hbm4b:s7+s2] =	stream.linear.scatter [tilespmem:s22], [sflag:$0x3], $0x1000, $0x38;
	[tilespmem:$0xC000] =	vst v63  }
0x180: {  	_ =	swait.ge [sflag:s19], $0x1000  }
0x181: {  	[sflag:s19] =	ssyncset.done $0x0  }
0x182: {  	[sflag:s19] =	ssyncadd.s32 $0xFFFFF000  }
0x183: {  	[tilespmem:s22], [sflag:$0x1] =	stream.indirect.gather [hbm4b:s3+s20], $0x1, s26, s20, $0xb8;
	[tilespmem:$0xC000] =	vst v63  }
0x184: {  	_ =	swait.ge [sflag:s28], $0x1000  }
0x185: {  	[sflag:s28] =	ssyncset.done $0x0  }
0x186: {  	s1 =	rddreg [dreg:$0x18];
	[sflag:s28] =	ssyncadd.s32 $0xFFFFF000  }
0x187: {  	[hbm4b:s1+s2] =	stream.linear.scatter [tilespmem:s24], [sflag:$0x3], $0x1000, $0x38;
	[tilespmem:$0xC000] =	vst v63  }
0x188: {  	_ =	swait.ge [sflag:s19], $0x1000  }
0x189: {  	[sflag:s19] =	ssyncset.done $0x0  }
0x18a: {  	[sflag:s19] =	ssyncadd.s32 $0xFFFFF000  }
0x18b: {  	[tilespmem:s24], [sflag:$0x2] =	stream.indirect.gather [hbm4b:s3+s20], $0x1, s29, s20, $0xb8;
	[tilespmem:$0xC000] =	vst v63  }
0x18c: {  	_ =	swait.ge [sflag:s25], $0x1000  }
0x18d: {  	[sflag:s25] =	ssyncset.done $0x0  }
0x18e: {  	s4 =	rddreg [dreg:$0x19];
	[sflag:s25] =	ssyncadd.s32 $0xFFFFF000  }
0x18f: {  	[hbm4b:s4+s2] =	stream.linear.scatter [tilespmem:s22], [sflag:$0x3], $0x1000, $0x38;
	[tilespmem:$0xC000] =	vst v63  }
0x190: {  	_ =	swait.ge [sflag:s19], $0x1000  }
0x191: {  	[sflag:s19] =	ssyncset.done $0x0  }
0x192: {  	[sflag:s19] =	ssyncadd.s32 $0xFFFFF000  }
0x193: {  	[tilespmem:s22], [sflag:$0x1] =	stream.indirect.gather [hbm4b:s3+s20], $0x1, s30, s20, $0xb8;
	[tilespmem:$0xC000] =	vst v63  }
0x194: {  	_ =	swait.ge [sflag:s28], $0x1000  }
0x195: {  	[sflag:s28] =	ssyncset.done $0x0  }
0x196: {  	s6 =	rddreg [dreg:$0x1a];
	[sflag:s28] =	ssyncadd.s32 $0xFFFFF000  }
0x197: {  	[hbm4b:s6+s2] =	stream.linear.scatter [tilespmem:s24], [sflag:$0x3], $0x1000, $0x38;
	[tilespmem:$0xC000] =	vst v63  }
0x198: {  	_ =	swait.ge [sflag:s19], $0x1000  }
0x199: {  	[sflag:s19] =	ssyncset.done $0x0  }
0x19a: {  	[sflag:s19] =	ssyncadd.s32 $0xFFFFF000  }
0x19b: {  	_ =	swait.ge [sflag:s25], $0x1000  }
0x19c: {  	[sflag:s25] =	ssyncset.done $0x0  }
0x19d: {  	s7 =	rddreg [dreg:$0x1b];
	[sflag:s25] =	ssyncadd.s32 $0xFFFFF000  }
0x19e: {  	[hbm4b:s7+s2] =	stream.linear.scatter [tilespmem:s22], [sflag:$0x3], $0x1000, $0x38;
	[tilespmem:$0xC000] =	vst v63  }
0x19f: {  	_ =	swait.ge [sflag:s19], $0x1000  }
0x1a0: {  	[sflag:s19] =	ssyncset.done $0x0  }
0x1a1: {  	s0 =	simm.s32 $0x5040;
	[sflag:s19] =	ssyncadd.s32 $0xFFFFF000  }
0x1a2: {  	v3 =	vld [tilespmem:s0+$0xFFFFFFC0]  }
0x1a3: {  	v4 =	vld [tilespmem:s0+$0xFFFFFFD0]  }
0x1a4: {  	v5 =	vld [tilespmem:s0+$0xFFFFFFE0]  }
0x1a5: {  	v2 =	vld [tilespmem:s0+$0x0]  }
0x1a6: {  	v1 =	vld [tilespmem:s0+$0x10]  }
0x1a7: {  	v6 =	vadd.s32 $0x80, v3;
	v3 =	vld [tilespmem:s0+$0x20]  }
0x1a8: {  	[tilespmem:s0+$0xFFFFFFC0] =	vst v6;
	v6 =	vadd.s32 $0x80, v4;
	v4 =	vld [tilespmem:s0+$0x30]  }
0x1a9: {  	s1 =	simm.s32 $0x0;
	s4 =	simm.s32 $0x50C0;
	[tilespmem:s0+$0xFFFFFFD0] =	vst v6;
	v6 =	vadd.s32 $0x80, v5;
	v5 =	vld [tilespmem:s0+$0xFFFFFFF0]  }
.LBB2_14:
0x1aa: {  	v7 =	vld [tilespmem:s4+$0xFFFFFFC0];
	[tilespmem:s0+$0xFFFFFFE0] =	vst v6;
	v2 =	vadd.s32 $0x80, v2  }
0x1ab: {  	s1 =	sadd.s32 $0x8, s1;
	v6 =	vld [tilespmem:s4+$0xFFFFFFD0];
	[tilespmem:s0+$0x0] =	vst v2;
	v1 =	vadd.s32 $0x80, v1  }
0x1ac: {  	p0 =	slt.u32 s1, $0x4F8;
	v8 =	vld [tilespmem:s4+$0xFFFFFFE0];
	[tilespmem:s0+$0x10] =	vst v1;
	v1 =	vadd.s32 $0x80, v3  }
.Ltmp6:
0x1ad: {  	v2 =	vld [tilespmem:s4+$0x0];
	[tilespmem:s0+$0x20] =	vst v1;
	v3 =	vadd.s32 $0x80, v4;
	(pc) =	sbr.rel @p0 .LBB2_14-.Ltmp6, $4  }
0x1ae: {  	v1 =	vld [tilespmem:s4+$0x10];
	v4 =	vadd.s32 $0x80, v5;
	[tilespmem:s0+$0x30] =	vst v3  }
0x1af: {  	v5 =	vadd.s32 $0x80, v7;
	v3 =	vld [tilespmem:s4+$0x20];
	[tilespmem:s0+$0xFFFFFFF0] =	vst v4;
	s0 =	smov.u32 s4  }
0x1b0: {  	[tilespmem:s4+$0xFFFFFFC0] =	vst v5;
	v5 =	vadd.s32 $0x80, v6;
	v4 =	vld [tilespmem:s4+$0x30]  }
0x1b1: {  	s4 =	sadd.s32 $0x80, s4;
	[tilespmem:s0+$0xFFFFFFD0] =	vst v5;
	v6 =	vadd.s32 $0x80, v8;
	v5 =	vld [tilespmem:s0+$0xFFFFFFF0]  }
0x1b2: {  	[tilespmem:s0+$0xFFFFFFE0] =	vst v6;
	v2 =	vadd.s32 $0x80, v2  }
0x1b3: {  	[tilespmem:s0+$0x0] =	vst v2;
	v1 =	vadd.s32 $0x80, v1  }
0x1b4: {  	[tilespmem:s0+$0x10] =	vst v1;
	v1 =	vadd.s32 $0x80, v3  }
0x1b5: {  	[tilespmem:s0+$0x20] =	vst v1;
	v1 =	vadd.s32 $0x80, v4  }
0x1b6: {  	v2 =	vadd.s32 $0x80, v5;
	[tilespmem:s0+$0x30] =	vst v1  }
0x1b7: {  	[tilespmem:s0+$0xFFFFFFF0] =	vst v2  }
0x1b8: {  	[tilespmem:s22], [sflag:$0x1] =	stream.indirect.gather [hbm4b:s3+s20], $0x1, s21, s20, $0xb8;
	[tilespmem:$0xC000] =	vst v63  }
0x1b9: {  	_ = 	snop  }
0x1ba: {  	[tilespmem:s24], [sflag:$0x2] =	stream.indirect.gather [hbm4b:s3+s20], $0x1, s23, s20, $0xb8;
	[tilespmem:$0xC000] =	vst v63  }
0x1bb: {  	_ =	swait.ge [sflag:s25], $0x1000  }
0x1bc: {  	[sflag:s25] =	ssyncset.done $0x0  }
0x1bd: {  	s7 =	rddreg [dreg:$0x1c];
	[sflag:s25] =	ssyncadd.s32 $0xFFFFF000  }
0x1be: {  	[hbm4b:s7+s2] =	stream.linear.scatter [tilespmem:s22], [sflag:$0x3], $0x1000, $0x38;
	[tilespmem:$0xC000] =	vst v63  }
0x1bf: {  	_ =	swait.ge [sflag:s19], $0x1000  }
0x1c0: {  	[sflag:s19] =	ssyncset.done $0x0  }
0x1c1: {  	[sflag:s19] =	ssyncadd.s32 $0xFFFFF000  }
0x1c2: {  	[tilespmem:s22], [sflag:$0x1] =	stream.indirect.gather [hbm4b:s3+s20], $0x1, s26, s20, $0xb8;
	[tilespmem:$0xC000] =	vst v63  }
0x1c3: {  	_ =	swait.ge [sflag:s28], $0x1000  }
0x1c4: {  	[sflag:s28] =	ssyncset.done $0x0  }
0x1c5: {  	s1 =	rddreg [dreg:$0x1d];
	[sflag:s28] =	ssyncadd.s32 $0xFFFFF000  }
0x1c6: {  	[hbm4b:s1+s2] =	stream.linear.scatter [tilespmem:s24], [sflag:$0x3], $0x1000, $0x38;
	[tilespmem:$0xC000] =	vst v63  }
0x1c7: {  	_ =	swait.ge [sflag:s19], $0x1000  }
0x1c8: {  	[sflag:s19] =	ssyncset.done $0x0  }
0x1c9: {  	[sflag:s19] =	ssyncadd.s32 $0xFFFFF000  }
0x1ca: {  	[tilespmem:s24], [sflag:$0x2] =	stream.indirect.gather [hbm4b:s3+s20], $0x1, s29, s20, $0xb8;
	[tilespmem:$0xC000] =	vst v63  }
0x1cb: {  	_ =	swait.ge [sflag:s25], $0x1000  }
0x1cc: {  	[sflag:s25] =	ssyncset.done $0x0  }
0x1cd: {  	s4 =	rddreg [dreg:$0x1e];
	[sflag:s25] =	ssyncadd.s32 $0xFFFFF000  }
0x1ce: {  	[hbm4b:s4+s2] =	stream.linear.scatter [tilespmem:s22], [sflag:$0x3], $0x1000, $0x38;
	[tilespmem:$0xC000] =	vst v63  }
0x1cf: {  	_ =	swait.ge [sflag:s19], $0x1000  }
0x1d0: {  	[sflag:s19] =	ssyncset.done $0x0  }
0x1d1: {  	[sflag:s19] =	ssyncadd.s32 $0xFFFFF000  }
0x1d2: {  	[tilespmem:s22], [sflag:$0x1] =	stream.indirect.gather [hbm4b:s3+s20], $0x1, s30, s20, $0xb8;
	[tilespmem:$0xC000] =	vst v63  }
0x1d3: {  	_ =	swait.ge [sflag:s28], $0x1000  }
0x1d4: {  	[sflag:s28] =	ssyncset.done $0x0  }
0x1d5: {  	s6 =	rddreg [dreg:$0x1f];
	[sflag:s28] =	ssyncadd.s32 $0xFFFFF000  }
0x1d6: {  	[hbm4b:s6+s2] =	stream.linear.scatter [tilespmem:s24], [sflag:$0x3], $0x1000, $0x38;
	[tilespmem:$0xC000] =	vst v63  }
0x1d7: {  	_ =	swait.ge [sflag:s19], $0x1000  }
0x1d8: {  	[sflag:s19] =	ssyncset.done $0x0  }
0x1d9: {  	[sflag:s19] =	ssyncadd.s32 $0xFFFFF000  }
0x1da: {  	_ =	swait.ge [sflag:s25], $0x1000  }
0x1db: {  	s7 =	sld [smem:$0x7FD]  }
0x1dc: {  	[sflag:s25] =	ssyncset.done $0x0  }
0x1dd: {  	[sflag:s25] =	ssyncadd.s32 $0xFFFFF000  }
0x1de: {  	[hbm4b:s7+s2] =	stream.linear.scatter [tilespmem:s22], [sflag:$0x3], $0x1000, $0x38;
	[tilespmem:$0xC000] =	vst v63  }
0x1df: {  	_ =	swait.ge [sflag:s19], $0x1000  }
0x1e0: {  	[sflag:s19] =	ssyncset.done $0x0  }
0x1e1: {  	s0 =	simm.s32 $0x5040;
	[sflag:s19] =	ssyncadd.s32 $0xFFFFF000  }
0x1e2: {  	v3 =	vld [tilespmem:s0+$0xFFFFFFC0]  }
0x1e3: {  	v4 =	vld [tilespmem:s0+$0xFFFFFFD0]  }
0x1e4: {  	v5 =	vld [tilespmem:s0+$0xFFFFFFE0]  }
0x1e5: {  	v2 =	vld [tilespmem:s0+$0x0]  }
0x1e6: {  	v1 =	vld [tilespmem:s0+$0x10]  }
0x1e7: {  	v6 =	vadd.s32 $0x80, v3;
	v3 =	vld [tilespmem:s0+$0x20]  }
0x1e8: {  	[tilespmem:s0+$0xFFFFFFC0] =	vst v6;
	v6 =	vadd.s32 $0x80, v4;
	v4 =	vld [tilespmem:s0+$0x30]  }
0x1e9: {  	s1 =	simm.s32 $0x0;
	s4 =	simm.s32 $0x50C0;
	[tilespmem:s0+$0xFFFFFFD0] =	vst v6;
	v6 =	vadd.s32 $0x80, v5;
	v5 =	vld [tilespmem:s0+$0xFFFFFFF0]  }
.LBB2_16:
0x1ea: {  	v7 =	vld [tilespmem:s4+$0xFFFFFFC0];
	[tilespmem:s0+$0xFFFFFFE0] =	vst v6;
	v2 =	vadd.s32 $0x80, v2  }
0x1eb: {  	s1 =	sadd.s32 $0x8, s1;
	v6 =	vld [tilespmem:s4+$0xFFFFFFD0];
	[tilespmem:s0+$0x0] =	vst v2;
	v1 =	vadd.s32 $0x80, v1  }
0x1ec: {  	p0 =	slt.u32 s1, $0x4F8;
	v8 =	vld [tilespmem:s4+$0xFFFFFFE0];
	[tilespmem:s0+$0x10] =	vst v1;
	v1 =	vadd.s32 $0x80, v3  }
.Ltmp7:
0x1ed: {  	v2 =	vld [tilespmem:s4+$0x0];
	[tilespmem:s0+$0x20] =	vst v1;
	v3 =	vadd.s32 $0x80, v4;
	(pc) =	sbr.rel @p0 .LBB2_16-.Ltmp7, $4  }
0x1ee: {  	v1 =	vld [tilespmem:s4+$0x10];
	v4 =	vadd.s32 $0x80, v5;
	[tilespmem:s0+$0x30] =	vst v3  }
0x1ef: {  	v5 =	vadd.s32 $0x80, v7;
	v3 =	vld [tilespmem:s4+$0x20];
	[tilespmem:s0+$0xFFFFFFF0] =	vst v4;
	s0 =	smov.u32 s4  }
0x1f0: {  	[tilespmem:s4+$0xFFFFFFC0] =	vst v5;
	v5 =	vadd.s32 $0x80, v6;
	v4 =	vld [tilespmem:s4+$0x30]  }
0x1f1: {  	s4 =	sadd.s32 $0x80, s4;
	[tilespmem:s0+$0xFFFFFFD0] =	vst v5;
	v6 =	vadd.s32 $0x80, v8;
	v5 =	vld [tilespmem:s0+$0xFFFFFFF0]  }
0x1f2: {  	[tilespmem:s0+$0xFFFFFFE0] =	vst v6;
	v2 =	vadd.s32 $0x80, v2  }
0x1f3: {  	[tilespmem:s0+$0x0] =	vst v2;
	v1 =	vadd.s32 $0x80, v1  }
0x1f4: {  	[tilespmem:s0+$0x10] =	vst v1;
	v1 =	vadd.s32 $0x80, v3  }
0x1f5: {  	[tilespmem:s0+$0x20] =	vst v1;
	v1 =	vadd.s32 $0x80, v4  }
0x1f6: {  	v2 =	vadd.s32 $0x80, v5;
	[tilespmem:s0+$0x30] =	vst v1  }
0x1f7: {  	[tilespmem:s0+$0xFFFFFFF0] =	vst v2  }
0x1f8: {  	[tilespmem:s22], [sflag:$0x1] =	stream.indirect.gather [hbm4b:s3+s20], $0x1, s21, s20, $0xb8;
	[tilespmem:$0xC000] =	vst v63  }
0x1f9: {  	_ = 	snop  }
0x1fa: {  	[tilespmem:s24], [sflag:$0x2] =	stream.indirect.gather [hbm4b:s3+s20], $0x1, s23, s20, $0xb8;
	[tilespmem:$0xC000] =	vst v63  }
0x1fb: {  	_ =	swait.ge [sflag:s25], $0x1000  }
0x1fc: {  	[sflag:s25] =	ssyncset.done $0x0  }
0x1fd: {  	[sflag:s25] =	ssyncadd.s32 $0xFFFFF000  }
0x1fe: {  	[hbm4b:s8+s2] =	stream.linear.scatter [tilespmem:s22], [sflag:$0x3], $0x1000, $0x38;
	[tilespmem:$0xC000] =	vst v63  }
0x1ff: {  	_ =	swait.ge [sflag:s19], $0x1000  }
0x200: {  	[sflag:s19] =	ssyncset.done $0x0  }
0x201: {  	[sflag:s19] =	ssyncadd.s32 $0xFFFFF000  }
0x202: {  	[tilespmem:s22], [sflag:$0x1] =	stream.indirect.gather [hbm4b:s3+s20], $0x1, s26, s20, $0xb8;
	[tilespmem:$0xC000] =	vst v63  }
0x203: {  	_ =	swait.ge [sflag:s28], $0x1000  }
0x204: {  	[sflag:s28] =	ssyncset.done $0x0  }
0x205: {  	[sflag:s28] =	ssyncadd.s32 $0xFFFFF000  }
0x206: {  	[hbm4b:s10+s2] =	stream.linear.scatter [tilespmem:s24], [sflag:$0x3], $0x1000, $0x38;
	[tilespmem:$0xC000] =	vst v63  }
0x207: {  	_ =	swait.ge [sflag:s19], $0x1000  }
0x208: {  	[sflag:s19] =	ssyncset.done $0x0  }
0x209: {  	[sflag:s19] =	ssyncadd.s32 $0xFFFFF000  }
0x20a: {  	[tilespmem:s24], [sflag:$0x2] =	stream.indirect.gather [hbm4b:s3+s20], $0x1, s29, s20, $0xb8;
	[tilespmem:$0xC000] =	vst v63  }
0x20b: {  	_ =	swait.ge [sflag:s25], $0x1000  }
0x20c: {  	[sflag:s25] =	ssyncset.done $0x0  }
0x20d: {  	[sflag:s25] =	ssyncadd.s32 $0xFFFFF000  }
0x20e: {  	[hbm4b:s11+s2] =	stream.linear.scatter [tilespmem:s22], [sflag:$0x3], $0x1000, $0x38;
	[tilespmem:$0xC000] =	vst v63  }
0x20f: {  	_ =	swait.ge [sflag:s19], $0x1000  }
0x210: {  	[sflag:s19] =	ssyncset.done $0x0  }
0x211: {  	[sflag:s19] =	ssyncadd.s32 $0xFFFFF000  }
0x212: {  	[tilespmem:s22], [sflag:$0x1] =	stream.indirect.gather [hbm4b:s3+s20], $0x1, s30, s20, $0xb8;
	[tilespmem:$0xC000] =	vst v63  }
0x213: {  	_ =	swait.ge [sflag:s28], $0x1000  }
0x214: {  	[sflag:s28] =	ssyncset.done $0x0  }
0x215: {  	[sflag:s28] =	ssyncadd.s32 $0xFFFFF000  }
0x216: {  	[hbm4b:s12+s2] =	stream.linear.scatter [tilespmem:s24], [sflag:$0x3], $0x1000, $0x38;
	[tilespmem:$0xC000] =	vst v63  }
0x217: {  	_ =	swait.ge [sflag:s19], $0x1000  }
0x218: {  	[sflag:s19] =	ssyncset.done $0x0  }
0x219: {  	[sflag:s19] =	ssyncadd.s32 $0xFFFFF000  }
0x21a: {  	_ =	swait.ge [sflag:s25], $0x1000  }
0x21b: {  	[sflag:s25] =	ssyncset.done $0x0  }
0x21c: {  	[sflag:s25] =	ssyncadd.s32 $0xFFFFF000  }
0x21d: {  	[hbm4b:s13+s2] =	stream.linear.scatter [tilespmem:s22], [sflag:$0x3], $0x1000, $0x38;
	[tilespmem:$0xC000] =	vst v63  }
0x21e: {  	_ =	swait.ge [sflag:s19], $0x1000  }
0x21f: {  	[sflag:s19] =	ssyncset.done $0x0  }
0x220: {  	s0 =	simm.s32 $0x5040;
	[sflag:s19] =	ssyncadd.s32 $0xFFFFF000  }
0x221: {  	v3 =	vld [tilespmem:s0+$0xFFFFFFC0]  }
0x222: {  	v4 =	vld [tilespmem:s0+$0xFFFFFFD0]  }
0x223: {  	v5 =	vld [tilespmem:s0+$0xFFFFFFE0]  }
0x224: {  	v2 =	vld [tilespmem:s0+$0x0]  }
0x225: {  	v1 =	vld [tilespmem:s0+$0x10]  }
0x226: {  	v6 =	vadd.s32 $0x80, v3;
	v3 =	vld [tilespmem:s0+$0x20]  }
0x227: {  	[tilespmem:s0+$0xFFFFFFC0] =	vst v6;
	v6 =	vadd.s32 $0x80, v4;
	v4 =	vld [tilespmem:s0+$0x30]  }
0x228: {  	s1 =	simm.s32 $0x0;
	s4 =	simm.s32 $0x50C0;
	[tilespmem:s0+$0xFFFFFFD0] =	vst v6;
	v6 =	vadd.s32 $0x80, v5;
	v5 =	vld [tilespmem:s0+$0xFFFFFFF0]  }
.LBB2_18:
0x229: {  	v7 =	vld [tilespmem:s4+$0xFFFFFFC0];
	[tilespmem:s0+$0xFFFFFFE0] =	vst v6;
	v2 =	vadd.s32 $0x80, v2  }
0x22a: {  	s1 =	sadd.s32 $0x8, s1;
	v6 =	vld [tilespmem:s4+$0xFFFFFFD0];
	[tilespmem:s0+$0x0] =	vst v2;
	v1 =	vadd.s32 $0x80, v1  }
0x22b: {  	p0 =	slt.u32 s1, $0x4F8;
	v8 =	vld [tilespmem:s4+$0xFFFFFFE0];
	[tilespmem:s0+$0x10] =	vst v1;
	v1 =	vadd.s32 $0x80, v3  }
.Ltmp8:
0x22c: {  	v2 =	vld [tilespmem:s4+$0x0];
	[tilespmem:s0+$0x20] =	vst v1;
	v3 =	vadd.s32 $0x80, v4;
	(pc) =	sbr.rel @p0 .LBB2_18-.Ltmp8, $4  }
0x22d: {  	v1 =	vld [tilespmem:s4+$0x10];
	v4 =	vadd.s32 $0x80, v5;
	[tilespmem:s0+$0x30] =	vst v3  }
0x22e: {  	v5 =	vadd.s32 $0x80, v7;
	v3 =	vld [tilespmem:s4+$0x20];
	[tilespmem:s0+$0xFFFFFFF0] =	vst v4;
	s0 =	smov.u32 s4  }
0x22f: {  	[tilespmem:s4+$0xFFFFFFC0] =	vst v5;
	v5 =	vadd.s32 $0x80, v6;
	v4 =	vld [tilespmem:s4+$0x30]  }
0x230: {  	s4 =	sadd.s32 $0x80, s4;
	[tilespmem:s0+$0xFFFFFFD0] =	vst v5;
	v6 =	vadd.s32 $0x80, v8;
	v5 =	vld [tilespmem:s0+$0xFFFFFFF0]  }
0x231: {  	[tilespmem:s0+$0xFFFFFFE0] =	vst v6;
	v2 =	vadd.s32 $0x80, v2  }
0x232: {  	[tilespmem:s0+$0x0] =	vst v2;
	v1 =	vadd.s32 $0x80, v1  }
0x233: {  	[tilespmem:s0+$0x10] =	vst v1;
	v1 =	vadd.s32 $0x80, v3  }
0x234: {  	[tilespmem:s0+$0x20] =	vst v1;
	v1 =	vadd.s32 $0x80, v4  }
0x235: {  	v2 =	vadd.s32 $0x80, v5;
	[tilespmem:s0+$0x30] =	vst v1  }
0x236: {  	[tilespmem:s0+$0xFFFFFFF0] =	vst v2  }
0x237: {  	[tilespmem:s22], [sflag:$0x1] =	stream.indirect.gather [hbm4b:s3+s20], $0x1, s21, s20, $0xb8;
	[tilespmem:$0xC000] =	vst v63  }
0x238: {  	_ = 	snop  }
0x239: {  	[tilespmem:s24], [sflag:$0x2] =	stream.indirect.gather [hbm4b:s3+s20], $0x1, s23, s20, $0xb8;
	[tilespmem:$0xC000] =	vst v63  }
0x23a: {  	_ =	swait.ge [sflag:s25], $0x1000  }
0x23b: {  	[sflag:s25] =	ssyncset.done $0x0  }
0x23c: {  	[sflag:s25] =	ssyncadd.s32 $0xFFFFF000  }
0x23d: {  	[hbm4b:s14+s2] =	stream.linear.scatter [tilespmem:s22], [sflag:$0x3], $0x1000, $0x38;
	[tilespmem:$0xC000] =	vst v63  }
0x23e: {  	_ =	swait.ge [sflag:s19], $0x1000  }
0x23f: {  	[sflag:s19] =	ssyncset.done $0x0  }
0x240: {  	[sflag:s19] =	ssyncadd.s32 $0xFFFFF000  }
0x241: {  	[tilespmem:s22], [sflag:$0x1] =	stream.indirect.gather [hbm4b:s3+s20], $0x1, s26, s20, $0xb8;
	[tilespmem:$0xC000] =	vst v63  }
0x242: {  	_ =	swait.ge [sflag:s28], $0x1000  }
0x243: {  	[sflag:s28] =	ssyncset.done $0x0  }
0x244: {  	[sflag:s28] =	ssyncadd.s32 $0xFFFFF000  }
0x245: {  	[hbm4b:s15+s2] =	stream.linear.scatter [tilespmem:s24], [sflag:$0x3], $0x1000, $0x38;
	[tilespmem:$0xC000] =	vst v63  }
0x246: {  	_ =	swait.ge [sflag:s19], $0x1000  }
0x247: {  	[sflag:s19] =	ssyncset.done $0x0  }
0x248: {  	[sflag:s19] =	ssyncadd.s32 $0xFFFFF000  }
0x249: {  	[tilespmem:s24], [sflag:$0x2] =	stream.indirect.gather [hbm4b:s3+s20], $0x1, s29, s20, $0xb8;
	[tilespmem:$0xC000] =	vst v63  }
0x24a: {  	_ =	swait.ge [sflag:s25], $0x1000  }
0x24b: {  	[sflag:s25] =	ssyncset.done $0x0  }
0x24c: {  	[sflag:s25] =	ssyncadd.s32 $0xFFFFF000  }
0x24d: {  	[hbm4b:s16+s2] =	stream.linear.scatter [tilespmem:s22], [sflag:$0x3], $0x1000, $0x38;
	[tilespmem:$0xC000] =	vst v63  }
0x24e: {  	_ =	swait.ge [sflag:s19], $0x1000  }
0x24f: {  	[sflag:s19] =	ssyncset.done $0x0  }
0x250: {  	[sflag:s19] =	ssyncadd.s32 $0xFFFFF000  }
0x251: {  	[tilespmem:s22], [sflag:$0x1] =	stream.indirect.gather [hbm4b:s3+s20], $0x1, s30, s20, $0xb8;
	[tilespmem:$0xC000] =	vst v63  }
0x252: {  	_ =	swait.ge [sflag:s28], $0x1000  }
0x253: {  	[sflag:s28] =	ssyncset.done $0x0  }
0x254: {  	[sflag:s28] =	ssyncadd.s32 $0xFFFFF000  }
0x255: {  	[hbm4b:s17+s2] =	stream.linear.scatter [tilespmem:s24], [sflag:$0x3], $0x1000, $0x38;
	[tilespmem:$0xC000] =	vst v63  }
0x256: {  	_ =	swait.ge [sflag:s19], $0x1000  }
0x257: {  	[sflag:s19] =	ssyncset.done $0x0  }
0x258: {  	[sflag:s19] =	ssyncadd.s32 $0xFFFFF000  }
0x259: {  	_ =	swait.ge [sflag:s25], $0x1000  }
0x25a: {  	[sflag:s25] =	ssyncset.done $0x0  }
0x25b: {  	[sflag:s25] =	ssyncadd.s32 $0xFFFFF000  }
0x25c: {  	[hbm4b:s18+s2] =	stream.linear.scatter [tilespmem:s22], [sflag:$0x3], $0x1000, $0x38;
	[tilespmem:$0xC000] =	vst v63  }
0x25d: {  	_ =	swait.ge [sflag:s19], $0x1000  }
0x25e: {  	s31 =	sadd.s32 $0x1, s31;
	s7 =	rddreg [dreg:$0x15]  }
0x25f: {  	p0 =	sne.s32 s31, s7  }
.Ltmp9:
0x260: {  	_ = 	snop;
	(pc) =	sbr.rel @p0 .LBB2_1-.Ltmp9, $3  }
0x261: {  	_ =	sdelay $0x1  }
0x262: {  	[sflag:s19] =	ssyncset.done $0x0  }
0x263: {  	[sflag:s19] =	ssyncadd.s32 $0xFFFFF000  }
0x264: {  	_ =	sfence.sel $0x180000  }
0x265: {  	[bflag:$0x0] =	sbarrier.arrive $0xFFFF  }
0x266: {  	_ =	strace $0x90000047  }
0x267: {  	s0 =	stileid.u32;
	[bflag:$0x2] =	sbarrier.arrive $0xFFFF  }
0x268: {  	p0 =	sne.s32 s0, $0x0;
	s0 =	rddreg [dreg:$0x2]  }
0x269: {  	s0 =	sadd.s32 @!p0 $0x100000, s0  }
0x26a: {  	[sflag:s0] =	ssyncadd.tile.s32 @!p0 $0x1;
	_ =	shalt  }
.Lfunc_end2:
_tile_overlayer_lowered:
.L_overlay_start_2:
0x26b: {  	(tag) =	ssettag $0x2  }
0x26c: {  	s0 =	rddreg [dreg:$0x0];
	s2 =	stileid.u32  }
0x26d: {  	s1 =	rddreg [dreg:$0x1];
	p0 =	sne.s32 s2, $0x0  }
0x26e: {  	s3 =	rddreg [dreg:$0x2];
	[bflag:$0x3] =	sbarrier.arrive $0xFFFF;
	s2 =	simm.s32 @!p0 $0x1C03  }
0x26f: {  	[timem:s3], [sflag:s2] =	dma.local @!p0 [hbm:s0], s1  }
0x270: {  	s0 =	simm.s32 @!p0 $0x3  }
0x271: {  	_ =	swait.ge @!p0 [sflag:s0], s1  }
0x272: {  	s1 =	ssub.s32 @!p0 $0x0, s1;
	[sflag:s0] =	ssyncset.done @!p0 $0x0  }
0x273: {  	[sflag:s0] =	ssyncadd.s32 @!p0 s1  }
0x274: {  	[bflag:$0x3] =	sbarrier.arrive $0xFFFF  }
0x275: {  	_ =	shalt  }

</sc_bundles>
